<compile_context>
chip_gen: v7x
topology: tpu7x:2x2x1
jax: 0.10.2.dev20260603
libtpu: 0.0.44.dev20260713+nightly
codegen_flags: <defaults>
</compile_context>

<pallas_src>
import functools

import numpy as np

import jax
import jax.numpy as jnp
from jax import lax
from jax.experimental import pallas as pl
from jax.experimental.pallas import tpu as pltpu
from jax.experimental.pallas import tpu_sc as plsc

VOCAB = 100000
D = 1024
OUT_DIM = 256
B = 4096
L = 16

NC = 2
NS = 16
LANES = 16
NW = NC * NS
NBUF = 4
BLK = 16
NCH = 1
NB = B // NCH


def _sc_bag(indices, base_emb, nb):
    seg_per_w = nb // NW
    nblk = seg_per_w // BLK
    mesh = plsc.VectorSubcoreMesh(core_axis_name="c", subcore_axis_name="s")

    @functools.partial(
        pl.kernel,
        mesh=mesh,
        out_type=jax.ShapeDtypeStruct((nb, D), jnp.float32),
        scratch_types=[
            pltpu.VMEM((seg_per_w * L,), jnp.int32),
            [pltpu.VMEM((L, D), jnp.float32)] * NBUF,
            pltpu.VMEM((BLK, D), jnp.float32),
            [pltpu.SemaphoreType.DMA] * NBUF,
        ],
    )
    def bag(idx_hbm, emb_hbm, out_hbm, idx_v, rows, outst, sems):
        c = lax.axis_index("c")
        s = lax.axis_index("s")
        wid = c * NS + s
        pltpu.sync_copy(idx_hbm.at[pl.ds(wid * (seg_per_w * L), seg_per_w * L)],
                        idx_v)

        def fire(k, chunk):
            pltpu.async_copy(
                emb_hbm.at[idx_v.at[pl.ds(chunk * L, L)]], rows[k], sems[k])

        def consume(k, out_base, nxt):
            pltpu.make_async_copy(emb_hbm.at[pl.ds(0, L)], rows[k], sems[k]).wait()

            @plsc.parallel_loop(0, D // LANES, unroll=8)
            def inner(cc):
                col = pl.multiple_of(cc * LANES, LANES)
                t = [rows[k][r, pl.ds(col, LANES)] for r in range(L)]
                while len(t) > 1:
                    t = [t[q] + t[q + 1] for q in range(0, len(t), 2)]
                outst[out_base, pl.ds(col, LANES)] = t[0] * jnp.float32(1.0 / L)

            fire(k, nxt)

        for k in range(NBUF):
            fire(k, k)

        def block(b, carry):
            def rstep(jj, carry2):
                base_chunk = b * (BLK // NBUF) + jj
                c0 = base_chunk * NBUF
                for k in range(NBUF):
                    consume(k, NBUF * jj + k,
                            jnp.minimum(c0 + NBUF + k, seg_per_w - 1))
                return carry2

            lax.fori_loop(0, BLK // NBUF, rstep, 0)
            pltpu.sync_copy(outst,
                            out_hbm.at[pl.ds(wid * seg_per_w + b * BLK, BLK)])
            return carry

        lax.fori_loop(0, nblk, block, 0)
        for k in range(NBUF):
            pltpu.make_async_copy(emb_hbm.at[pl.ds(0, L)], rows[k], sems[k]).wait()

    return bag(indices, base_emb)


BM = 1024


def _mlp_body(x_ref, wmid_ref, bmid_ref, mask_ref, wout_ref, bout_ref, o_ref):
    h = lax.dot_general(x_ref[...].astype(jnp.bfloat16), wmid_ref[...],
                        (((1,), (1,)), ((), ())),
                        preferred_element_type=jnp.float32)
    h = h + bmid_ref[...]
    h = jnp.where(mask_ref[...] != 0, h * jnp.float32(1.25), jnp.float32(0.0))
    h = jnp.where(h >= 0, h, jnp.float32(0.01) * h)
    o_ref[...] = lax.dot_general(h.astype(jnp.bfloat16), wout_ref[...],
                                 (((1,), (1,)), ((), ())),
                                 preferred_element_type=jnp.float32) + bout_ref[...]


def _mlp(x, W_mid, b_mid, mask, W_out, b_out):
    return pl.pallas_call(
        _mlp_body,
        grid=(NB // BM,),
        in_specs=[
            pl.BlockSpec((BM, D), lambda i: (i, 0)),
            pl.BlockSpec((D, D), lambda i: (0, 0)),
            pl.BlockSpec((1, D), lambda i: (0, 0)),
            pl.BlockSpec((BM, D), lambda i: (i, 0)),
            pl.BlockSpec((OUT_DIM, D), lambda i: (0, 0)),
            pl.BlockSpec((1, OUT_DIM), lambda i: (0, 0)),
        ],
        out_specs=pl.BlockSpec((BM, OUT_DIM), lambda i: (i, 0)),
        out_shape=jax.ShapeDtypeStruct((NB, OUT_DIM), jnp.float32),
    )(x, W_mid, b_mid.reshape(1, D), mask, W_out, b_out.reshape(1, OUT_DIM))


with jax.default_device(jax.local_devices(backend="cpu")[0]):
    _MASK = np.asarray(
        jax.random.uniform(jax.random.key(42), (B, D)) >= 0.2).astype(np.uint8)


def kernel(indices, offsets, values, node_weights, base_emb, W_mid, b_mid, W_out, b_out):
    bmid2 = b_mid.reshape(1, D)
    bout2 = b_out.reshape(1, OUT_DIM)
    outs = []
    for ch in range(NCH):
        idx_ch = lax.slice_in_dim(indices, ch * NB * L, (ch + 1) * NB * L)
        x = _sc_bag(idx_ch, base_emb, NB)
        mask_ch = _MASK[ch * NB:(ch + 1) * NB]
        outs.append(_mlp(x, W_mid.astype(jnp.bfloat16), bmid2, mask_ch,
                         W_out.astype(jnp.bfloat16), bout2))
    out = outs[0] if NCH == 1 else jnp.concatenate(outs, axis=0)
    return out

# --- scband reference (transcript-rebuilt; emitter-appended) ---
"""Pipeline reference for scband-grav-learn-model-876173328951 (READ-ONLY COPY).

The authoritative reference and input builder live on the scoring server;
editing this copy changes nothing except your own understanding.
"""

import jax, jax.numpy as jnp
import numpy as np

VOCAB = 100000
BASE_DIM = 1024
OUT_DIM = 256
B = 4096
L = 16
NNZ = B * L


def setup_inputs(seed: int = 0) -> dict:
    key = jax.random.key(seed)
    ks = jax.random.split(key, 6)
    indices = jax.random.randint(ks[0], (NNZ,), 0, VOCAB, dtype=jnp.int32)
    offsets = (jnp.arange(B + 1) * L).astype(jnp.int32)
    values = jnp.ones((NNZ,), dtype=jnp.float32)
    node_weights = jnp.ones((VOCAB,), dtype=jnp.float32)
    base_emb = jax.random.normal(ks[1], (VOCAB, BASE_DIM), dtype=jnp.float32)
    W_mid = jax.random.normal(ks[2], (BASE_DIM, BASE_DIM), dtype=jnp.float32) * 0.02
    b_mid = jnp.zeros((BASE_DIM,), dtype=jnp.float32)
    W_out = jax.random.normal(ks[3], (OUT_DIM, BASE_DIM), dtype=jnp.float32) * 0.02
    b_out = jnp.zeros((OUT_DIM,), dtype=jnp.float32)
    return {"indices": indices, "offsets": offsets, "values": values,
            "node_weights": node_weights, "base_emb": base_emb,
            "W_mid": W_mid, "b_mid": b_mid, "W_out": W_out, "b_out": b_out}


def _dropout_mask(shape, p=0.2):
    k = jax.random.key(42)
    return (jax.random.uniform(k, shape) >= p).astype(jnp.float32) / (1.0 - p)


def reference(indices, offsets, values, node_weights, base_emb, W_mid, b_mid, W_out, b_out):
    nnz = indices.shape[0]
    nb = offsets.shape[0] - 1
    # CSR offsets -> per-nnz segment (row) ids, replicating EmbeddingBag(include_last_offset=True)
    seg = jnp.searchsorted(offsets, jnp.arange(nnz, dtype=offsets.dtype), side='right') - 1
    # A.data *= weights[A.indices]
    w = values * node_weights[indices]
    # row-normalize: diag(1/max(1e-15, rowsum)) @ A
    rowsum = jax.ops.segment_sum(w, seg, num_segments=nb)
    w = w / jnp.maximum(1e-15, rowsum)[seg]
    # EmbeddingBag(mode='sum', per_sample_weights=w)
    x = jax.ops.segment_sum(base_emb[indices] * w[:, None], seg, num_segments=nb)
    # middle_layer -> dropout(p=0.2) -> LeakyReLU(0.01) -> output_layer
    x = x @ W_mid.T + b_mid
    x = x * _dropout_mask(x.shape)
    x = jnp.where(x >= 0, x, 0.01 * x)
    x = x @ W_out.T + b_out
    return x

if __name__ == "__main__":
    import jax
    _d = setup_inputs()
    print(jax.jit(kernel)(*tuple(_d.values())))

</pallas_src>

<mosaic_0001>
#map = affine_map<(d0, d1) -> (0)>
#map1 = affine_map<(d0, d1) -> (0, 0)>
module attributes {stable_mosaic.version = 14 : i64} {
  func.func @bag(%arg0: i32, %arg1: i32, %arg2: memref<65536xi32, #tpu.memory_space<hbm>>, %arg3: memref<100000x1024xf32, #tpu.memory_space<hbm>>, %arg4: memref<4096x1024xf32, #tpu.memory_space<hbm>>, %arg5: memref<2048xi32, #tpu.memory_space<vmem>>, %arg6: memref<16x1024xf32, #tpu.memory_space<vmem>>, %arg7: memref<16x1024xf32, #tpu.memory_space<vmem>>, %arg8: memref<16x1024xf32, #tpu.memory_space<vmem>>, %arg9: memref<16x1024xf32, #tpu.memory_space<vmem>>, %arg10: memref<16x1024xf32, #tpu.memory_space<vmem>>, %arg11: memref<!tpu.dma_semaphore, #tpu.memory_space<semaphore_mem>>, %arg12: memref<!tpu.dma_semaphore, #tpu.memory_space<semaphore_mem>>, %arg13: memref<!tpu.dma_semaphore, #tpu.memory_space<semaphore_mem>>, %arg14: memref<!tpu.dma_semaphore, #tpu.memory_space<semaphore_mem>>) attributes {dimension_semantics = [#tpu.dimension_semantics<core_parallel>, #tpu.dimension_semantics<subcore_parallel>], iteration_bounds = array<i64: 2, 16>, scalar_prefetch = 0 : i64, scratch_operands = 10 : i64, tpu.core_type = #tpu.core_type<sc_vector_subcore>, window_params = [{transform_indices = #map}, {transform_indices = #map1}, {transform_indices = #map1}]} {
    %mul3A = arith.constant 16 : i32
    %mul3A_0 = arith.muli %arg0, %mul3A : i32
    %add3A = arith.addi %mul3A_0, %arg1 : i32
    %mul3A_1 = arith.constant 2048 : i32
    %mul3A_2 = arith.muli %add3A, %mul3A_1 : i32
    "tpu.region"() ({
      %run_scoped3A = tpu.sem_alloc : memref<!tpu.dma_semaphore, #tpu.memory_space<semaphore_mem>>
      %dma_start3A_50 = tpu.memref_slice %arg2[%mul3A_2] : memref<65536xi32, #tpu.memory_space<hbm>> -> memref<2048xi32, #tpu.memory_space<hbm>>
      %dma_start3A_51 = tpu.memref_slice %arg2[%mul3A_2] : memref<65536xi32, #tpu.memory_space<hbm>> -> memref<2048xi32, #tpu.memory_space<hbm>>
      tpu.enqueue_dma source(%dma_start3A_51 : memref<2048xi32, #tpu.memory_space<hbm>>) target(%arg5 : memref<2048xi32, #tpu.memory_space<vmem>>) target_semaphore(%run_scoped3A : memref<!tpu.dma_semaphore, #tpu.memory_space<semaphore_mem>>)
      %dma_wait3A_52 = tpu.memref_slice %arg2[%mul3A_2] : memref<65536xi32, #tpu.memory_space<hbm>> -> memref<2048xi32, #tpu.memory_space<hbm>>
      %dma_wait3A_53 = tpu.memref_slice %arg2[%mul3A_2] : memref<65536xi32, #tpu.memory_space<hbm>> -> memref<2048xi32, #tpu.memory_space<hbm>>
      tpu.wait_dma2 semaphore(%run_scoped3A : memref<!tpu.dma_semaphore, #tpu.memory_space<semaphore_mem>>) src(%dma_wait3A_53 : memref<2048xi32, #tpu.memory_space<hbm>>) dst(%arg5 : memref<2048xi32, #tpu.memory_space<vmem>>)
      tpu.yield
    }) : () -> ()
    %dma_start3A = arith.constant 0 : i32
    %dma_start3A_3 = tpu.memref_slice %arg5[%dma_start3A] : memref<2048xi32, #tpu.memory_space<vmem>> -> memref<16xi32, #tpu.memory_space<vmem>>
    %dma_start3A_4 = arith.constant 0 : i32
    %dma_start3A_5 = arith.constant 0 : i32
    %dma_start3A_6 = tpu.memref_slice %arg3[%dma_start3A_4, %dma_start3A_5] : memref<100000x1024xf32, #tpu.memory_space<hbm>> -> memref<100000x1024xf32, #tpu.memory_space<hbm>>
    tpu.enqueue_indirect_dma source(%dma_start3A_6 : memref<100000x1024xf32, #tpu.memory_space<hbm>>) target(%arg6 : memref<16x1024xf32, #tpu.memory_space<vmem>>) offsets(%dma_start3A_3 : memref<16xi32, #tpu.memory_space<vmem>>) semaphore(%arg11 : memref<!tpu.dma_semaphore, #tpu.memory_space<semaphore_mem>>)
    %dma_start3A_7 = arith.constant 16 : i32
    %dma_start3A_8 = tpu.memref_slice %arg5[%dma_start3A_7] : memref<2048xi32, #tpu.memory_space<vmem>> -> memref<16xi32, #tpu.memory_space<vmem>>
    %dma_start3A_9 = arith.constant 0 : i32
    %dma_start3A_10 = arith.constant 0 : i32
    %dma_start3A_11 = tpu.memref_slice %arg3[%dma_start3A_9, %dma_start3A_10] : memref<100000x1024xf32, #tpu.memory_space<hbm>> -> memref<100000x1024xf32, #tpu.memory_space<hbm>>
    tpu.enqueue_indirect_dma source(%dma_start3A_11 : memref<100000x1024xf32, #tpu.memory_space<hbm>>) target(%arg7 : memref<16x1024xf32, #tpu.memory_space<vmem>>) offsets(%dma_start3A_8 : memref<16xi32, #tpu.memory_space<vmem>>) semaphore(%arg12 : memref<!tpu.dma_semaphore, #tpu.memory_space<semaphore_mem>>)
    %dma_start3A_12 = arith.constant 32 : i32
    %dma_start3A_13 = tpu.memref_slice %arg5[%dma_start3A_12] : memref<2048xi32, #tpu.memory_space<vmem>> -> memref<16xi32, #tpu.memory_space<vmem>>
    %dma_start3A_14 = arith.constant 0 : i32
    %dma_start3A_15 = arith.constant 0 : i32
    %dma_start3A_16 = tpu.memref_slice %arg3[%dma_start3A_14, %dma_start3A_15] : memref<100000x1024xf32, #tpu.memory_space<hbm>> -> memref<100000x1024xf32, #tpu.memory_space<hbm>>
    tpu.enqueue_indirect_dma source(%dma_start3A_16 : memref<100000x1024xf32, #tpu.memory_space<hbm>>) target(%arg8 : memref<16x1024xf32, #tpu.memory_space<vmem>>) offsets(%dma_start3A_13 : memref<16xi32, #tpu.memory_space<vmem>>) semaphore(%arg13 : memref<!tpu.dma_semaphore, #tpu.memory_space<semaphore_mem>>)
    %dma_start3A_17 = arith.constant 48 : i32
    %dma_start3A_18 = tpu.memref_slice %arg5[%dma_start3A_17] : memref<2048xi32, #tpu.memory_space<vmem>> -> memref<16xi32, #tpu.memory_space<vmem>>
    %dma_start3A_19 = arith.constant 0 : i32
    %dma_start3A_20 = arith.constant 0 : i32
    %dma_start3A_21 = tpu.memref_slice %arg3[%dma_start3A_19, %dma_start3A_20] : memref<100000x1024xf32, #tpu.memory_space<hbm>> -> memref<100000x1024xf32, #tpu.memory_space<hbm>>
    tpu.enqueue_indirect_dma source(%dma_start3A_21 : memref<100000x1024xf32, #tpu.memory_space<hbm>>) target(%arg9 : memref<16x1024xf32, #tpu.memory_space<vmem>>) offsets(%dma_start3A_18 : memref<16xi32, #tpu.memory_space<vmem>>) semaphore(%arg14 : memref<!tpu.dma_semaphore, #tpu.memory_space<semaphore_mem>>)
    %scan3A = arith.constant 0 : i32
    %scan3A_22 = arith.constant 0 : i32
    %scan3A_23 = arith.constant 8 : i32
    %scan3A_24 = arith.addi %scan3A_22, %scan3A_23 : i32
    %scan3A_25 = arith.constant 1 : i32
    scf.for %scan3A_50 = %scan3A_22 to %scan3A_24 step %scan3A_25  : i32 {
      %scan3A_51 = arith.constant 0 : i32
      %scan3A_52 = arith.constant 0 : i32
      %scan3A_53 = arith.constant 4 : i32
      %scan3A_54 = arith.addi %scan3A_52, %scan3A_53 : i32
      %scan3A_55 = arith.constant 1 : i32
      scf.for %scan3A_62 = %scan3A_52 to %scan3A_54 step %scan3A_55  : i32 {
        %mul3A_63 = arith.constant 4 : i32
        %mul3A_64 = arith.muli %scan3A_50, %mul3A_63 : i32
        %add3A_65 = arith.addi %mul3A_64, %scan3A_62 : i32
        %mul3A_66 = arith.constant 4 : i32
        %mul3A_67 = arith.muli %add3A_65, %mul3A_66 : i32
        %mul3A_68 = arith.constant 4 : i32
        %mul3A_69 = arith.muli %mul3A_68, %scan3A_62 : i32
        %add3A_70 = arith.constant 0 : i32
        %add3A_71 = arith.addi %mul3A_69, %add3A_70 : i32
        %add3A_72 = arith.constant 4 : i32
        %add3A_73 = arith.addi %mul3A_67, %add3A_72 : i32
        %add3A_74 = arith.constant 0 : i32
        %add3A_75 = arith.addi %add3A_73, %add3A_74 : i32
        %min3A = arith.constant 127 : i32
        %min3A_76 = arith.minsi %add3A_75, %min3A : i32
        %dma_wait3A_77 = arith.constant 0 : i32
        %dma_wait3A_78 = arith.constant 0 : i32
        %dma_wait3A_79 = tpu.memref_slice %arg3[%dma_wait3A_77, %dma_wait3A_78] : memref<100000x1024xf32, #tpu.memory_space<hbm>> -> memref<16x1024xf32, #tpu.memory_space<hbm>>
        %dma_wait3A_80 = arith.constant 0 : i32
        %dma_wait3A_81 = arith.constant 0 : i32
        %dma_wait3A_82 = tpu.memref_slice %arg3[%dma_wait3A_80, %dma_wait3A_81] : memref<100000x1024xf32, #tpu.memory_space<hbm>> -> memref<16x1024xf32, #tpu.memory_space<hbm>>
        tpu.wait_dma2 semaphore(%arg11 : memref<!tpu.dma_semaphore, #tpu.memory_space<semaphore_mem>>) src(%dma_wait3A_82 : memref<16x1024xf32, #tpu.memory_space<hbm>>) dst(%arg6 : memref<16x1024xf32, #tpu.memory_space<vmem>>)
        %parallel_loop3A = arith.constant 0 : i32
        %parallel_loop3A_83 = arith.constant 64 : i32
        %parallel_loop3A_84 = arith.constant 1 : i32
        scf.for %parallel_loop3A_166 = %parallel_loop3A to %parallel_loop3A_83 step %parallel_loop3A_84  : i32 {
          %parallel_loop3A_167 = arith.constant 16 : i32
          %parallel_loop3A_168 = arith.muli %parallel_loop3A_166, %parallel_loop3A_167 : i32
          %parallel_loop3A_169 = tpu.assume_multiple %parallel_loop3A_168, 16 : i32
          %parallel_loop3A_170 = arith.constant 0 : i32
          %parallel_loop3A_171 = arith.index_cast %parallel_loop3A_170 : i32 to index
          %parallel_loop3A_172 = arith.index_cast %parallel_loop3A_169 : i32 to index
          %parallel_loop3A_173 = tpu.vector_load %arg6[%parallel_loop3A_171, %parallel_loop3A_172] {strides = array<i32>} : memref<16x1024xf32, #tpu.memory_space<vmem>>, vector<1x16xf32>,
          %parallel_loop3A_174 = vector.shape_cast %parallel_loop3A_173 : vector<1x16xf32> to vector<16xf32>
          %parallel_loop3A_175 = arith.constant 1 : i32
          %parallel_loop3A_176 = arith.index_cast %parallel_loop3A_175 : i32 to index
          %parallel_loop3A_177 = arith.index_cast %parallel_loop3A_169 : i32 to index
          %parallel_loop3A_178 = tpu.vector_load %arg6[%parallel_loop3A_176, %parallel_loop3A_177] {strides = array<i32>} : memref<16x1024xf32, #tpu.memory_space<vmem>>, vector<1x16xf32>,
          %parallel_loop3A_179 = vector.shape_cast %parallel_loop3A_178 : vector<1x16xf32> to vector<16xf32>
          %parallel_loop3A_180 = arith.constant 2 : i32
          %parallel_loop3A_181 = arith.index_cast %parallel_loop3A_180 : i32 to index
          %parallel_loop3A_182 = arith.index_cast %parallel_loop3A_169 : i32 to index
          %parallel_loop3A_183 = tpu.vector_load %arg6[%parallel_loop3A_181, %parallel_loop3A_182] {strides = array<i32>} : memref<16x1024xf32, #tpu.memory_space<vmem>>, vector<1x16xf32>,
          %parallel_loop3A_184 = vector.shape_cast %parallel_loop3A_183 : vector<1x16xf32> to vector<16xf32>
          %parallel_loop3A_185 = arith.constant 3 : i32
          %parallel_loop3A_186 = arith.index_cast %parallel_loop3A_185 : i32 to index
          %parallel_loop3A_187 = arith.index_cast %parallel_loop3A_169 : i32 to index
          %parallel_loop3A_188 = tpu.vector_load %arg6[%parallel_loop3A_186, %parallel_loop3A_187] {strides = array<i32>} : memref<16x1024xf32, #tpu.memory_space<vmem>>, vector<1x16xf32>,
          %parallel_loop3A_189 = vector.shape_cast %parallel_loop3A_188 : vector<1x16xf32> to vector<16xf32>
          %parallel_loop3A_190 = arith.constant 4 : i32
          %parallel_loop3A_191 = arith.index_cast %parallel_loop3A_190 : i32 to index
          %parallel_loop3A_192 = arith.index_cast %parallel_loop3A_169 : i32 to index
          %parallel_loop3A_193 = tpu.vector_load %arg6[%parallel_loop3A_191, %parallel_loop3A_192] {strides = array<i32>} : memref<16x1024xf32, #tpu.memory_space<vmem>>, vector<1x16xf32>,
          %parallel_loop3A_194 = vector.shape_cast %parallel_loop3A_193 : vector<1x16xf32> to vector<16xf32>
          %parallel_loop3A_195 = arith.constant 5 : i32
          %parallel_loop3A_196 = arith.index_cast %parallel_loop3A_195 : i32 to index
          %parallel_loop3A_197 = arith.index_cast %parallel_loop3A_169 : i32 to index
          %parallel_loop3A_198 = tpu.vector_load %arg6[%parallel_loop3A_196, %parallel_loop3A_197] {strides = array<i32>} : memref<16x1024xf32, #tpu.memory_space<vmem>>, vector<1x16xf32>,
          %parallel_loop3A_199 = vector.shape_cast %parallel_loop3A_198 : vector<1x16xf32> to vector<16xf32>
          %parallel_loop3A_200 = arith.constant 6 : i32
          %parallel_loop3A_201 = arith.index_cast %parallel_loop3A_200 : i32 to index
          %parallel_loop3A_202 = arith.index_cast %parallel_loop3A_169 : i32 to index
          %parallel_loop3A_203 = tpu.vector_load %arg6[%parallel_loop3A_201, %parallel_loop3A_202] {strides = array<i32>} : memref<16x1024xf32, #tpu.memory_space<vmem>>, vector<1x16xf32>,
          %parallel_loop3A_204 = vector.shape_cast %parallel_loop3A_203 : vector<1x16xf32> to vector<16xf32>
          %parallel_loop3A_205 = arith.constant 7 : i32
          %parallel_loop3A_206 = arith.index_cast %parallel_loop3A_205 : i32 to index
          %parallel_loop3A_207 = arith.index_cast %parallel_loop3A_169 : i32 to index
          %parallel_loop3A_208 = tpu.vector_load %arg6[%parallel_loop3A_206, %parallel_loop3A_207] {strides = array<i32>} : memref<16x1024xf32, #tpu.memory_space<vmem>>, vector<1x16xf32>,
          %parallel_loop3A_209 = vector.shape_cast %parallel_loop3A_208 : vector<1x16xf32> to vector<16xf32>
          %parallel_loop3A_210 = arith.constant 8 : i32
          %parallel_loop3A_211 = arith.index_cast %parallel_loop3A_210 : i32 to index
          %parallel_loop3A_212 = arith.index_cast %parallel_loop3A_169 : i32 to index
          %parallel_loop3A_213 = tpu.vector_load %arg6[%parallel_loop3A_211, %parallel_loop3A_212] {strides = array<i32>} : memref<16x1024xf32, #tpu.memory_space<vmem>>, vector<1x16xf32>,
          %parallel_loop3A_214 = vector.shape_cast %parallel_loop3A_213 : vector<1x16xf32> to vector<16xf32>
          %parallel_loop3A_215 = arith.constant 9 : i32
          %parallel_loop3A_216 = arith.index_cast %parallel_loop3A_215 : i32 to index
          %parallel_loop3A_217 = arith.index_cast %parallel_loop3A_169 : i32 to index
          %parallel_loop3A_218 = tpu.vector_load %arg6[%parallel_loop3A_216, %parallel_loop3A_217] {strides = array<i32>} : memref<16x1024xf32, #tpu.memory_space<vmem>>, vector<1x16xf32>,
          %parallel_loop3A_219 = vector.shape_cast %parallel_loop3A_218 : vector<1x16xf32> to vector<16xf32>
          %parallel_loop3A_220 = arith.constant 10 : i32
          %parallel_loop3A_221 = arith.index_cast %parallel_loop3A_220 : i32 to index
          %parallel_loop3A_222 = arith.index_cast %parallel_loop3A_169 : i32 to index
          %parallel_loop3A_223 = tpu.vector_load %arg6[%parallel_loop3A_221, %parallel_loop3A_222] {strides = array<i32>} : memref<16x1024xf32, #tpu.memory_space<vmem>>, vector<1x16xf32>,
          %parallel_loop3A_224 = vector.shape_cast %parallel_loop3A_223 : vector<1x16xf32> to vector<16xf32>
          %parallel_loop3A_225 = arith.constant 11 : i32
          %parallel_loop3A_226 = arith.index_cast %parallel_loop3A_225 : i32 to index
          %parallel_loop3A_227 = arith.index_cast %parallel_loop3A_169 : i32 to index
          %parallel_loop3A_228 = tpu.vector_load %arg6[%parallel_loop3A_226, %parallel_loop3A_227] {strides = array<i32>} : memref<16x1024xf32, #tpu.memory_space<vmem>>, vector<1x16xf32>,
          %parallel_loop3A_229 = vector.shape_cast %parallel_loop3A_228 : vector<1x16xf32> to vector<16xf32>
          %parallel_loop3A_230 = arith.constant 12 : i32
          %parallel_loop3A_231 = arith.index_cast %parallel_loop3A_230 : i32 to index
          %parallel_loop3A_232 = arith.index_cast %parallel_loop3A_169 : i32 to index
          %parallel_loop3A_233 = tpu.vector_load %arg6[%parallel_loop3A_231, %parallel_loop3A_232] {strides = array<i32>} : memref<16x1024xf32, #tpu.memory_space<vmem>>, vector<1x16xf32>,
          %parallel_loop3A_234 = vector.shape_cast %parallel_loop3A_233 : vector<1x16xf32> to vector<16xf32>
          %parallel_loop3A_235 = arith.constant 13 : i32
          %parallel_loop3A_236 = arith.index_cast %parallel_loop3A_235 : i32 to index
          %parallel_loop3A_237 = arith.index_cast %parallel_loop3A_169 : i32 to index
          %parallel_loop3A_238 = tpu.vector_load %arg6[%parallel_loop3A_236, %parallel_loop3A_237] {strides = array<i32>} : memref<16x1024xf32, #tpu.memory_space<vmem>>, vector<1x16xf32>,
          %parallel_loop3A_239 = vector.shape_cast %parallel_loop3A_238 : vector<1x16xf32> to vector<16xf32>
          %parallel_loop3A_240 = arith.constant 14 : i32
          %parallel_loop3A_241 = arith.index_cast %parallel_loop3A_240 : i32 to index
          %parallel_loop3A_242 = arith.index_cast %parallel_loop3A_169 : i32 to index
          %parallel_loop3A_243 = tpu.vector_load %arg6[%parallel_loop3A_241, %parallel_loop3A_242] {strides = array<i32>} : memref<16x1024xf32, #tpu.memory_space<vmem>>, vector<1x16xf32>,
          %parallel_loop3A_244 = vector.shape_cast %parallel_loop3A_243 : vector<1x16xf32> to vector<16xf32>
          %parallel_loop3A_245 = arith.constant 15 : i32
          %parallel_loop3A_246 = arith.index_cast %parallel_loop3A_245 : i32 to index
          %parallel_loop3A_247 = arith.index_cast %parallel_loop3A_169 : i32 to index
          %parallel_loop3A_248 = tpu.vector_load %arg6[%parallel_loop3A_246, %parallel_loop3A_247] {strides = array<i32>} : memref<16x1024xf32, #tpu.memory_space<vmem>>, vector<1x16xf32>,
          %parallel_loop3A_249 = vector.shape_cast %parallel_loop3A_248 : vector<1x16xf32> to vector<16xf32>
          %parallel_loop3A_250 = arith.addf %parallel_loop3A_174, %parallel_loop3A_179 : vector<16xf32>
          %parallel_loop3A_251 = arith.addf %parallel_loop3A_184, %parallel_loop3A_189 : vector<16xf32>
          %parallel_loop3A_252 = arith.addf %parallel_loop3A_194, %parallel_loop3A_199 : vector<16xf32>
          %parallel_loop3A_253 = arith.addf %parallel_loop3A_204, %parallel_loop3A_209 : vector<16xf32>
          %parallel_loop3A_254 = arith.addf %parallel_loop3A_214, %parallel_loop3A_219 : vector<16xf32>
          %parallel_loop3A_255 = arith.addf %parallel_loop3A_224, %parallel_loop3A_229 : vector<16xf32>
          %parallel_loop3A_256 = arith.addf %parallel_loop3A_234, %parallel_loop3A_239 : vector<16xf32>
          %parallel_loop3A_257 = arith.addf %parallel_loop3A_244, %parallel_loop3A_249 : vector<16xf32>
          %parallel_loop3A_258 = arith.addf %parallel_loop3A_250, %parallel_loop3A_251 : vector<16xf32>
          %parallel_loop3A_259 = arith.addf %parallel_loop3A_252, %parallel_loop3A_253 : vector<16xf32>
          %parallel_loop3A_260 = arith.addf %parallel_loop3A_254, %parallel_loop3A_255 : vector<16xf32>
          %parallel_loop3A_261 = arith.addf %parallel_loop3A_256, %parallel_loop3A_257 : vector<16xf32>
          %parallel_loop3A_262 = arith.addf %parallel_loop3A_258, %parallel_loop3A_259 : vector<16xf32>
          %parallel_loop3A_263 = arith.addf %parallel_loop3A_260, %parallel_loop3A_261 : vector<16xf32>
          %parallel_loop3A_264 = arith.addf %parallel_loop3A_262, %parallel_loop3A_263 : vector<16xf32>
          %parallel_loop3A_265 = arith.constant 6.250000e-02 : f32
          %parallel_loop3A_266 = vector.broadcast %parallel_loop3A_265 : f32 to vector<16xf32>
          %parallel_loop3A_267 = arith.mulf %parallel_loop3A_264, %parallel_loop3A_266 : vector<16xf32>
          %parallel_loop3A_268 = arith.index_cast %add3A_71 : i32 to index
          %parallel_loop3A_269 = arith.index_cast %parallel_loop3A_169 : i32 to index
          %parallel_loop3A_270 = tpu.vector_load %arg10[%parallel_loop3A_268, %parallel_loop3A_269] {strides = array<i32>} : memref<16x1024xf32, #tpu.memory_space<vmem>>, vector<1x16xf32>,
          %parallel_loop3A_271 = vector.shape_cast %parallel_loop3A_270 : vector<1x16xf32> to vector<16xf32>
          %parallel_loop3A_272 = vector.shape_cast %parallel_loop3A_267 : vector<16xf32> to vector<1x16xf32>
          tpu.vector_store %arg10[%parallel_loop3A_268, %parallel_loop3A_269], %parallel_loop3A_272 {strides = array<i32>} : memref<16x1024xf32, #tpu.memory_space<vmem>>, vector<1x16xf32>,
        } {sc.loop_unroll_factor = 8 : i64, sc.parallel_access}
        %mul3A_85 = arith.constant 16 : i32
        %mul3A_86 = arith.muli %min3A_76, %mul3A_85 : i32
        %dma_start3A_87 = tpu.memref_slice %arg5[%mul3A_86] : memref<2048xi32, #tpu.memory_space<vmem>> -> memref<16xi32, #tpu.memory_space<vmem>>
        %dma_start3A_88 = arith.constant 0 : i32
        %dma_start3A_89 = arith.constant 0 : i32
        %dma_start3A_90 = tpu.memref_slice %arg3[%dma_start3A_88, %dma_start3A_89] : memref<100000x1024xf32, #tpu.memory_space<hbm>> -> memref<100000x1024xf32, #tpu.memory_space<hbm>>
        tpu.enqueue_indirect_dma source(%dma_start3A_90 : memref<100000x1024xf32, #tpu.memory_space<hbm>>) target(%arg6 : memref<16x1024xf32, #tpu.memory_space<vmem>>) offsets(%dma_start3A_87 : memref<16xi32, #tpu.memory_space<vmem>>) semaphore(%arg11 : memref<!tpu.dma_semaphore, #tpu.memory_space<semaphore_mem>>)
        %mul3A_91 = arith.constant 4 : i32
        %mul3A_92 = arith.muli %mul3A_91, %scan3A_62 : i32
        %add3A_93 = arith.constant 1 : i32
        %add3A_94 = arith.addi %mul3A_92, %add3A_93 : i32
        %add3A_95 = arith.constant 4 : i32
        %add3A_96 = arith.addi %mul3A_67, %add3A_95 : i32
        %add3A_97 = arith.constant 1 : i32
        %add3A_98 = arith.addi %add3A_96, %add3A_97 : i32
        %min3A_99 = arith.constant 127 : i32
        %min3A_100 = arith.minsi %add3A_98, %min3A_99 : i32
        %dma_wait3A_101 = arith.constant 0 : i32
        %dma_wait3A_102 = arith.constant 0 : i32
        %dma_wait3A_103 = tpu.memref_slice %arg3[%dma_wait3A_101, %dma_wait3A_102] : memref<100000x1024xf32, #tpu.memory_space<hbm>> -> memref<16x1024xf32, #tpu.memory_space<hbm>>
        %dma_wait3A_104 = arith.constant 0 : i32
        %dma_wait3A_105 = arith.constant 0 : i32
        %dma_wait3A_106 = tpu.memref_slice %arg3[%dma_wait3A_104, %dma_wait3A_105] : memref<100000x1024xf32, #tpu.memory_space<hbm>> -> memref<16x1024xf32, #tpu.memory_space<hbm>>
        tpu.wait_dma2 semaphore(%arg12 : memref<!tpu.dma_semaphore, #tpu.memory_space<semaphore_mem>>) src(%dma_wait3A_106 : memref<16x1024xf32, #tpu.memory_space<hbm>>) dst(%arg7 : memref<16x1024xf32, #tpu.memory_space<vmem>>)
        %parallel_loop3A_107 = arith.constant 0 : i32
        %parallel_loop3A_108 = arith.constant 64 : i32
        %parallel_loop3A_109 = arith.constant 1 : i32
        scf.for %parallel_loop3A_166 = %parallel_loop3A_107 to %parallel_loop3A_108 step %parallel_loop3A_109  : i32 {
          %parallel_loop3A_167 = arith.constant 16 : i32
          %parallel_loop3A_168 = arith.muli %parallel_loop3A_166, %parallel_loop3A_167 : i32
          %parallel_loop3A_169 = tpu.assume_multiple %parallel_loop3A_168, 16 : i32
          %parallel_loop3A_170 = arith.constant 0 : i32
          %parallel_loop3A_171 = arith.index_cast %parallel_loop3A_170 : i32 to index
          %parallel_loop3A_172 = arith.index_cast %parallel_loop3A_169 : i32 to index
          %parallel_loop3A_173 = tpu.vector_load %arg7[%parallel_loop3A_171, %parallel_loop3A_172] {strides = array<i32>} : memref<16x1024xf32, #tpu.memory_space<vmem>>, vector<1x16xf32>,
          %parallel_loop3A_174 = vector.shape_cast %parallel_loop3A_173 : vector<1x16xf32> to vector<16xf32>
          %parallel_loop3A_175 = arith.constant 1 : i32
          %parallel_loop3A_176 = arith.index_cast %parallel_loop3A_175 : i32 to index
          %parallel_loop3A_177 = arith.index_cast %parallel_loop3A_169 : i32 to index
          %parallel_loop3A_178 = tpu.vector_load %arg7[%parallel_loop3A_176, %parallel_loop3A_177] {strides = array<i32>} : memref<16x1024xf32, #tpu.memory_space<vmem>>, vector<1x16xf32>,
          %parallel_loop3A_179 = vector.shape_cast %parallel_loop3A_178 : vector<1x16xf32> to vector<16xf32>
          %parallel_loop3A_180 = arith.constant 2 : i32
          %parallel_loop3A_181 = arith.index_cast %parallel_loop3A_180 : i32 to index
          %parallel_loop3A_182 = arith.index_cast %parallel_loop3A_169 : i32 to index
          %parallel_loop3A_183 = tpu.vector_load %arg7[%parallel_loop3A_181, %parallel_loop3A_182] {strides = array<i32>} : memref<16x1024xf32, #tpu.memory_space<vmem>>, vector<1x16xf32>,
          %parallel_loop3A_184 = vector.shape_cast %parallel_loop3A_183 : vector<1x16xf32> to vector<16xf32>
          %parallel_loop3A_185 = arith.constant 3 : i32
          %parallel_loop3A_186 = arith.index_cast %parallel_loop3A_185 : i32 to index
          %parallel_loop3A_187 = arith.index_cast %parallel_loop3A_169 : i32 to index
          %parallel_loop3A_188 = tpu.vector_load %arg7[%parallel_loop3A_186, %parallel_loop3A_187] {strides = array<i32>} : memref<16x1024xf32, #tpu.memory_space<vmem>>, vector<1x16xf32>,
          %parallel_loop3A_189 = vector.shape_cast %parallel_loop3A_188 : vector<1x16xf32> to vector<16xf32>
          %parallel_loop3A_190 = arith.constant 4 : i32
          %parallel_loop3A_191 = arith.index_cast %parallel_loop3A_190 : i32 to index
          %parallel_loop3A_192 = arith.index_cast %parallel_loop3A_169 : i32 to index
          %parallel_loop3A_193 = tpu.vector_load %arg7[%parallel_loop3A_191, %parallel_loop3A_192] {strides = array<i32>} : memref<16x1024xf32, #tpu.memory_space<vmem>>, vector<1x16xf32>,
          %parallel_loop3A_194 = vector.shape_cast %parallel_loop3A_193 : vector<1x16xf32> to vector<16xf32>
          %parallel_loop3A_195 = arith.constant 5 : i32
          %parallel_loop3A_196 = arith.index_cast %parallel_loop3A_195 : i32 to index
          %parallel_loop3A_197 = arith.index_cast %parallel_loop3A_169 : i32 to index
          %parallel_loop3A_198 = tpu.vector_load %arg7[%parallel_loop3A_196, %parallel_loop3A_197] {strides = array<i32>} : memref<16x1024xf32, #tpu.memory_space<vmem>>, vector<1x16xf32>,
          %parallel_loop3A_199 = vector.shape_cast %parallel_loop3A_198 : vector<1x16xf32> to vector<16xf32>
          %parallel_loop3A_200 = arith.constant 6 : i32
          %parallel_loop3A_201 = arith.index_cast %parallel_loop3A_200 : i32 to index
          %parallel_loop3A_202 = arith.index_cast %parallel_loop3A_169 : i32 to index
          %parallel_loop3A_203 = tpu.vector_load %arg7[%parallel_loop3A_201, %parallel_loop3A_202] {strides = array<i32>} : memref<16x1024xf32, #tpu.memory_space<vmem>>, vector<1x16xf32>,
          %parallel_loop3A_204 = vector.shape_cast %parallel_loop3A_203 : vector<1x16xf32> to vector<16xf32>
          %parallel_loop3A_205 = arith.constant 7 : i32
          %parallel_loop3A_206 = arith.index_cast %parallel_loop3A_205 : i32 to index
          %parallel_loop3A_207 = arith.index_cast %parallel_loop3A_169 : i32 to index
          %parallel_loop3A_208 = tpu.vector_load %arg7[%parallel_loop3A_206, %parallel_loop3A_207] {strides = array<i32>} : memref<16x1024xf32, #tpu.memory_space<vmem>>, vector<1x16xf32>,
          %parallel_loop3A_209 = vector.shape_cast %parallel_loop3A_208 : vector<1x16xf32> to vector<16xf32>
          %parallel_loop3A_210 = arith.constant 8 : i32
          %parallel_loop3A_211 = arith.index_cast %parallel_loop3A_210 : i32 to index
          %parallel_loop3A_212 = arith.index_cast %parallel_loop3A_169 : i32 to index
          %parallel_loop3A_213 = tpu.vector_load %arg7[%parallel_loop3A_211, %parallel_loop3A_212] {strides = array<i32>} : memref<16x1024xf32, #tpu.memory_space<vmem>>, vector<1x16xf32>,
          %parallel_loop3A_214 = vector.shape_cast %parallel_loop3A_213 : vector<1x16xf32> to vector<16xf32>
          %parallel_loop3A_215 = arith.constant 9 : i32
          %parallel_loop3A_216 = arith.index_cast %parallel_loop3A_215 : i32 to index
          %parallel_loop3A_217 = arith.index_cast %parallel_loop3A_169 : i32 to index
          %parallel_loop3A_218 = tpu.vector_load %arg7[%parallel_loop3A_216, %parallel_loop3A_217] {strides = array<i32>} : memref<16x1024xf32, #tpu.memory_space<vmem>>, vector<1x16xf32>,
          %parallel_loop3A_219 = vector.shape_cast %parallel_loop3A_218 : vector<1x16xf32> to vector<16xf32>
          %parallel_loop3A_220 = arith.constant 10 : i32
          %parallel_loop3A_221 = arith.index_cast %parallel_loop3A_220 : i32 to index
          %parallel_loop3A_222 = arith.index_cast %parallel_loop3A_169 : i32 to index
          %parallel_loop3A_223 = tpu.vector_load %arg7[%parallel_loop3A_221, %parallel_loop3A_222] {strides = array<i32>} : memref<16x1024xf32, #tpu.memory_space<vmem>>, vector<1x16xf32>,
          %parallel_loop3A_224 = vector.shape_cast %parallel_loop3A_223 : vector<1x16xf32> to vector<16xf32>
          %parallel_loop3A_225 = arith.constant 11 : i32
          %parallel_loop3A_226 = arith.index_cast %parallel_loop3A_225 : i32 to index
          %parallel_loop3A_227 = arith.index_cast %parallel_loop3A_169 : i32 to index
          %parallel_loop3A_228 = tpu.vector_load %arg7[%parallel_loop3A_226, %parallel_loop3A_227] {strides = array<i32>} : memref<16x1024xf32, #tpu.memory_space<vmem>>, vector<1x16xf32>,
          %parallel_loop3A_229 = vector.shape_cast %parallel_loop3A_228 : vector<1x16xf32> to vector<16xf32>
          %parallel_loop3A_230 = arith.constant 12 : i32
          %parallel_loop3A_231 = arith.index_cast %parallel_loop3A_230 : i32 to index
          %parallel_loop3A_232 = arith.index_cast %parallel_loop3A_169 : i32 to index
          %parallel_loop3A_233 = tpu.vector_load %arg7[%parallel_loop3A_231, %parallel_loop3A_232] {strides = array<i32>} : memref<16x1024xf32, #tpu.memory_space<vmem>>, vector<1x16xf32>,
          %parallel_loop3A_234 = vector.shape_cast %parallel_loop3A_233 : vector<1x16xf32> to vector<16xf32>
          %parallel_loop3A_235 = arith.constant 13 : i32
          %parallel_loop3A_236 = arith.index_cast %parallel_loop3A_235 : i32 to index
          %parallel_loop3A_237 = arith.index_cast %parallel_loop3A_169 : i32 to index
          %parallel_loop3A_238 = tpu.vector_load %arg7[%parallel_loop3A_236, %parallel_loop3A_237] {strides = array<i32>} : memref<16x1024xf32, #tpu.memory_space<vmem>>, vector<1x16xf32>,
          %parallel_loop3A_239 = vector.shape_cast %parallel_loop3A_238 : vector<1x16xf32> to vector<16xf32>
          %parallel_loop3A_240 = arith.constant 14 : i32
          %parallel_loop3A_241 = arith.index_cast %parallel_loop3A_240 : i32 to index
          %parallel_loop3A_242 = arith.index_cast %parallel_loop3A_169 : i32 to index
          %parallel_loop3A_243 = tpu.vector_load %arg7[%parallel_loop3A_241, %parallel_loop3A_242] {strides = array<i32>} : memref<16x1024xf32, #tpu.memory_space<vmem>>, vector<1x16xf32>,
          %parallel_loop3A_244 = vector.shape_cast %parallel_loop3A_243 : vector<1x16xf32> to vector<16xf32>
          %parallel_loop3A_245 = arith.constant 15 : i32
          %parallel_loop3A_246 = arith.index_cast %parallel_loop3A_245 : i32 to index
          %parallel_loop3A_247 = arith.index_cast %parallel_loop3A_169 : i32 to index
          %parallel_loop3A_248 = tpu.vector_load %arg7[%parallel_loop3A_246, %parallel_loop3A_247] {strides = array<i32>} : memref<16x1024xf32, #tpu.memory_space<vmem>>, vector<1x16xf32>,
          %parallel_loop3A_249 = vector.shape_cast %parallel_loop3A_248 : vector<1x16xf32> to vector<16xf32>
          %parallel_loop3A_250 = arith.addf %parallel_loop3A_174, %parallel_loop3A_179 : vector<16xf32>
          %parallel_loop3A_251 = arith.addf %parallel_loop3A_184, %parallel_loop3A_189 : vector<16xf32>
          %parallel_loop3A_252 = arith.addf %parallel_loop3A_194, %parallel_loop3A_199 : vector<16xf32>
          %parallel_loop3A_253 = arith.addf %parallel_loop3A_204, %parallel_loop3A_209 : vector<16xf32>
          %parallel_loop3A_254 = arith.addf %parallel_loop3A_214, %parallel_loop3A_219 : vector<16xf32>
          %parallel_loop3A_255 = arith.addf %parallel_loop3A_224, %parallel_loop3A_229 : vector<16xf32>
          %parallel_loop3A_256 = arith.addf %parallel_loop3A_234, %parallel_loop3A_239 : vector<16xf32>
          %parallel_loop3A_257 = arith.addf %parallel_loop3A_244, %parallel_loop3A_249 : vector<16xf32>
          %parallel_loop3A_258 = arith.addf %parallel_loop3A_250, %parallel_loop3A_251 : vector<16xf32>
          %parallel_loop3A_259 = arith.addf %parallel_loop3A_252, %parallel_loop3A_253 : vector<16xf32>
          %parallel_loop3A_260 = arith.addf %parallel_loop3A_254, %parallel_loop3A_255 : vector<16xf32>
          %parallel_loop3A_261 = arith.addf %parallel_loop3A_256, %parallel_loop3A_257 : vector<16xf32>
          %parallel_loop3A_262 = arith.addf %parallel_loop3A_258, %parallel_loop3A_259 : vector<16xf32>
          %parallel_loop3A_263 = arith.addf %parallel_loop3A_260, %parallel_loop3A_261 : vector<16xf32>
          %parallel_loop3A_264 = arith.addf %parallel_loop3A_262, %parallel_loop3A_263 : vector<16xf32>
          %parallel_loop3A_265 = arith.constant 6.250000e-02 : f32
          %parallel_loop3A_266 = vector.broadcast %parallel_loop3A_265 : f32 to vector<16xf32>
          %parallel_loop3A_267 = arith.mulf %parallel_loop3A_264, %parallel_loop3A_266 : vector<16xf32>
          %parallel_loop3A_268 = arith.index_cast %add3A_94 : i32 to index
          %parallel_loop3A_269 = arith.index_cast %parallel_loop3A_169 : i32 to index
          %parallel_loop3A_270 = tpu.vector_load %arg10[%parallel_loop3A_268, %parallel_loop3A_269] {strides = array<i32>} : memref<16x1024xf32, #tpu.memory_space<vmem>>, vector<1x16xf32>,
          %parallel_loop3A_271 = vector.shape_cast %parallel_loop3A_270 : vector<1x16xf32> to vector<16xf32>
          %parallel_loop3A_272 = vector.shape_cast %parallel_loop3A_267 : vector<16xf32> to vector<1x16xf32>
          tpu.vector_store %arg10[%parallel_loop3A_268, %parallel_loop3A_269], %parallel_loop3A_272 {strides = array<i32>} : memref<16x1024xf32, #tpu.memory_space<vmem>>, vector<1x16xf32>,
        } {sc.loop_unroll_factor = 8 : i64, sc.parallel_access}
        %mul3A_110 = arith.constant 16 : i32
        %mul3A_111 = arith.muli %min3A_100, %mul3A_110 : i32
        %dma_start3A_112 = tpu.memref_slice %arg5[%mul3A_111] : memref<2048xi32, #tpu.memory_space<vmem>> -> memref<16xi32, #tpu.memory_space<vmem>>
        %dma_start3A_113 = arith.constant 0 : i32
        %dma_start3A_114 = arith.constant 0 : i32
        %dma_start3A_115 = tpu.memref_slice %arg3[%dma_start3A_113, %dma_start3A_114] : memref<100000x1024xf32, #tpu.memory_space<hbm>> -> memref<100000x1024xf32, #tpu.memory_space<hbm>>
        tpu.enqueue_indirect_dma source(%dma_start3A_115 : memref<100000x1024xf32, #tpu.memory_space<hbm>>) target(%arg7 : memref<16x1024xf32, #tpu.memory_space<vmem>>) offsets(%dma_start3A_112 : memref<16xi32, #tpu.memory_space<vmem>>) semaphore(%arg12 : memref<!tpu.dma_semaphore, #tpu.memory_space<semaphore_mem>>)
        %mul3A_116 = arith.constant 4 : i32
        %mul3A_117 = arith.muli %mul3A_116, %scan3A_62 : i32
        %add3A_118 = arith.constant 2 : i32
        %add3A_119 = arith.addi %mul3A_117, %add3A_118 : i32
        %add3A_120 = arith.constant 4 : i32
        %add3A_121 = arith.addi %mul3A_67, %add3A_120 : i32
        %add3A_122 = arith.constant 2 : i32
        %add3A_123 = arith.addi %add3A_121, %add3A_122 : i32
        %min3A_124 = arith.constant 127 : i32
        %min3A_125 = arith.minsi %add3A_123, %min3A_124 : i32
        %dma_wait3A_126 = arith.constant 0 : i32
        %dma_wait3A_127 = arith.constant 0 : i32
        %dma_wait3A_128 = tpu.memref_slice %arg3[%dma_wait3A_126, %dma_wait3A_127] : memref<100000x1024xf32, #tpu.memory_space<hbm>> -> memref<16x1024xf32, #tpu.memory_space<hbm>>
        %dma_wait3A_129 = arith.constant 0 : i32
        %dma_wait3A_130 = arith.constant 0 : i32
        %dma_wait3A_131 = tpu.memref_slice %arg3[%dma_wait3A_129, %dma_wait3A_130] : memref<100000x1024xf32, #tpu.memory_space<hbm>> -> memref<16x1024xf32, #tpu.memory_space<hbm>>
        tpu.wait_dma2 semaphore(%arg13 : memref<!tpu.dma_semaphore, #tpu.memory_space<semaphore_mem>>) src(%dma_wait3A_131 : memref<16x1024xf32, #tpu.memory_space<hbm>>) dst(%arg8 : memref<16x1024xf32, #tpu.memory_space<vmem>>)
        %parallel_loop3A_132 = arith.constant 0 : i32
        %parallel_loop3A_133 = arith.constant 64 : i32
        %parallel_loop3A_134 = arith.constant 1 : i32
        scf.for %parallel_loop3A_166 = %parallel_loop3A_132 to %parallel_loop3A_133 step %parallel_loop3A_134  : i32 {
          %parallel_loop3A_167 = arith.constant 16 : i32
          %parallel_loop3A_168 = arith.muli %parallel_loop3A_166, %parallel_loop3A_167 : i32
          %parallel_loop3A_169 = tpu.assume_multiple %parallel_loop3A_168, 16 : i32
          %parallel_loop3A_170 = arith.constant 0 : i32
          %parallel_loop3A_171 = arith.index_cast %parallel_loop3A_170 : i32 to index
          %parallel_loop3A_172 = arith.index_cast %parallel_loop3A_169 : i32 to index
          %parallel_loop3A_173 = tpu.vector_load %arg8[%parallel_loop3A_171, %parallel_loop3A_172] {strides = array<i32>} : memref<16x1024xf32, #tpu.memory_space<vmem>>, vector<1x16xf32>,
          %parallel_loop3A_174 = vector.shape_cast %parallel_loop3A_173 : vector<1x16xf32> to vector<16xf32>
          %parallel_loop3A_175 = arith.constant 1 : i32
          %parallel_loop3A_176 = arith.index_cast %parallel_loop3A_175 : i32 to index
          %parallel_loop3A_177 = arith.index_cast %parallel_loop3A_169 : i32 to index
          %parallel_loop3A_178 = tpu.vector_load %arg8[%parallel_loop3A_176, %parallel_loop3A_177] {strides = array<i32>} : memref<16x1024xf32, #tpu.memory_space<vmem>>, vector<1x16xf32>,
          %parallel_loop3A_179 = vector.shape_cast %parallel_loop3A_178 : vector<1x16xf32> to vector<16xf32>
          %parallel_loop3A_180 = arith.constant 2 : i32
          %parallel_loop3A_181 = arith.index_cast %parallel_loop3A_180 : i32 to index
          %parallel_loop3A_182 = arith.index_cast %parallel_loop3A_169 : i32 to index
          %parallel_loop3A_183 = tpu.vector_load %arg8[%parallel_loop3A_181, %parallel_loop3A_182] {strides = array<i32>} : memref<16x1024xf32, #tpu.memory_space<vmem>>, vector<1x16xf32>,
          %parallel_loop3A_184 = vector.shape_cast %parallel_loop3A_183 : vector<1x16xf32> to vector<16xf32>
          %parallel_loop3A_185 = arith.constant 3 : i32
          %parallel_loop3A_186 = arith.index_cast %parallel_loop3A_185 : i32 to index
          %parallel_loop3A_187 = arith.index_cast %parallel_loop3A_169 : i32 to index
          %parallel_loop3A_188 = tpu.vector_load %arg8[%parallel_loop3A_186, %parallel_loop3A_187] {strides = array<i32>} : memref<16x1024xf32, #tpu.memory_space<vmem>>, vector<1x16xf32>,
          %parallel_loop3A_189 = vector.shape_cast %parallel_loop3A_188 : vector<1x16xf32> to vector<16xf32>
          %parallel_loop3A_190 = arith.constant 4 : i32
          %parallel_loop3A_191 = arith.index_cast %parallel_loop3A_190 : i32 to index
          %parallel_loop3A_192 = arith.index_cast %parallel_loop3A_169 : i32 to index
          %parallel_loop3A_193 = tpu.vector_load %arg8[%parallel_loop3A_191, %parallel_loop3A_192] {strides = array<i32>} : memref<16x1024xf32, #tpu.memory_space<vmem>>, vector<1x16xf32>,
          %parallel_loop3A_194 = vector.shape_cast %parallel_loop3A_193 : vector<1x16xf32> to vector<16xf32>
          %parallel_loop3A_195 = arith.constant 5 : i32
          %parallel_loop3A_196 = arith.index_cast %parallel_loop3A_195 : i32 to index
          %parallel_loop3A_197 = arith.index_cast %parallel_loop3A_169 : i32 to index
          %parallel_loop3A_198 = tpu.vector_load %arg8[%parallel_loop3A_196, %parallel_loop3A_197] {strides = array<i32>} : memref<16x1024xf32, #tpu.memory_space<vmem>>, vector<1x16xf32>,
          %parallel_loop3A_199 = vector.shape_cast %parallel_loop3A_198 : vector<1x16xf32> to vector<16xf32>
          %parallel_loop3A_200 = arith.constant 6 : i32
          %parallel_loop3A_201 = arith.index_cast %parallel_loop3A_200 : i32 to index
          %parallel_loop3A_202 = arith.index_cast %parallel_loop3A_169 : i32 to index
          %parallel_loop3A_203 = tpu.vector_load %arg8[%parallel_loop3A_201, %parallel_loop3A_202] {strides = array<i32>} : memref<16x1024xf32, #tpu.memory_space<vmem>>, vector<1x16xf32>,
          %parallel_loop3A_204 = vector.shape_cast %parallel_loop3A_203 : vector<1x16xf32> to vector<16xf32>
          %parallel_loop3A_205 = arith.constant 7 : i32
          %parallel_loop3A_206 = arith.index_cast %parallel_loop3A_205 : i32 to index
          %parallel_loop3A_207 = arith.index_cast %parallel_loop3A_169 : i32 to index
          %parallel_loop3A_208 = tpu.vector_load %arg8[%parallel_loop3A_206, %parallel_loop3A_207] {strides = array<i32>} : memref<16x1024xf32, #tpu.memory_space<vmem>>, vector<1x16xf32>,
          %parallel_loop3A_209 = vector.shape_cast %parallel_loop3A_208 : vector<1x16xf32> to vector<16xf32>
          %parallel_loop3A_210 = arith.constant 8 : i32
          %parallel_loop3A_211 = arith.index_cast %parallel_loop3A_210 : i32 to index
          %parallel_loop3A_212 = arith.index_cast %parallel_loop3A_169 : i32 to index
          %parallel_loop3A_213 = tpu.vector_load %arg8[%parallel_loop3A_211, %parallel_loop3A_212] {strides = array<i32>} : memref<16x1024xf32, #tpu.memory_space<vmem>>, vector<1x16xf32>,
          %parallel_loop3A_214 = vector.shape_cast %parallel_loop3A_213 : vector<1x16xf32> to vector<16xf32>
          %parallel_loop3A_215 = arith.constant 9 : i32
          %parallel_loop3A_216 = arith.index_cast %parallel_loop3A_215 : i32 to index
          %parallel_loop3A_217 = arith.index_cast %parallel_loop3A_169 : i32 to index
          %parallel_loop3A_218 = tpu.vector_load %arg8[%parallel_loop3A_216, %parallel_loop3A_217] {strides = array<i32>} : memref<16x1024xf32, #tpu.memory_space<vmem>>, vector<1x16xf32>,
          %parallel_loop3A_219 = vector.shape_cast %parallel_loop3A_218 : vector<1x16xf32> to vector<16xf32>
          %parallel_loop3A_220 = arith.constant 10 : i32
          %parallel_loop3A_221 = arith.index_cast %parallel_loop3A_220 : i32 to index
          %parallel_loop3A_222 = arith.index_cast %parallel_loop3A_169 : i32 to index
          %parallel_loop3A_223 = tpu.vector_load %arg8[%parallel_loop3A_221, %parallel_loop3A_222] {strides = array<i32>} : memref<16x1024xf32, #tpu.memory_space<vmem>>, vector<1x16xf32>,
          %parallel_loop3A_224 = vector.shape_cast %parallel_loop3A_223 : vector<1x16xf32> to vector<16xf32>
          %parallel_loop3A_225 = arith.constant 11 : i32
          %parallel_loop3A_226 = arith.index_cast %parallel_loop3A_225 : i32 to index
          %parallel_loop3A_227 = arith.index_cast %parallel_loop3A_169 : i32 to index
          %parallel_loop3A_228 = tpu.vector_load %arg8[%parallel_loop3A_226, %parallel_loop3A_227] {strides = array<i32>} : memref<16x1024xf32, #tpu.memory_space<vmem>>, vector<1x16xf32>,
          %parallel_loop3A_229 = vector.shape_cast %parallel_loop3A_228 : vector<1x16xf32> to vector<16xf32>
          %parallel_loop3A_230 = arith.constant 12 : i32
          %parallel_loop3A_231 = arith.index_cast %parallel_loop3A_230 : i32 to index
          %parallel_loop3A_232 = arith.index_cast %parallel_loop3A_169 : i32 to index
          %parallel_loop3A_233 = tpu.vector_load %arg8[%parallel_loop3A_231, %parallel_loop3A_232] {strides = array<i32>} : memref<16x1024xf32, #tpu.memory_space<vmem>>, vector<1x16xf32>,
          %parallel_loop3A_234 = vector.shape_cast %parallel_loop3A_233 : vector<1x16xf32> to vector<16xf32>
          %parallel_loop3A_235 = arith.constant 13 : i32
          %parallel_loop3A_236 = arith.index_cast %parallel_loop3A_235 : i32 to index
          %parallel_loop3A_237 = arith.index_cast %parallel_loop3A_169 : i32 to index
          %parallel_loop3A_238 = tpu.vector_load %arg8[%parallel_loop3A_236, %parallel_loop3A_237] {strides = array<i32>} : memref<16x1024xf32, #tpu.memory_space<vmem>>, vector<1x16xf32>,
          %parallel_loop3A_239 = vector.shape_cast %parallel_loop3A_238 : vector<1x16xf32> to vector<16xf32>
          %parallel_loop3A_240 = arith.constant 14 : i32
          %parallel_loop3A_241 = arith.index_cast %parallel_loop3A_240 : i32 to index
          %parallel_loop3A_242 = arith.index_cast %parallel_loop3A_169 : i32 to index
          %parallel_loop3A_243 = tpu.vector_load %arg8[%parallel_loop3A_241, %parallel_loop3A_242] {strides = array<i32>} : memref<16x1024xf32, #tpu.memory_space<vmem>>, vector<1x16xf32>,
          %parallel_loop3A_244 = vector.shape_cast %parallel_loop3A_243 : vector<1x16xf32> to vector<16xf32>
          %parallel_loop3A_245 = arith.constant 15 : i32
          %parallel_loop3A_246 = arith.index_cast %parallel_loop3A_245 : i32 to index
          %parallel_loop3A_247 = arith.index_cast %parallel_loop3A_169 : i32 to index
          %parallel_loop3A_248 = tpu.vector_load %arg8[%parallel_loop3A_246, %parallel_loop3A_247] {strides = array<i32>} : memref<16x1024xf32, #tpu.memory_space<vmem>>, vector<1x16xf32>,
          %parallel_loop3A_249 = vector.shape_cast %parallel_loop3A_248 : vector<1x16xf32> to vector<16xf32>
          %parallel_loop3A_250 = arith.addf %parallel_loop3A_174, %parallel_loop3A_179 : vector<16xf32>
          %parallel_loop3A_251 = arith.addf %parallel_loop3A_184, %parallel_loop3A_189 : vector<16xf32>
          %parallel_loop3A_252 = arith.addf %parallel_loop3A_194, %parallel_loop3A_199 : vector<16xf32>
          %parallel_loop3A_253 = arith.addf %parallel_loop3A_204, %parallel_loop3A_209 : vector<16xf32>
          %parallel_loop3A_254 = arith.addf %parallel_loop3A_214, %parallel_loop3A_219 : vector<16xf32>
          %parallel_loop3A_255 = arith.addf %parallel_loop3A_224, %parallel_loop3A_229 : vector<16xf32>
          %parallel_loop3A_256 = arith.addf %parallel_loop3A_234, %parallel_loop3A_239 : vector<16xf32>
          %parallel_loop3A_257 = arith.addf %parallel_loop3A_244, %parallel_loop3A_249 : vector<16xf32>
          %parallel_loop3A_258 = arith.addf %parallel_loop3A_250, %parallel_loop3A_251 : vector<16xf32>
          %parallel_loop3A_259 = arith.addf %parallel_loop3A_252, %parallel_loop3A_253 : vector<16xf32>
          %parallel_loop3A_260 = arith.addf %parallel_loop3A_254, %parallel_loop3A_255 : vector<16xf32>
          %parallel_loop3A_261 = arith.addf %parallel_loop3A_256, %parallel_loop3A_257 : vector<16xf32>
          %parallel_loop3A_262 = arith.addf %parallel_loop3A_258, %parallel_loop3A_259 : vector<16xf32>
          %parallel_loop3A_263 = arith.addf %parallel_loop3A_260, %parallel_loop3A_261 : vector<16xf32>
          %parallel_loop3A_264 = arith.addf %parallel_loop3A_262, %parallel_loop3A_263 : vector<16xf32>
          %parallel_loop3A_265 = arith.constant 6.250000e-02 : f32
          %parallel_loop3A_266 = vector.broadcast %parallel_loop3A_265 : f32 to vector<16xf32>
          %parallel_loop3A_267 = arith.mulf %parallel_loop3A_264, %parallel_loop3A_266 : vector<16xf32>
          %parallel_loop3A_268 = arith.index_cast %add3A_119 : i32 to index
          %parallel_loop3A_269 = arith.index_cast %parallel_loop3A_169 : i32 to index
          %parallel_loop3A_270 = tpu.vector_load %arg10[%parallel_loop3A_268, %parallel_loop3A_269] {strides = array<i32>} : memref<16x1024xf32, #tpu.memory_space<vmem>>, vector<1x16xf32>,
          %parallel_loop3A_271 = vector.shape_cast %parallel_loop3A_270 : vector<1x16xf32> to vector<16xf32>
          %parallel_loop3A_272 = vector.shape_cast %parallel_loop3A_267 : vector<16xf32> to vector<1x16xf32>
          tpu.vector_store %arg10[%parallel_loop3A_268, %parallel_loop3A_269], %parallel_loop3A_272 {strides = array<i32>} : memref<16x1024xf32, #tpu.memory_space<vmem>>, vector<1x16xf32>,
        } {sc.loop_unroll_factor = 8 : i64, sc.parallel_access}
        %mul3A_135 = arith.constant 16 : i32
        %mul3A_136 = arith.muli %min3A_125, %mul3A_135 : i32
        %dma_start3A_137 = tpu.memref_slice %arg5[%mul3A_136] : memref<2048xi32, #tpu.memory_space<vmem>> -> memref<16xi32, #tpu.memory_space<vmem>>
        %dma_start3A_138 = arith.constant 0 : i32
        %dma_start3A_139 = arith.constant 0 : i32
        %dma_start3A_140 = tpu.memref_slice %arg3[%dma_start3A_138, %dma_start3A_139] : memref<100000x1024xf32, #tpu.memory_space<hbm>> -> memref<100000x1024xf32, #tpu.memory_space<hbm>>
        tpu.enqueue_indirect_dma source(%dma_start3A_140 : memref<100000x1024xf32, #tpu.memory_space<hbm>>) target(%arg8 : memref<16x1024xf32, #tpu.memory_space<vmem>>) offsets(%dma_start3A_137 : memref<16xi32, #tpu.memory_space<vmem>>) semaphore(%arg13 : memref<!tpu.dma_semaphore, #tpu.memory_space<semaphore_mem>>)
        %mul3A_141 = arith.constant 4 : i32
        %mul3A_142 = arith.muli %mul3A_141, %scan3A_62 : i32
        %add3A_143 = arith.constant 3 : i32
        %add3A_144 = arith.addi %mul3A_142, %add3A_143 : i32
        %add3A_145 = arith.constant 4 : i32
        %add3A_146 = arith.addi %mul3A_67, %add3A_145 : i32
        %add3A_147 = arith.constant 3 : i32
        %add3A_148 = arith.addi %add3A_146, %add3A_147 : i32
        %min3A_149 = arith.constant 127 : i32
        %min3A_150 = arith.minsi %add3A_148, %min3A_149 : i32
        %dma_wait3A_151 = arith.constant 0 : i32
        %dma_wait3A_152 = arith.constant 0 : i32
        %dma_wait3A_153 = tpu.memref_slice %arg3[%dma_wait3A_151, %dma_wait3A_152] : memref<100000x1024xf32, #tpu.memory_space<hbm>> -> memref<16x1024xf32, #tpu.memory_space<hbm>>
        %dma_wait3A_154 = arith.constant 0 : i32
        %dma_wait3A_155 = arith.constant 0 : i32
        %dma_wait3A_156 = tpu.memref_slice %arg3[%dma_wait3A_154, %dma_wait3A_155] : memref<100000x1024xf32, #tpu.memory_space<hbm>> -> memref<16x1024xf32, #tpu.memory_space<hbm>>
        tpu.wait_dma2 semaphore(%arg14 : memref<!tpu.dma_semaphore, #tpu.memory_space<semaphore_mem>>) src(%dma_wait3A_156 : memref<16x1024xf32, #tpu.memory_space<hbm>>) dst(%arg9 : memref<16x1024xf32, #tpu.memory_space<vmem>>)
        %parallel_loop3A_157 = arith.constant 0 : i32
        %parallel_loop3A_158 = arith.constant 64 : i32
        %parallel_loop3A_159 = arith.constant 1 : i32
        scf.for %parallel_loop3A_166 = %parallel_loop3A_157 to %parallel_loop3A_158 step %parallel_loop3A_159  : i32 {
          %parallel_loop3A_167 = arith.constant 16 : i32
          %parallel_loop3A_168 = arith.muli %parallel_loop3A_166, %parallel_loop3A_167 : i32
          %parallel_loop3A_169 = tpu.assume_multiple %parallel_loop3A_168, 16 : i32
          %parallel_loop3A_170 = arith.constant 0 : i32
          %parallel_loop3A_171 = arith.index_cast %parallel_loop3A_170 : i32 to index
          %parallel_loop3A_172 = arith.index_cast %parallel_loop3A_169 : i32 to index
          %parallel_loop3A_173 = tpu.vector_load %arg9[%parallel_loop3A_171, %parallel_loop3A_172] {strides = array<i32>} : memref<16x1024xf32, #tpu.memory_space<vmem>>, vector<1x16xf32>,
          %parallel_loop3A_174 = vector.shape_cast %parallel_loop3A_173 : vector<1x16xf32> to vector<16xf32>
          %parallel_loop3A_175 = arith.constant 1 : i32
          %parallel_loop3A_176 = arith.index_cast %parallel_loop3A_175 : i32 to index
          %parallel_loop3A_177 = arith.index_cast %parallel_loop3A_169 : i32 to index
          %parallel_loop3A_178 = tpu.vector_load %arg9[%parallel_loop3A_176, %parallel_loop3A_177] {strides = array<i32>} : memref<16x1024xf32, #tpu.memory_space<vmem>>, vector<1x16xf32>,
          %parallel_loop3A_179 = vector.shape_cast %parallel_loop3A_178 : vector<1x16xf32> to vector<16xf32>
          %parallel_loop3A_180 = arith.constant 2 : i32
          %parallel_loop3A_181 = arith.index_cast %parallel_loop3A_180 : i32 to index
          %parallel_loop3A_182 = arith.index_cast %parallel_loop3A_169 : i32 to index
          %parallel_loop3A_183 = tpu.vector_load %arg9[%parallel_loop3A_181, %parallel_loop3A_182] {strides = array<i32>} : memref<16x1024xf32, #tpu.memory_space<vmem>>, vector<1x16xf32>,
          %parallel_loop3A_184 = vector.shape_cast %parallel_loop3A_183 : vector<1x16xf32> to vector<16xf32>
          %parallel_loop3A_185 = arith.constant 3 : i32
          %parallel_loop3A_186 = arith.index_cast %parallel_loop3A_185 : i32 to index
          %parallel_loop3A_187 = arith.index_cast %parallel_loop3A_169 : i32 to index
          %parallel_loop3A_188 = tpu.vector_load %arg9[%parallel_loop3A_186, %parallel_loop3A_187] {strides = array<i32>} : memref<16x1024xf32, #tpu.memory_space<vmem>>, vector<1x16xf32>,
          %parallel_loop3A_189 = vector.shape_cast %parallel_loop3A_188 : vector<1x16xf32> to vector<16xf32>
          %parallel_loop3A_190 = arith.constant 4 : i32
          %parallel_loop3A_191 = arith.index_cast %parallel_loop3A_190 : i32 to index
          %parallel_loop3A_192 = arith.index_cast %parallel_loop3A_169 : i32 to index
          %parallel_loop3A_193 = tpu.vector_load %arg9[%parallel_loop3A_191, %parallel_loop3A_192] {strides = array<i32>} : memref<16x1024xf32, #tpu.memory_space<vmem>>, vector<1x16xf32>,
          %parallel_loop3A_194 = vector.shape_cast %parallel_loop3A_193 : vector<1x16xf32> to vector<16xf32>
          %parallel_loop3A_195 = arith.constant 5 : i32
          %parallel_loop3A_196 = arith.index_cast %parallel_loop3A_195 : i32 to index
          %parallel_loop3A_197 = arith.index_cast %parallel_loop3A_169 : i32 to index
          %parallel_loop3A_198 = tpu.vector_load %arg9[%parallel_loop3A_196, %parallel_loop3A_197] {strides = array<i32>} : memref<16x1024xf32, #tpu.memory_space<vmem>>, vector<1x16xf32>,
          %parallel_loop3A_199 = vector.shape_cast %parallel_loop3A_198 : vector<1x16xf32> to vector<16xf32>
          %parallel_loop3A_200 = arith.constant 6 : i32
          %parallel_loop3A_201 = arith.index_cast %parallel_loop3A_200 : i32 to index
          %parallel_loop3A_202 = arith.index_cast %parallel_loop3A_169 : i32 to index
          %parallel_loop3A_203 = tpu.vector_load %arg9[%parallel_loop3A_201, %parallel_loop3A_202] {strides = array<i32>} : memref<16x1024xf32, #tpu.memory_space<vmem>>, vector<1x16xf32>,
          %parallel_loop3A_204 = vector.shape_cast %parallel_loop3A_203 : vector<1x16xf32> to vector<16xf32>
          %parallel_loop3A_205 = arith.constant 7 : i32
          %parallel_loop3A_206 = arith.index_cast %parallel_loop3A_205 : i32 to index
          %parallel_loop3A_207 = arith.index_cast %parallel_loop3A_169 : i32 to index
          %parallel_loop3A_208 = tpu.vector_load %arg9[%parallel_loop3A_206, %parallel_loop3A_207] {strides = array<i32>} : memref<16x1024xf32, #tpu.memory_space<vmem>>, vector<1x16xf32>,
          %parallel_loop3A_209 = vector.shape_cast %parallel_loop3A_208 : vector<1x16xf32> to vector<16xf32>
          %parallel_loop3A_210 = arith.constant 8 : i32
          %parallel_loop3A_211 = arith.index_cast %parallel_loop3A_210 : i32 to index
          %parallel_loop3A_212 = arith.index_cast %parallel_loop3A_169 : i32 to index
          %parallel_loop3A_213 = tpu.vector_load %arg9[%parallel_loop3A_211, %parallel_loop3A_212] {strides = array<i32>} : memref<16x1024xf32, #tpu.memory_space<vmem>>, vector<1x16xf32>,
          %parallel_loop3A_214 = vector.shape_cast %parallel_loop3A_213 : vector<1x16xf32> to vector<16xf32>
          %parallel_loop3A_215 = arith.constant 9 : i32
          %parallel_loop3A_216 = arith.index_cast %parallel_loop3A_215 : i32 to index
          %parallel_loop3A_217 = arith.index_cast %parallel_loop3A_169 : i32 to index
          %parallel_loop3A_218 = tpu.vector_load %arg9[%parallel_loop3A_216, %parallel_loop3A_217] {strides = array<i32>} : memref<16x1024xf32, #tpu.memory_space<vmem>>, vector<1x16xf32>,
          %parallel_loop3A_219 = vector.shape_cast %parallel_loop3A_218 : vector<1x16xf32> to vector<16xf32>
          %parallel_loop3A_220 = arith.constant 10 : i32
          %parallel_loop3A_221 = arith.index_cast %parallel_loop3A_220 : i32 to index
          %parallel_loop3A_222 = arith.index_cast %parallel_loop3A_169 : i32 to index
          %parallel_loop3A_223 = tpu.vector_load %arg9[%parallel_loop3A_221, %parallel_loop3A_222] {strides = array<i32>} : memref<16x1024xf32, #tpu.memory_space<vmem>>, vector<1x16xf32>,
          %parallel_loop3A_224 = vector.shape_cast %parallel_loop3A_223 : vector<1x16xf32> to vector<16xf32>
          %parallel_loop3A_225 = arith.constant 11 : i32
          %parallel_loop3A_226 = arith.index_cast %parallel_loop3A_225 : i32 to index
          %parallel_loop3A_227 = arith.index_cast %parallel_loop3A_169 : i32 to index
          %parallel_loop3A_228 = tpu.vector_load %arg9[%parallel_loop3A_226, %parallel_loop3A_227] {strides = array<i32>} : memref<16x1024xf32, #tpu.memory_space<vmem>>, vector<1x16xf32>,
          %parallel_loop3A_229 = vector.shape_cast %parallel_loop3A_228 : vector<1x16xf32> to vector<16xf32>
          %parallel_loop3A_230 = arith.constant 12 : i32
          %parallel_loop3A_231 = arith.index_cast %parallel_loop3A_230 : i32 to index
          %parallel_loop3A_232 = arith.index_cast %parallel_loop3A_169 : i32 to index
          %parallel_loop3A_233 = tpu.vector_load %arg9[%parallel_loop3A_231, %parallel_loop3A_232] {strides = array<i32>} : memref<16x1024xf32, #tpu.memory_space<vmem>>, vector<1x16xf32>,
          %parallel_loop3A_234 = vector.shape_cast %parallel_loop3A_233 : vector<1x16xf32> to vector<16xf32>
          %parallel_loop3A_235 = arith.constant 13 : i32
          %parallel_loop3A_236 = arith.index_cast %parallel_loop3A_235 : i32 to index
          %parallel_loop3A_237 = arith.index_cast %parallel_loop3A_169 : i32 to index
          %parallel_loop3A_238 = tpu.vector_load %arg9[%parallel_loop3A_236, %parallel_loop3A_237] {strides = array<i32>} : memref<16x1024xf32, #tpu.memory_space<vmem>>, vector<1x16xf32>,
          %parallel_loop3A_239 = vector.shape_cast %parallel_loop3A_238 : vector<1x16xf32> to vector<16xf32>
          %parallel_loop3A_240 = arith.constant 14 : i32
          %parallel_loop3A_241 = arith.index_cast %parallel_loop3A_240 : i32 to index
          %parallel_loop3A_242 = arith.index_cast %parallel_loop3A_169 : i32 to index
          %parallel_loop3A_243 = tpu.vector_load %arg9[%parallel_loop3A_241, %parallel_loop3A_242] {strides = array<i32>} : memref<16x1024xf32, #tpu.memory_space<vmem>>, vector<1x16xf32>,
          %parallel_loop3A_244 = vector.shape_cast %parallel_loop3A_243 : vector<1x16xf32> to vector<16xf32>
          %parallel_loop3A_245 = arith.constant 15 : i32
          %parallel_loop3A_246 = arith.index_cast %parallel_loop3A_245 : i32 to index
          %parallel_loop3A_247 = arith.index_cast %parallel_loop3A_169 : i32 to index
          %parallel_loop3A_248 = tpu.vector_load %arg9[%parallel_loop3A_246, %parallel_loop3A_247] {strides = array<i32>} : memref<16x1024xf32, #tpu.memory_space<vmem>>, vector<1x16xf32>,
          %parallel_loop3A_249 = vector.shape_cast %parallel_loop3A_248 : vector<1x16xf32> to vector<16xf32>
          %parallel_loop3A_250 = arith.addf %parallel_loop3A_174, %parallel_loop3A_179 : vector<16xf32>
          %parallel_loop3A_251 = arith.addf %parallel_loop3A_184, %parallel_loop3A_189 : vector<16xf32>
          %parallel_loop3A_252 = arith.addf %parallel_loop3A_194, %parallel_loop3A_199 : vector<16xf32>
          %parallel_loop3A_253 = arith.addf %parallel_loop3A_204, %parallel_loop3A_209 : vector<16xf32>
          %parallel_loop3A_254 = arith.addf %parallel_loop3A_214, %parallel_loop3A_219 : vector<16xf32>
          %parallel_loop3A_255 = arith.addf %parallel_loop3A_224, %parallel_loop3A_229 : vector<16xf32>
          %parallel_loop3A_256 = arith.addf %parallel_loop3A_234, %parallel_loop3A_239 : vector<16xf32>
          %parallel_loop3A_257 = arith.addf %parallel_loop3A_244, %parallel_loop3A_249 : vector<16xf32>
          %parallel_loop3A_258 = arith.addf %parallel_loop3A_250, %parallel_loop3A_251 : vector<16xf32>
          %parallel_loop3A_259 = arith.addf %parallel_loop3A_252, %parallel_loop3A_253 : vector<16xf32>
          %parallel_loop3A_260 = arith.addf %parallel_loop3A_254, %parallel_loop3A_255 : vector<16xf32>
          %parallel_loop3A_261 = arith.addf %parallel_loop3A_256, %parallel_loop3A_257 : vector<16xf32>
          %parallel_loop3A_262 = arith.addf %parallel_loop3A_258, %parallel_loop3A_259 : vector<16xf32>
          %parallel_loop3A_263 = arith.addf %parallel_loop3A_260, %parallel_loop3A_261 : vector<16xf32>
          %parallel_loop3A_264 = arith.addf %parallel_loop3A_262, %parallel_loop3A_263 : vector<16xf32>
          %parallel_loop3A_265 = arith.constant 6.250000e-02 : f32
          %parallel_loop3A_266 = vector.broadcast %parallel_loop3A_265 : f32 to vector<16xf32>
          %parallel_loop3A_267 = arith.mulf %parallel_loop3A_264, %parallel_loop3A_266 : vector<16xf32>
          %parallel_loop3A_268 = arith.index_cast %add3A_144 : i32 to index
          %parallel_loop3A_269 = arith.index_cast %parallel_loop3A_169 : i32 to index
          %parallel_loop3A_270 = tpu.vector_load %arg10[%parallel_loop3A_268, %parallel_loop3A_269] {strides = array<i32>} : memref<16x1024xf32, #tpu.memory_space<vmem>>, vector<1x16xf32>,
          %parallel_loop3A_271 = vector.shape_cast %parallel_loop3A_270 : vector<1x16xf32> to vector<16xf32>
          %parallel_loop3A_272 = vector.shape_cast %parallel_loop3A_267 : vector<16xf32> to vector<1x16xf32>
          tpu.vector_store %arg10[%parallel_loop3A_268, %parallel_loop3A_269], %parallel_loop3A_272 {strides = array<i32>} : memref<16x1024xf32, #tpu.memory_space<vmem>>, vector<1x16xf32>,
        } {sc.loop_unroll_factor = 8 : i64, sc.parallel_access}
        %mul3A_160 = arith.constant 16 : i32
        %mul3A_161 = arith.muli %min3A_150, %mul3A_160 : i32
        %dma_start3A_162 = tpu.memref_slice %arg5[%mul3A_161] : memref<2048xi32, #tpu.memory_space<vmem>> -> memref<16xi32, #tpu.memory_space<vmem>>
        %dma_start3A_163 = arith.constant 0 : i32
        %dma_start3A_164 = arith.constant 0 : i32
        %dma_start3A_165 = tpu.memref_slice %arg3[%dma_start3A_163, %dma_start3A_164] : memref<100000x1024xf32, #tpu.memory_space<hbm>> -> memref<100000x1024xf32, #tpu.memory_space<hbm>>
        tpu.enqueue_indirect_dma source(%dma_start3A_165 : memref<100000x1024xf32, #tpu.memory_space<hbm>>) target(%arg9 : memref<16x1024xf32, #tpu.memory_space<vmem>>) offsets(%dma_start3A_162 : memref<16xi32, #tpu.memory_space<vmem>>) semaphore(%arg14 : memref<!tpu.dma_semaphore, #tpu.memory_space<semaphore_mem>>)
      }
      %scan3A_56 = arith.constant 4 : i32
      %mul3A_57 = arith.constant 128 : i32
      %mul3A_58 = arith.muli %add3A, %mul3A_57 : i32
      %mul3A_59 = arith.constant 16 : i32
      %mul3A_60 = arith.muli %scan3A_50, %mul3A_59 : i32
      %add3A_61 = arith.addi %mul3A_58, %mul3A_60 : i32
      "tpu.region"() ({
        %run_scoped3A = tpu.sem_alloc : memref<!tpu.dma_semaphore, #tpu.memory_space<semaphore_mem>>
        %dma_start3A_62 = arith.constant 0 : i32
        %dma_start3A_63 = tpu.memref_slice %arg4[%add3A_61, %dma_start3A_62] : memref<4096x1024xf32, #tpu.memory_space<hbm>> -> memref<16x1024xf32, #tpu.memory_space<hbm>>
        %dma_start3A_64 = arith.constant 0 : i32
        %dma_start3A_65 = tpu.memref_slice %arg4[%add3A_61, %dma_start3A_64] : memref<4096x1024xf32, #tpu.memory_space<hbm>> -> memref<16x1024xf32, #tpu.memory_space<hbm>>
        tpu.enqueue_dma source(%arg10 : memref<16x1024xf32, #tpu.memory_space<vmem>>) target(%dma_start3A_65 : memref<16x1024xf32, #tpu.memory_space<hbm>>) target_semaphore(%run_scoped3A : memref<!tpu.dma_semaphore, #tpu.memory_space<semaphore_mem>>)
        %dma_wait3A_66 = arith.constant 0 : i32
        %dma_wait3A_67 = tpu.memref_slice %arg4[%add3A_61, %dma_wait3A_66] : memref<4096x1024xf32, #tpu.memory_space<hbm>> -> memref<16x1024xf32, #tpu.memory_space<hbm>>
        %dma_wait3A_68 = arith.constant 0 : i32
        %dma_wait3A_69 = tpu.memref_slice %arg4[%add3A_61, %dma_wait3A_68] : memref<4096x1024xf32, #tpu.memory_space<hbm>> -> memref<16x1024xf32, #tpu.memory_space<hbm>>
        tpu.wait_dma2 semaphore(%run_scoped3A : memref<!tpu.dma_semaphore, #tpu.memory_space<semaphore_mem>>) src(%arg10 : memref<16x1024xf32, #tpu.memory_space<vmem>>) dst(%dma_wait3A_69 : memref<16x1024xf32, #tpu.memory_space<hbm>>)
        tpu.yield
      }) : () -> ()
    }
    %scan3A_26 = arith.constant 8 : i32
    %dma_wait3A = arith.constant 0 : i32
    %dma_wait3A_27 = arith.constant 0 : i32
    %dma_wait3A_28 = tpu.memref_slice %arg3[%dma_wait3A, %dma_wait3A_27] : memref<100000x1024xf32, #tpu.memory_space<hbm>> -> memref<16x1024xf32, #tpu.memory_space<hbm>>
    %dma_wait3A_29 = arith.constant 0 : i32
    %dma_wait3A_30 = arith.constant 0 : i32
    %dma_wait3A_31 = tpu.memref_slice %arg3[%dma_wait3A_29, %dma_wait3A_30] : memref<100000x1024xf32, #tpu.memory_space<hbm>> -> memref<16x1024xf32, #tpu.memory_space<hbm>>
    tpu.wait_dma2 semaphore(%arg11 : memref<!tpu.dma_semaphore, #tpu.memory_space<semaphore_mem>>) src(%dma_wait3A_31 : memref<16x1024xf32, #tpu.memory_space<hbm>>) dst(%arg6 : memref<16x1024xf32, #tpu.memory_space<vmem>>)
    %dma_wait3A_32 = arith.constant 0 : i32
    %dma_wait3A_33 = arith.constant 0 : i32
    %dma_wait3A_34 = tpu.memref_slice %arg3[%dma_wait3A_32, %dma_wait3A_33] : memref<100000x1024xf32, #tpu.memory_space<hbm>> -> memref<16x1024xf32, #tpu.memory_space<hbm>>
    %dma_wait3A_35 = arith.constant 0 : i32
    %dma_wait3A_36 = arith.constant 0 : i32
    %dma_wait3A_37 = tpu.memref_slice %arg3[%dma_wait3A_35, %dma_wait3A_36] : memref<100000x1024xf32, #tpu.memory_space<hbm>> -> memref<16x1024xf32, #tpu.memory_space<hbm>>
    tpu.wait_dma2 semaphore(%arg12 : memref<!tpu.dma_semaphore, #tpu.memory_space<semaphore_mem>>) src(%dma_wait3A_37 : memref<16x1024xf32, #tpu.memory_space<hbm>>) dst(%arg7 : memref<16x1024xf32, #tpu.memory_space<vmem>>)
    %dma_wait3A_38 = arith.constant 0 : i32
    %dma_wait3A_39 = arith.constant 0 : i32
    %dma_wait3A_40 = tpu.memref_slice %arg3[%dma_wait3A_38, %dma_wait3A_39] : memref<100000x1024xf32, #tpu.memory_space<hbm>> -> memref<16x1024xf32, #tpu.memory_space<hbm>>
    %dma_wait3A_41 = arith.constant 0 : i32
    %dma_wait3A_42 = arith.constant 0 : i32
    %dma_wait3A_43 = tpu.memref_slice %arg3[%dma_wait3A_41, %dma_wait3A_42] : memref<100000x1024xf32, #tpu.memory_space<hbm>> -> memref<16x1024xf32, #tpu.memory_space<hbm>>
    tpu.wait_dma2 semaphore(%arg13 : memref<!tpu.dma_semaphore, #tpu.memory_space<semaphore_mem>>) src(%dma_wait3A_43 : memref<16x1024xf32, #tpu.memory_space<hbm>>) dst(%arg8 : memref<16x1024xf32, #tpu.memory_space<vmem>>)
    %dma_wait3A_44 = arith.constant 0 : i32
    %dma_wait3A_45 = arith.constant 0 : i32
    %dma_wait3A_46 = tpu.memref_slice %arg3[%dma_wait3A_44, %dma_wait3A_45] : memref<100000x1024xf32, #tpu.memory_space<hbm>> -> memref<16x1024xf32, #tpu.memory_space<hbm>>
    %dma_wait3A_47 = arith.constant 0 : i32
    %dma_wait3A_48 = arith.constant 0 : i32
    %dma_wait3A_49 = tpu.memref_slice %arg3[%dma_wait3A_47, %dma_wait3A_48] : memref<100000x1024xf32, #tpu.memory_space<hbm>> -> memref<16x1024xf32, #tpu.memory_space<hbm>>
    tpu.wait_dma2 semaphore(%arg14 : memref<!tpu.dma_semaphore, #tpu.memory_space<semaphore_mem>>) src(%dma_wait3A_49 : memref<16x1024xf32, #tpu.memory_space<hbm>>) dst(%arg9 : memref<16x1024xf32, #tpu.memory_space<vmem>>)
    return
  }
}

module attributes {stable_mosaic.version = 14 : i64} {
  func.func @_mlp_body(%arg0: i32, %arg1: memref<1024x1024xf32, #tpu.memory_space<vmem>>, %arg2: memref<1024x1024xbf16, #tpu.memory_space<vmem>>, %arg3: memref<1x1024xf32, #tpu.memory_space<vmem>>, %arg4: memref<1024x1024xi8, #tpu.memory_space<vmem>>, %arg5: memref<256x1024xbf16, #tpu.memory_space<vmem>>, %arg6: memref<1x256xf32, #tpu.memory_space<vmem>>, %arg7: memref<1024x256xf32, #tpu.memory_space<vmem>>) attributes {dimension_semantics = [#tpu.dimension_semantics<arbitrary>], iteration_bounds = array<i64: 4>, scalar_prefetch = 0 : i64, scratch_operands = 0 : i64, tpu.core_type = #tpu.core_type<tc>, window_params = [{transform_indices = @transform_0, window_bounds = array<i64: 1024, 1024>}, {pipeline_mode = #tpu.pipeline_mode<synchronous>, transform_indices = @transform_1, window_bounds = array<i64: 1024, 1024>}, {pipeline_mode = #tpu.pipeline_mode<synchronous>, transform_indices = @transform_2, window_bounds = array<i64: 1, 1024>}, {transform_indices = @transform_3, window_bounds = array<i64: 1024, 1024>}, {pipeline_mode = #tpu.pipeline_mode<synchronous>, transform_indices = @transform_4, window_bounds = array<i64: 256, 1024>}, {pipeline_mode = #tpu.pipeline_mode<synchronous>, transform_indices = @transform_5, window_bounds = array<i64: 1, 256>}, {transform_indices = @transform_6, window_bounds = array<i64: 1024, 256>}]} {
    %get3A = arith.constant 0 : index
    %get3A_0 = arith.constant 0 : index
    %get3A_1 = vector.load %arg1[%get3A, %get3A_0] : memref<1024x1024xf32, #tpu.memory_space<vmem>>, vector<1024x1024xf32>
    %convert_element_type3A = arith.truncf %get3A_1 : vector<1024x1024xf32> to vector<1024x1024xbf16>
    %get3A_2 = arith.constant 0 : index
    %get3A_3 = arith.constant 0 : index
    %get3A_4 = vector.load %arg2[%get3A_2, %get3A_3] : memref<1024x1024xbf16, #tpu.memory_space<vmem>>, vector<1024x1024xbf16>
    %dot_general3A = arith.constant dense<0.000000e+00> : vector<1024x1024xf32>
    %dot_general3A_5 = tpu.matmul %convert_element_type3A, %get3A_4, %dot_general3A {dimension_numbers = #tpu.dot_dimension_numbers<[1], [1], [0], [0], [0, 0, 1, 0], [], []>, transpose_lhs_hint = false} : vector<1024x1024xbf16>, vector<1024x1024xbf16>, vector<1024x1024xf32> -> vector<1024x1024xf32>
    %get3A_6 = arith.constant 0 : index
    %get3A_7 = arith.constant 0 : index
    %get3A_8 = vector.load %arg3[%get3A_6, %get3A_7] : memref<1x1024xf32, #tpu.memory_space<vmem>>, vector<1x1024xf32>
    %add3A = vector.broadcast %get3A_8 : vector<1x1024xf32> to vector<1024x1024xf32>
    %add3A_9 = arith.addf %dot_general3A_5, %add3A : vector<1024x1024xf32>
    %get3A_10 = arith.constant 0 : index
    %get3A_11 = arith.constant 0 : index
    %get3A_12 = vector.load %arg4[%get3A_10, %get3A_11] : memref<1024x1024xi8, #tpu.memory_space<vmem>>, vector<1024x1024xi8>
    %ne3A = arith.constant 0 : i8
    %ne3A_13 = vector.broadcast %ne3A : i8 to vector<1024x1024xi8>
    %ne3A_14 = arith.cmpi ne, %get3A_12, %ne3A_13 : vector<1024x1024xi8>
    %mul3A = arith.constant 1.250000e+00 : f32
    %mul3A_15 = vector.broadcast %mul3A : f32 to vector<1024x1024xf32>
    %mul3A_16 = arith.mulf %add3A_9, %mul3A_15 : vector<1024x1024xf32>
    %jit3A = arith.constant 0.000000e+00 : f32
    %broadcast_in_dim3A = vector.broadcast %jit3A : f32 to vector<1024x1024xf32>
    %select_n3A = arith.select %ne3A_14, %mul3A_16, %broadcast_in_dim3A : vector<1024x1024xi1>, vector<1024x1024xf32>
    %ge3A = arith.constant 0.000000e+00 : f32
    %ge3A_17 = vector.broadcast %ge3A : f32 to vector<1024x1024xf32>
    %ge3A_18 = arith.cmpf oge, %select_n3A, %ge3A_17 : vector<1024x1024xf32>
    %mul3A_19 = arith.constant 0.00999999977 : f32
    %mul3A_20 = vector.broadcast %mul3A_19 : f32 to vector<1024x1024xf32>
    %mul3A_21 = arith.mulf %mul3A_20, %select_n3A : vector<1024x1024xf32>
    %select_n3A_22 = arith.select %ge3A_18, %select_n3A, %mul3A_21 : vector<1024x1024xi1>, vector<1024x1024xf32>
    %convert_element_type3A_23 = arith.truncf %select_n3A_22 : vector<1024x1024xf32> to vector<1024x1024xbf16>
    %get3A_24 = arith.constant 0 : index
    %get3A_25 = arith.constant 0 : index
    %get3A_26 = vector.load %arg5[%get3A_24, %get3A_25] : memref<256x1024xbf16, #tpu.memory_space<vmem>>, vector<256x1024xbf16>
    %dot_general3A_27 = arith.constant dense<0.000000e+00> : vector<1024x256xf32>
    %dot_general3A_28 = tpu.matmul %convert_element_type3A_23, %get3A_26, %dot_general3A_27 {dimension_numbers = #tpu.dot_dimension_numbers<[1], [1], [0], [0], [0, 0, 1, 0], [], []>, transpose_lhs_hint = false} : vector<1024x1024xbf16>, vector<256x1024xbf16>, vector<1024x256xf32> -> vector<1024x256xf32>
    %get3A_29 = arith.constant 0 : index
    %get3A_30 = arith.constant 0 : index
    %get3A_31 = vector.load %arg6[%get3A_29, %get3A_30] : memref<1x256xf32, #tpu.memory_space<vmem>>, vector<1x256xf32>
    %add3A_32 = vector.broadcast %get3A_31 : vector<1x256xf32> to vector<1024x256xf32>
    %add3A_33 = arith.addf %dot_general3A_28, %add3A_32 : vector<1024x256xf32>
    %swap3A = arith.constant 0 : index
    %swap3A_34 = arith.constant 0 : index
    %swap3A_35 = vector.load %arg7[%swap3A, %swap3A_34] : memref<1024x256xf32, #tpu.memory_space<vmem>>, vector<1024x256xf32>
    tpu.vector_store %arg7[%swap3A, %swap3A_34], %add3A_33 {strides = array<i32>} : memref<1024x256xf32, #tpu.memory_space<vmem>>, vector<1024x256xf32>,
    return
  }
  func.func @transform_0(%arg0: i32) -> (i32, i32) {
    %c0_i32 = arith.constant 0 : i32
    %c0_i32_0 = arith.constant 0 : i32
    return %arg0, %c0_i32 : i32, i32
  }
  func.func @transform_1(%arg0: i32) -> (i32, i32) {
    %c0_i32 = arith.constant 0 : i32
    %c0_i32_0 = arith.constant 0 : i32
    %c0_i32_1 = arith.constant 0 : i32
    return %c0_i32, %c0_i32_0 : i32, i32
  }
  func.func @transform_2(%arg0: i32) -> (i32, i32) {
    %c0_i32 = arith.constant 0 : i32
    %c0_i32_0 = arith.constant 0 : i32
    %c0_i32_1 = arith.constant 0 : i32
    return %c0_i32, %c0_i32_0 : i32, i32
  }
  func.func @transform_3(%arg0: i32) -> (i32, i32) {
    %c0_i32 = arith.constant 0 : i32
    %c0_i32_0 = arith.constant 0 : i32
    return %arg0, %c0_i32 : i32, i32
  }
  func.func @transform_4(%arg0: i32) -> (i32, i32) {
    %c0_i32 = arith.constant 0 : i32
    %c0_i32_0 = arith.constant 0 : i32
    %c0_i32_1 = arith.constant 0 : i32
    return %c0_i32, %c0_i32_0 : i32, i32
  }
  func.func @transform_5(%arg0: i32) -> (i32, i32) {
    %c0_i32 = arith.constant 0 : i32
    %c0_i32_0 = arith.constant 0 : i32
    %c0_i32_1 = arith.constant 0 : i32
    return %c0_i32, %c0_i32_0 : i32, i32
  }
  func.func @transform_6(%arg0: i32) -> (i32, i32) {
    %c0_i32 = arith.constant 0 : i32
    %c0_i32_0 = arith.constant 0 : i32
    return %arg0, %c0_i32 : i32, i32
  }
}

</mosaic_0001>

<sc_bundles>
// kernel: kernel.4.cloned.1.call-start
scs
__scs_entry_jumppad:
0x0: {  	(pc) =	sbr.rel $0x88, $3  }
0x1: {  	(tag) =	ssettag $0x0;
	lr =	simm.s32 $0x1  }
0x2: {  	[smem:$0x3F9B] =	sst lr;
	_ =	strace $0xD0000000  }
0x3: {  	_ = 	snop  }
0x4: {  	_ = 	snop  }
0x5: {  	_ = 	snop  }
0x6: {  	_ = 	snop  }
0x7: {  	_ = 	snop  }
__scs_overlays_trampoline_lowered:
0x8: {  	[smem:$0x3FAA] =	sst s0  }
0x9: {  	[smem:$0x3FAB] =	sst s1  }
0xa: {  	[smem:$0x3FAC] =	sst s2  }
0xb: {  	[smem:$0x3FAD] =	sst s3  }
0xc: {  	[smem:$0x3FAE] =	sst s4  }
0xd: {  	[smem:$0x3FAF] =	sst s5  }
0xe: {  	[smem:$0x3FB0] =	sst s6  }
0xf: {  	[smem:$0x3FB1] =	sst s7  }
0x10: {  	[smem:$0x3FB2] =	sst s8  }
0x11: {  	[smem:$0x3FB3] =	sst s9;
	s0 =	simm.s32 @!p0 $0x0  }
0x12: {  	s1 =	sld [smem:$0x3F99];
	s0 =	simm.s32 @p0 $0x1  }
0x13: {  	[smem:$0x3FB4] =	sst s0;
	s0 =	simm.s32 @!p1 $0x0  }
0x14: {  	s2 =	sld [smem:$0x3F98];
	s0 =	simm.s32 @p1 $0x1  }
0x15: {  	[smem:$0x3FB5] =	sst s0;
	s0 =	simm.s32 @!p2 $0x0  }
0x16: {  	s3 =	sld [smem:$0x3FDB];
	s0 =	simm.s32 @p2 $0x1  }
0x17: {  	s4 =	simm.s32 $0x1BF5;
	[smem:$0x3FB7] =	sst s0  }
0x18: {  	s0 =	sld [smem:$0x3F9A];
	_ =	swait.ge [sflag:s4], $0x0  }
0x19: {  	s7 =	sld [smem:$0x3F9B]  }
0x1a: {  	s8 =	sadd.s32 $0xFFFFE003, lr  }
0x1b: {  	s9 =	sadd.s32 $0xFFFFFEF7, lr;
	s5 =	simm.s32 $0xFFFFFFFF;
	p2 =	slt.u32 s8, $0xFFFFF086  }
0x1c: {  	p1 =	slt.u32 s9, $0xF7A;
	s5 =	simm.s32 @!p2 $0x0  }
0x1d: {  	s5 =	simm.s32 @p1 $0x1;
	p0 =	seq.s32 s7, s2  }
0x1e: {  	s7 =	smul.u32 @!p0 $0xF7A, s2;
	p2 =	seq.s32 @!p0 s5, $0x0  }
0x1f: {  	s9 =	smul.u32 $0xF7A, s1;
	s8 =	simm.s32 @!p0 $0x1BF5;
	p2 =	por !p2, p0  }
0x20: {  	[sflag:s8] =	ssyncset.s32 @!p0 $0xFFFFF086;
	s6 =	sadd.s32 @!p0 s3, s7;
	s7 =	simm.s32 @!p0 $0x108  }
0x21: {  	s3 =	sadd.s32 s3, s9;
	s6 =	sadd.s32 @!p0 $0x88, s6;
	s7 =	simm.s32 @p2 $0x1082  }
0x22: {  	[simem:s7], [sflag:s8] =	dma.local @!p0 [hbm:s6], $0xF7A  }
0x23: {  	s9 =	sor.u32 $0xD0000000, s2;
	s6 =	simm.s32 $0x108;
	_ =	swait.ge @!p0 [sflag:s8], $0x0  }
0x24: {  	s3 =	sadd.s32 $0x88, s3;
	s6 =	simm.s32 @!p1 $0x1082;
	[sflag:s4] =	ssyncset.s32 $0xFFFFF086  }
0x25: {  	[simem:s6], [sflag:s4] =	dma.local [hbm:s3], $0xF7A  }
0x26: {  	[smem:$0x3F9B] =	sst s1;
	(tag) =	ssettag s2;
	_ =	strace s9  }
0x27: {  	s1 =	sld [smem:$0x3FAB]  }
0x28: {  	s2 =	sld [smem:$0x3FAC]  }
0x29: {  	s4 =	sld [smem:$0x3FAE]  }
0x2a: {  	p0 =	seq.s32 s5, $0x0;
	s5 =	sld [smem:$0x3FAF]  }
0x2b: {  	s6 =	sld [smem:$0x3FB0]  }
0x2c: {  	s7 =	sld [smem:$0x3FB1]  }
0x2d: {  	s3 =	simm.s32 $0x108;
	s8 =	sld [smem:$0x3FB2]  }
0x2e: {  	s3 =	simm.s32 @!p0 $0x1082;
	s9 =	sld [smem:$0x3FB3]  }
0x2f: {  	lr =	sadd.s32 s0, s3;
	s0 =	sld [smem:$0x3FAA]  }
0x30: {  	s3 =	sld [smem:$0x3FAD]  }
0x31: {  	[smem:$0x3FB6] =	sst s10  }
0x32: {  	s10 =	sld [smem:$0x3FB4];
	_ =	sdelay $0x3  }
0x33: {  	p0 =	seq.s32 s10, $0x1;
	s10 =	sld [smem:$0x3FB6];
	_ =	sdelay $0x3  }
0x34: {  	[smem:$0x3FB6] =	sst s10  }
0x35: {  	s10 =	sld [smem:$0x3FB5];
	_ =	sdelay $0x3  }
0x36: {  	p1 =	seq.s32 s10, $0x1;
	s10 =	sld [smem:$0x3FB6];
	_ =	sdelay $0x3  }
0x37: {  	[smem:$0x3FB6] =	sst s10  }
0x38: {  	s10 =	sld [smem:$0x3FB7]  }
0x39: {  	_ = 	snop;
	(pc) =	sbr.ind lr, $3  }
0x3a: {  	_ = 	snop  }
0x3b: {  	_ = 	snop  }
0x3c: {  	p2 =	seq.s32 s10, $0x1;
	s10 =	sld [smem:$0x3FB6]  }
0x3d: {  	_ =	shalt  }
0x3e: {  	_ =	shalt  }
0x3f: {  	_ =	shalt  }
0x40: {  	_ =	shalt  }
0x41: {  	_ =	shalt  }
0x42: {  	_ =	shalt  }
0x43: {  	_ =	shalt  }
0x44: {  	_ =	shalt  }
0x45: {  	_ =	shalt  }
0x46: {  	_ =	shalt  }
0x47: {  	_ =	shalt  }
0x48: {  	_ =	shalt  }
0x49: {  	_ =	shalt  }
0x4a: {  	_ =	shalt  }
0x4b: {  	_ =	shalt  }
0x4c: {  	_ =	shalt  }
0x4d: {  	_ =	shalt  }
0x4e: {  	_ =	shalt  }
0x4f: {  	_ =	shalt  }
0x50: {  	_ =	shalt  }
0x51: {  	_ =	shalt  }
0x52: {  	_ =	shalt  }
0x53: {  	_ =	shalt  }
0x54: {  	_ =	shalt  }
0x55: {  	_ =	shalt  }
0x56: {  	_ =	shalt  }
0x57: {  	_ =	shalt  }
0x58: {  	_ =	shalt  }
0x59: {  	_ =	shalt  }
0x5a: {  	_ =	shalt  }
0x5b: {  	_ =	shalt  }
0x5c: {  	_ =	shalt  }
0x5d: {  	_ =	shalt  }
0x5e: {  	_ =	shalt  }
0x5f: {  	_ =	shalt  }
0x60: {  	_ =	shalt  }
0x61: {  	_ =	shalt  }
0x62: {  	_ =	shalt  }
0x63: {  	_ =	shalt  }
0x64: {  	_ =	shalt  }
0x65: {  	_ =	shalt  }
0x66: {  	_ =	shalt  }
0x67: {  	_ =	shalt  }
0x68: {  	_ =	shalt  }
0x69: {  	_ =	shalt  }
0x6a: {  	_ =	shalt  }
0x6b: {  	_ =	shalt  }
0x6c: {  	_ =	shalt  }
0x6d: {  	_ =	shalt  }
0x6e: {  	_ =	shalt  }
0x6f: {  	_ =	shalt  }
0x70: {  	_ =	shalt  }
0x71: {  	_ =	shalt  }
0x72: {  	_ =	shalt  }
0x73: {  	_ =	shalt  }
0x74: {  	_ =	shalt  }
0x75: {  	_ =	shalt  }
0x76: {  	_ =	shalt  }
0x77: {  	_ =	shalt  }
0x78: {  	_ =	shalt  }
0x79: {  	_ =	shalt  }
0x7a: {  	_ =	shalt  }
0x7b: {  	_ =	shalt  }
0x7c: {  	_ =	shalt  }
0x7d: {  	_ =	shalt  }
0x7e: {  	_ =	shalt  }
0x7f: {  	_ =	shalt  }
0x80: {  	_ =	shalt  }
0x81: {  	_ =	shalt  }
0x82: {  	_ =	shalt  }
0x83: {  	_ =	shalt  }
0x84: {  	_ =	shalt  }
0x85: {  	_ =	shalt  }
0x86: {  	_ =	shalt  }
0x87: {  	_ =	shalt  }
.Lfunc_end0:
.L_simem_size_0:
called_computation_lowered:
.L_overlay_start_0:
0x88: {  	s2 =	sld [smem:$0x3FD9]  }
0x89: {  	s3 =	sld [smem:$0x3FFE];
	_ =	sdelay $0x1  }
0x8a: {  	s1 =	srdreg.scid  }
0x8b: {  	s0 =	sand.u32 $0x1, s1  }
0x8c: {  	s17 =	sshll.u32 s0, $0xA;
	s2 =	sadd.s32 s3, s2  }
0x8d: {  	s2 =	sadd.s32 s2, s17  }
0x8e: {  	[smem:$0x3FC2] =	sst s2  }
0x8f: {  	_ = 	snop  }
0x90: {  	s2 =	sld [smem:$0x3FC9]  }
0x91: {  	s18 =	sld [smem:$0x3FC8];
	(tm) =	ssettm $0x1  }
0x92: {  	s4 =	sld [smem:$0x3FFB];
	_ =	sdelay $0x3  }
0x93: {  	_ =	strace s4  }
0x94: {  	s4 =	sld [smem:$0x3FFC];
	_ =	sdelay $0x3  }
0x95: {  	_ =	strace s4  }
0x96: {  	s4 =	sld [smem:$0x3FFD];
	_ =	sdelay $0x3  }
0x97: {  	_ =	strace s4  }
0x98: {  	_ =	strace $0x8FFFFFFF  }
0x99: {  	s19 =	sld [smem:$0x3FDB];
	_ =	sdelay $0x1  }
0x9a: {  	s5 =	simm.s32 $_scs_section_size  }
0x9b: {  	s6 =	simm.s32 $_size__tile_overlayer_lowered;
	s7 =	simm.s32 $_tile_overlayer_lowered  }
0x9c: {  	s22 =	simm.s32 $0x1BFF;
	s21 =	sshll.u32 s7, $0x1;
	s4 =	sadd.s32 s5, s19  }
0x9d: {  	s8 =	simm.s32 $0x0;
	s20 =	sshll.u32 s6, $0x1;
	s6 =	sadd.s32 s21, s4  }
0x9e: {  	[timem:s8], [sflag:s22] =	dma.local [hbm:s6], s20  }
0x9f: {  	_ =	swait.ge [sflag:s22], s20  }
0xa0: {  	s5 =	ssub.s32 $0x0, s20;
	[sflag:s22] =	ssyncset.done $0x0  }
0xa1: {  	[sflag:s22] =	ssyncadd.s32 s5;
	_ =	sdelay $0x1  }
0xa2: {  	s23 =	simm.s32 $0x1B8B  }
0xa3: {  	_ =	swait.ge [sflag:s23], $0x1  }
0xa4: {  	[sflag:s23] =	ssyncset.done $0x0  }
0xa5: {  	s25 =	simm.s32 $0x1B8E;
	s24 =	sld [smem:$0x3FFE];
	[sflag:s23] =	ssyncadd.s32 $0xFFFFFFFF  }
0xa6: {  	s26 =	simm.s32 $execute0_lowered;
	[smem:$0x3FD2] =	sst s25  }
0xa7: {  	s6 =	sshll.u32 s26, $0x1;
	_ =	strace $0x80000046;
	[dreg:$0x1] =	wrdreg $0xFFFFFFFF  }
0xa8: {  	s28 =	simm.s32 $_size_execute0_lowered;
	s4 =	sadd.s32 s4, s6;
	[dreg:$0x0] =	wrdreg $0x0  }
0xa9: {  	s6 =	sshll.u32 s28, $0x1;
	[dreg:$0x2] =	wrdreg s4  }
0xaa: {  	[dreg:$0x3] =	wrdreg s6  }
0xab: {  	[dreg:$0x4] =	wrdreg $0xC0  }
0xac: {  	_ =	task [dreg:s8], $0x5FFFF  }
0xad: {  	[dreg:$0x1] =	wrdreg $0xFFFFFFFF  }
0xae: {  	[dreg:$0x0] =	wrdreg $0x60  }
0xaf: {  	[dreg:$0x2] =	wrdreg s2  }
0xb0: {  	[dreg:$0x3] =	wrdreg s18  }
0xb1: {  	[dreg:$0x4] =	wrdreg s24  }
0xb2: {  	[dreg:$0x5] =	wrdreg $0x9  }
0xb3: {  	_ =	task.clear_ibuf [dreg:s8], $0x6FFFF;
	_ =	strace $0x90000046  }
0xb4: {  	s29 =	simm.s32 $0x9;
	_ =	strace $0x80000048  }
0xb5: {  	_ =	swait.ge [sflag:s29], $0x1  }
0xb6: {  	[sflag:s29] =	ssyncadd.s32 $0xFFFFFFFF  }
0xb7: {  	_ =	strace $0x90000048  }
0xb8: {  	_ =	sfence  }
0xb9: {  	s30 =	sld [smem:$0x0];
	_ =	sdelay $0x2  }
0xba: {  	s31 =	sshll.u32 s1, $0xD;
	s1 =	sshrl.u32 s1, $0x2  }
0xbb: {  	s3 =	sand.u32 $0x4000, s31;
	s1 =	sadd.s32 s1, s30  }
0xbc: {  	s0 =	sor.u32 s3, s0;
	s1 =	sshll.u32 s1, $0x11  }
0xbd: {  	s0 =	sor.u32 s1, s0  }
0xbe: {  	s0 =	sadd.s32 $0x8F2B, s0  }
0xbf: {  	[sflag:s0] =	ssyncadd.remote.s32 $0x1  }
0xc0: {  	_ =	sfence.sel $0xFFFF  }
0xc1: {  	[dreg:$0x0] =	wrdreg $0xFFFFFFFF;
	(pc) =	sbr.abs _section_cstart, $3  }
0xc2: {  	[dreg:$0x1] =	wrdreg $0xFFFFFFFF  }
0xc3: {  	_ =	task.clear_ibuf [dreg:s8], $0x2FFFF;
	_ =	strace $0x9FFFFFFF  }
0xc4: {  	(tm) =	ssettm $0x7FFFFFFF  }
0xc5: {  	_ =	shalt  }
tec
execute0_lowered:
.L_overlay_start_1:
0x0: {  	(tag) =	ssettag $0x1  }
0x1: {  	s0 =	rddreg [dreg:$0x0]  }
0x2: {  	s1 =	rddreg [dreg:$0x1]  }
0x3: {  	s2 =	rddreg [dreg:$0x2]  }
0x4: {  	s3 =	srdreg.scid;
	s6 =	stileid.u32  }
0x5: {  	s31 =	simm.s32 $0xA000;
	s9 =	simm.s32 $0xC000;
	s8 =	simm.s32 $0xC800  }
0x6: {  	s10 =	simm.s32 $0xD000;
	s11 =	simm.s32 $0xD800;
	s12 =	simm.s32 $0xE000  }
0x7: {  	s13 =	simm.s32 $0xE800;
	s14 =	simm.s32 $0xF000;
	s15 =	simm.s32 $0xF800  }
0x8: {  	s16 =	simm.s32 $0x10000;
	s17 =	simm.s32 $0x1;
	s18 =	simm.s32 $0x2  }
0x9: {  	s19 =	simm.s32 $0x3;
	s20 =	simm.s32 $0x4;
	s4 =	sand.u32 $0x1, s3  }
0xa: {  	s22 =	simm.s32 $0x0;
	s3 =	simm.s32 $0x0;
	s5 =	sshll.u32 s4, $0x4  }
0xb: {  	[smem:$0x7FF] =	sst s3;
	s4 =	ssub.s32 $0x2, s4;
	s5 =	sor.u32 s6, s5  }
0xc: {  	_ =	strace $0x80000047;
	s7 =	sshrl.u32 s4, $0x1;
	s6 =	sshll.u32 s5, $0xE  }
0xd: {  	v2 =	vlaneseq.u32;
	s4 =	ssub.s32 s4, s7;
	s5 =	sshll.u32 s5, $0x8;
	s7 =	sadd.s32 $0x300, s1  }
0xe: {  	v0 =	vand.u32 $0x7, v2;
	v1 =	vshrl.u32 v2, $0x3;
	s2 =	sadd.s32 s6, s2;
	s0 =	sadd.s32 s0, s5;
	s5 =	sadd.s32 $0x100, s1  }
0xf: {  	v63 =	vor.u32 $0x8, v2;
	v62 =	vmul.u32 $0x8, v1;
	[tilespmem:$0x1FFD0] =	vst v0;
	s6 =	sadd.s32 $0x200, s1;
	s30 =	smax.u32 s4, $0x1;
	[dreg:$0x4] =	wrdreg s0  }
0x10: {  	[tilespmem:$0x1FFF0] =	vst v63;
	s4 =	simm.s32 $0xB800;
	s29 =	sadd.s32 $0xC00, s2;
	[dreg:$0x6] =	wrdreg s30  }
0x11: {  	vm0 =	vmmov $0xffff;
	[tilespmem:$0x1FFE0] =	vst v62;
	s0 =	simm.s32 $0xA800;
	s2 =	simm.s32 $0xB000;
	[dreg:$0x5] =	wrdreg s29  }
.LBB2_1:
0x12: {  	[dreg:$0x7] =	wrdreg s22  }
0x13: {  	s21 =	rddreg [dreg:$0x4];
	s26 =	simm.s32 $0x5  }
0x14: {  	[tilespmem:s3], [sflag:$0x5] =	stream.linear.gather [hbm4b:s21+s3], $0x800, $0x38;
	[tilespmem:$0x14800] =	vst v63  }
0x15: {  	_ =	swait.ge [sflag:s26], $0x800  }
0x16: {  	[sflag:s26] =	ssyncset.done $0x0  }
0x17: {  	[sflag:s26] =	ssyncadd.s32 $0xFFFFF800  }
0x18: {  	v3 =	vld [tilespmem:$0x0];
	_ =	sdelay $0x2  }
0x19: {  	v0 =	vld [tilespmem:$0x1FFD0];
	_ =	sdelay $0x1  }
0x1a: {  	v1 =	vld [tilespmem:$0x1FFE0];
	v4 =	vshll.u32 v3, $0x3  }
0x1b: {  	v3 =	vand.u32 $0x7, v3;
	v4 =	vand.u32 $0xFFFFFFC0, v4  }
0x1c: {  	v3 =	vor.u32 v3, v4  }
0x1d: {  	v4 =	vperm.xlane v3, v0;
	_ =	sdelay $0x1  }
0x1e: {  	v4 =	vadd.s32 v1, v4  }
0x1f: {  	v2 =	vld [tilespmem:$0x1FFF0];
	_ =	sdelay $0x2  }
0x20: {  	s28 =	simm.s32 $0x800  }
0x21: {  	[tilespmem:s28], [sflag:$0x1] =	stream.indirect_vreg.gather [hbm4b:s1+s3], $0x80, v4, vm0, $0xb8;
	[tilespmem:$0x14800] =	vst v63  }
0x22: {  	s29 =	simm.s32 $0x1000;
	v3 =	vperm.xlane v3, v2  }
0x23: {  	[tilespmem:s29], [sflag:$0x1] =	stream.indirect_vreg.gather [hbm4b:s5+s3], $0x80, v4, vm0, $0xb8;
	[tilespmem:$0x14800] =	vst v63  }
0x24: {  	s30 =	simm.s32 $0x1800;
	v3 =	vadd.s32 v1, v3  }
0x25: {  	[tilespmem:s30], [sflag:$0x1] =	stream.indirect_vreg.gather [hbm4b:s6+s3], $0x80, v4, vm0, $0xb8;
	[tilespmem:$0x14800] =	vst v63  }
0x26: {  	s22 =	simm.s32 $0x2000  }
0x27: {  	[tilespmem:s22], [sflag:$0x1] =	stream.indirect_vreg.gather [hbm4b:s7+s3], $0x80, v4, vm0, $0xb8;
	[tilespmem:$0x14800] =	vst v63  }
0x28: {  	s23 =	simm.s32 $0x2800  }
0x29: {  	[tilespmem:s23], [sflag:$0x1] =	stream.indirect_vreg.gather [hbm4b:s1+s3], $0x80, v3, vm0, $0xb8;
	[tilespmem:$0x14800] =	vst v63  }
0x2a: {  	s24 =	simm.s32 $0x3000  }
0x2b: {  	[tilespmem:s24], [sflag:$0x1] =	stream.indirect_vreg.gather [hbm4b:s5+s3], $0x80, v3, vm0, $0xb8;
	[tilespmem:$0x14800] =	vst v63  }
0x2c: {  	s25 =	simm.s32 $0x3800  }
0x2d: {  	[tilespmem:s25], [sflag:$0x1] =	stream.indirect_vreg.gather [hbm4b:s6+s3], $0x80, v3, vm0, $0xb8;
	[tilespmem:$0x14800] =	vst v63  }
0x2e: {  	s26 =	simm.s32 $0x4000  }
0x2f: {  	[tilespmem:s26], [sflag:$0x1] =	stream.indirect_vreg.gather [hbm4b:s7+s3], $0x80, v3, vm0, $0xb8;
	[tilespmem:$0x14800] =	vst v63  }
0x30: {  	v3 =	vld [tilespmem:$0x10];
	_ =	sdelay $0x4  }
0x31: {  	v61 =	vshll.u32 v3, $0x3  }
0x32: {  	v3 =	vand.u32 $0x7, v3;
	v4 =	vand.u32 $0xFFFFFFC0, v61  }
0x33: {  	v3 =	vor.u32 v3, v4  }
0x34: {  	v4 =	vperm.xlane v3, v0;
	_ =	sdelay $0x1  }
0x35: {  	v4 =	vadd.s32 v1, v4;
	_ =	sdelay $0x3  }
0x36: {  	s28 =	simm.s32 $0x4800  }
0x37: {  	[tilespmem:s28], [sflag:$0x2] =	stream.indirect_vreg.gather [hbm4b:s1+s3], $0x80, v4, vm0, $0xb8;
	[tilespmem:$0x14800] =	vst v63  }
0x38: {  	s29 =	simm.s32 $0x5000;
	v3 =	vperm.xlane v3, v2  }
0x39: {  	[tilespmem:s29], [sflag:$0x2] =	stream.indirect_vreg.gather [hbm4b:s5+s3], $0x80, v4, vm0, $0xb8;
	[tilespmem:$0x14800] =	vst v63  }
0x3a: {  	s30 =	simm.s32 $0x5800;
	v3 =	vadd.s32 v1, v3  }
0x3b: {  	[tilespmem:s30], [sflag:$0x2] =	stream.indirect_vreg.gather [hbm4b:s6+s3], $0x80, v4, vm0, $0xb8;
	[tilespmem:$0x14800] =	vst v63  }
0x3c: {  	s22 =	simm.s32 $0x6000  }
0x3d: {  	[tilespmem:s22], [sflag:$0x2] =	stream.indirect_vreg.gather [hbm4b:s7+s3], $0x80, v4, vm0, $0xb8;
	[tilespmem:$0x14800] =	vst v63  }
0x3e: {  	s23 =	simm.s32 $0x6800  }
0x3f: {  	[tilespmem:s23], [sflag:$0x2] =	stream.indirect_vreg.gather [hbm4b:s1+s3], $0x80, v3, vm0, $0xb8;
	[tilespmem:$0x14800] =	vst v63  }
0x40: {  	s24 =	simm.s32 $0x7000  }
0x41: {  	[tilespmem:s24], [sflag:$0x2] =	stream.indirect_vreg.gather [hbm4b:s5+s3], $0x80, v3, vm0, $0xb8;
	[tilespmem:$0x14800] =	vst v63  }
0x42: {  	s25 =	simm.s32 $0x7800  }
0x43: {  	[tilespmem:s25], [sflag:$0x2] =	stream.indirect_vreg.gather [hbm4b:s6+s3], $0x80, v3, vm0, $0xb8;
	[tilespmem:$0x14800] =	vst v63  }
0x44: {  	s26 =	simm.s32 $0x8000  }
0x45: {  	[tilespmem:s26], [sflag:$0x2] =	stream.indirect_vreg.gather [hbm4b:s7+s3], $0x80, v3, vm0, $0xb8;
	[tilespmem:$0x14800] =	vst v63  }
0x46: {  	v3 =	vld [tilespmem:$0x20];
	_ =	sdelay $0x4  }
0x47: {  	v62 =	vshll.u32 v3, $0x3  }
0x48: {  	v3 =	vand.u32 $0x7, v3;
	v4 =	vand.u32 $0xFFFFFFC0, v62  }
0x49: {  	v3 =	vor.u32 v3, v4  }
0x4a: {  	v4 =	vperm.xlane v3, v0;
	_ =	sdelay $0x1  }
0x4b: {  	v4 =	vadd.s32 v1, v4;
	_ =	sdelay $0x3  }
0x4c: {  	s28 =	simm.s32 $0x8800  }
0x4d: {  	[tilespmem:s28], [sflag:$0x3] =	stream.indirect_vreg.gather [hbm4b:s1+s3], $0x80, v4, vm0, $0xb8;
	[tilespmem:$0x14800] =	vst v63  }
0x4e: {  	s29 =	simm.s32 $0x9000;
	v3 =	vperm.xlane v3, v2  }
0x4f: {  	[tilespmem:s29], [sflag:$0x3] =	stream.indirect_vreg.gather [hbm4b:s5+s3], $0x80, v4, vm0, $0xb8;
	[tilespmem:$0x14800] =	vst v63  }
0x50: {  	s30 =	simm.s32 $0x9800;
	v3 =	vadd.s32 v1, v3  }
0x51: {  	[tilespmem:s30], [sflag:$0x3] =	stream.indirect_vreg.gather [hbm4b:s6+s3], $0x80, v4, vm0, $0xb8;
	[tilespmem:$0x14800] =	vst v63  }
0x52: {  	_ = 	snop  }
0x53: {  	[tilespmem:s31], [sflag:$0x3] =	stream.indirect_vreg.gather [hbm4b:s7+s3], $0x80, v4, vm0, $0xb8;
	[tilespmem:$0x14800] =	vst v63  }
0x54: {  	_ = 	snop  }
0x55: {  	[tilespmem:s0], [sflag:$0x3] =	stream.indirect_vreg.gather [hbm4b:s1+s3], $0x80, v3, vm0, $0xb8;
	[tilespmem:$0x14800] =	vst v63  }
0x56: {  	_ = 	snop  }
0x57: {  	[tilespmem:s2], [sflag:$0x3] =	stream.indirect_vreg.gather [hbm4b:s5+s3], $0x80, v3, vm0, $0xb8;
	[tilespmem:$0x14800] =	vst v63  }
0x58: {  	_ = 	snop  }
0x59: {  	[tilespmem:s4], [sflag:$0x3] =	stream.indirect_vreg.gather [hbm4b:s6+s3], $0x80, v3, vm0, $0xb8;
	[tilespmem:$0x14800] =	vst v63  }
0x5a: {  	_ = 	snop  }
0x5b: {  	[tilespmem:s9], [sflag:$0x3] =	stream.indirect_vreg.gather [hbm4b:s7+s3], $0x80, v3, vm0, $0xb8;
	[tilespmem:$0x14800] =	vst v63  }
0x5c: {  	v3 =	vld [tilespmem:$0x30];
	_ =	sdelay $0x4  }
0x5d: {  	v63 =	vshll.u32 v3, $0x3  }
0x5e: {  	v3 =	vand.u32 $0x7, v3;
	v4 =	vand.u32 $0xFFFFFFC0, v63  }
0x5f: {  	v3 =	vor.u32 v3, v4  }
0x60: {  	v4 =	vperm.xlane v3, v0;
	_ =	sdelay $0x1  }
0x61: {  	v4 =	vadd.s32 v1, v4;
	_ =	sdelay $0x4  }
0x62: {  	[tilespmem:s8], [sflag:$0x4] =	stream.indirect_vreg.gather [hbm4b:s1+s3], $0x80, v4, vm0, $0xb8;
	[tilespmem:$0x14800] =	vst v63  }
0x63: {  	v3 =	vperm.xlane v3, v2  }
0x64: {  	[tilespmem:s10], [sflag:$0x4] =	stream.indirect_vreg.gather [hbm4b:s5+s3], $0x80, v4, vm0, $0xb8;
	[tilespmem:$0x14800] =	vst v63  }
0x65: {  	v3 =	vadd.s32 v1, v3  }
0x66: {  	[tilespmem:s11], [sflag:$0x4] =	stream.indirect_vreg.gather [hbm4b:s6+s3], $0x80, v4, vm0, $0xb8;
	[tilespmem:$0x14800] =	vst v63  }
0x67: {  	_ = 	snop  }
0x68: {  	[tilespmem:s12], [sflag:$0x4] =	stream.indirect_vreg.gather [hbm4b:s7+s3], $0x80, v4, vm0, $0xb8;
	[tilespmem:$0x14800] =	vst v63  }
0x69: {  	_ = 	snop  }
0x6a: {  	[tilespmem:s13], [sflag:$0x4] =	stream.indirect_vreg.gather [hbm4b:s1+s3], $0x80, v3, vm0, $0xb8;
	[tilespmem:$0x14800] =	vst v63  }
0x6b: {  	_ = 	snop  }
0x6c: {  	[tilespmem:s14], [sflag:$0x4] =	stream.indirect_vreg.gather [hbm4b:s5+s3], $0x80, v3, vm0, $0xb8;
	[tilespmem:$0x14800] =	vst v63  }
0x6d: {  	_ = 	snop  }
0x6e: {  	[tilespmem:s15], [sflag:$0x4] =	stream.indirect_vreg.gather [hbm4b:s6+s3], $0x80, v3, vm0, $0xb8;
	[tilespmem:$0x14800] =	vst v63  }
0x6f: {  	s23 =	simm.s32 $0x0  }
0x70: {  	[tilespmem:s16], [sflag:$0x4] =	stream.indirect_vreg.gather [hbm4b:s7+s3], $0x80, v3, vm0, $0xb8;
	[tilespmem:$0x14800] =	vst v63  }
.LBB2_2:
0x71: {  	[dreg:$0x8] =	wrdreg s23;
	s21 =	sshll.u32 s23, $0x4  }
0x72: {  	s22 =	simm.s32 $0x0;
	p0 =	por $0x0, $0x0;
	s23 =	simm.s32 $0x0  }
.LBB2_3:
0x73: {  	_ =	swait.ge [sflag:s17], $0x4000  }
0x74: {  	[sflag:s17] =	ssyncset.done $0x0  }
0x75: {  	s30 =	simm.s32 $0x2800;
	[sflag:s17] =	ssyncadd.s32 $0xFFFFC000  }
0x76: {  	v4 =	vld [tilespmem:s30+$0xFFFFE070]  }
0x77: {  	v5 =	vld [tilespmem:s30+$0xFFFFE0F0]  }
0x78: {  	v6 =	vld [tilespmem:s30+$0xFFFFE170]  }
0x79: {  	v7 =	vld [tilespmem:s30+$0xFFFFE1F0]  }
0x7a: {  	v8 =	vld [tilespmem:s30+$0xFFFFE270]  }
0x7b: {  	v9 =	vld [tilespmem:s30+$0xFFFFE2F0]  }
0x7c: {  	v10 =	vld [tilespmem:s30+$0xFFFFE370]  }
0x7d: {  	v11 =	vld [tilespmem:s30+$0xFFFFE3F0]  }
0x7e: {  	v12 =	vld [tilespmem:s30+$0x70]  }
0x7f: {  	v13 =	vld [tilespmem:s30+$0xF0]  }
0x80: {  	v14 =	vld [tilespmem:s30+$0x170]  }
0x81: {  	v15 =	vld [tilespmem:s30+$0x1F0]  }
0x82: {  	v16 =	vld [tilespmem:s30+$0x270]  }
0x83: {  	v17 =	vld [tilespmem:s30+$0x2F0]  }
0x84: {  	v18 =	vld [tilespmem:s30+$0x370]  }
0x85: {  	v19 =	vld [tilespmem:s30+$0x3F0]  }
0x86: {  	v3 =	vld [tilespmem:s30+$0xFFFFE080]  }
0x87: {  	v20 =	vld [tilespmem:s30+$0xFFFFE100]  }
0x88: {  	v21 =	vld [tilespmem:s30+$0xFFFFE180]  }
0x89: {  	v22 =	vld [tilespmem:s30+$0xFFFFE200]  }
0x8a: {  	v23 =	vld [tilespmem:s30+$0xFFFFE280]  }
0x8b: {  	v24 =	vld [tilespmem:s30+$0xFFFFE300]  }
0x8c: {  	v25 =	vld [tilespmem:s30+$0xFFFFE380]  }
0x8d: {  	v26 =	vld [tilespmem:s30+$0x0]  }
0x8e: {  	v0 =	vld [tilespmem:s30+$0x300]  }
0x8f: {  	v27 =	vld [tilespmem:s30+$0x80]  }
0x90: {  	v28 =	vld [tilespmem:s30+$0x100]  }
0x91: {  	v29 =	vld [tilespmem:s30+$0x180]  }
0x92: {  	v30 =	vld [tilespmem:s30+$0x200]  }
0x93: {  	v31 =	vld [tilespmem:s30+$0x280];
	[tilespmem:$0x1FF40] =	vst v0  }
0x94: {  	v0 =	vld [tilespmem:s30+$0x380];
	_ =	sdelay $0x4  }
0x95: {  	[tilespmem:$0x1FF50] =	vst v0  }
0x96: {  	v34 =	vld [tilespmem:s30+$0xFFFFE010]  }
0x97: {  	v35 =	vld [tilespmem:s30+$0xFFFFE090]  }
0x98: {  	v36 =	vld [tilespmem:s30+$0xFFFFE110]  }
0x99: {  	v37 =	vld [tilespmem:s30+$0xFFFFE190]  }
0x9a: {  	v38 =	vld [tilespmem:s30+$0xFFFFE210]  }
0x9b: {  	v39 =	vld [tilespmem:s30+$0xFFFFE290]  }
0x9c: {  	v40 =	vld [tilespmem:s30+$0xFFFFE310]  }
0x9d: {  	v41 =	vld [tilespmem:s30+$0xFFFFE390]  }
0x9e: {  	v42 =	vld [tilespmem:s30+$0x10]  }
0x9f: {  	v43 =	vld [tilespmem:s30+$0x90]  }
0xa0: {  	v44 =	vld [tilespmem:s30+$0x110]  }
0xa1: {  	v45 =	vld [tilespmem:s30+$0x190]  }
0xa2: {  	v46 =	vld [tilespmem:s30+$0x210]  }
0xa3: {  	v47 =	vld [tilespmem:s30+$0x290]  }
0xa4: {  	v48 =	vld [tilespmem:s30+$0x310]  }
0xa5: {  	v49 =	vld [tilespmem:s30+$0x390]  }
0xa6: {  	v50 =	vld [tilespmem:s30+$0xFFFFE020]  }
0xa7: {  	v51 =	vld [tilespmem:s30+$0xFFFFE0A0]  }
0xa8: {  	v52 =	vld [tilespmem:s30+$0xFFFFE120]  }
0xa9: {  	v53 =	vld [tilespmem:s30+$0xFFFFE1A0]  }
0xaa: {  	v54 =	vld [tilespmem:s30+$0xFFFFE220]  }
0xab: {  	v55 =	vld [tilespmem:s30+$0xFFFFE2A0]  }
0xac: {  	v56 =	vld [tilespmem:s30+$0xFFFFE320]  }
0xad: {  	v57 =	vld [tilespmem:s30+$0xFFFFE3A0]  }
0xae: {  	v58 =	vld [tilespmem:s30+$0x20]  }
0xaf: {  	v59 =	vld [tilespmem:s30+$0xA0]  }
0xb0: {  	v60 =	vld [tilespmem:s30+$0x120]  }
0xb1: {  	v1 =	vld [tilespmem:s30+$0xFFFFE030]  }
0xb2: {  	v61 =	vld [tilespmem:s30+$0x1A0]  }
0xb3: {  	v62 =	vld [tilespmem:s30+$0x220]  }
0xb4: {  	v63 =	vld [tilespmem:s30+$0x2A0]  }
0xb5: {  	v0 =	vld [tilespmem:s30+$0x320]  }
0xb6: {  	v2 =	vld [tilespmem:s30+$0x3A0];
	[tilespmem:$0x1FF60] =	vst v1  }
0xb7: {  	v32 =	vld [tilespmem:s30+$0xFFFFE130];
	_ =	sdelay $0x4  }
0xb8: {  	v1 =	vld [tilespmem:s30+$0xFFFFE0B0];
	[tilespmem:$0x1FF70] =	vst v32  }
0xb9: {  	v32 =	vld [tilespmem:s30+$0xFFFFE1B0];
	_ =	sdelay $0x4  }
0xba: {  	[tilespmem:$0x1FF80] =	vst v32  }
0xbb: {  	v32 =	vld [tilespmem:s30+$0xFFFFE230];
	_ =	sdelay $0x4  }
0xbc: {  	[tilespmem:$0x1FF90] =	vst v32  }
0xbd: {  	v32 =	vld [tilespmem:s30+$0xFFFFE2B0];
	_ =	sdelay $0x1  }
0xbe: {  	v4 =	vadd.f32 v5, v4;
	v5 =	vadd.f32 v7, v6  }
0xbf: {  	v7 =	vadd.f32 v9, v8;
	v8 =	vadd.f32 v11, v10  }
0xc0: {  	v10 =	vadd.f32 v13, v12;
	v11 =	vadd.f32 v15, v14  }
0xc1: {  	v13 =	vadd.f32 v17, v16;
	v14 =	vadd.f32 v19, v18;
	[tilespmem:$0x1FFA0] =	vst v32  }
0xc2: {  	v4 =	vadd.f32 v5, v4;
	v5 =	vadd.f32 v8, v7;
	v32 =	vld [tilespmem:s30+$0xFFFFE330]  }
0xc3: {  	v7 =	vadd.f32 v11, v10;
	v8 =	vadd.f32 v14, v13  }
0xc4: {  	v44 =	vadd.f32 v45, v44;
	v45 =	vadd.f32 v47, v46;
	v47 =	vld [tilespmem:$0x1FF40]  }
0xc5: {  	v7 =	vadd.f32 v8, v7;
	v46 =	vadd.f32 v49, v48;
	v48 =	vld [tilespmem:$0x1FF50]  }
0xc6: {  	v8 =	vadd.f32 v23, v22;
	v35 =	vadd.f32 v35, v34  }
0xc7: {  	v37 =	vadd.f32 v37, v36;
	v51 =	vadd.f32 v51, v50;
	v50 =	vld [tilespmem:$0x1FF60];
	[tilespmem:$0x1FFB0] =	vst v32  }
0xc8: {  	v55 =	vadd.f32 v55, v54;
	v57 =	vadd.f32 v57, v56;
	v33 =	vld [tilespmem:s30+$0x30]  }
0xc9: {  	v53 =	vadd.f32 v53, v52;
	v22 =	vadd.f32 v37, v35;
	v52 =	vld [tilespmem:$0x1FF70]  }
0xca: {  	v35 =	vadd.f32 v48, v47;
	v48 =	vadd.f32 v57, v55;
	v55 =	vld [tilespmem:$0x1FF90]  }
0xcb: {  	v56 =	vld [tilespmem:$0x1FFA0]  }
0xcc: {  	v32 =	vld [tilespmem:s30+$0xFFFFE3B0]  }
0xcd: {  	v57 =	vld [tilespmem:$0x1FFB0];
	[tilespmem:$0x1FFC0] =	vst v33  }
0xce: {  	v6 =	vld [tilespmem:s30+$0xB0]  }
0xcf: {  	v9 =	vld [tilespmem:s30+$0x130]  }
0xd0: {  	v12 =	vld [tilespmem:s30+$0x1B0]  }
0xd1: {  	v15 =	vld [tilespmem:s30+$0x230]  }
0xd2: {  	v16 =	vld [tilespmem:s30+$0x2B0]  }
0xd3: {  	v11 =	vld [tilespmem:s30+$0x330]  }
0xd4: {  	v13 =	vld [tilespmem:s30+$0x3B0]  }
0xd5: {  	v14 =	vld [tilespmem:s30+$0xFFFFE040]  }
0xd6: {  	v18 =	vld [tilespmem:s30+$0xFFFFE0C0]  }
0xd7: {  	v5 =	vadd.f32 v5, v4;
	v4 =	vadd.f32 v21, v20;
	v20 =	vld [tilespmem:s30+$0xFFFFE140]  }
0xd8: {  	v17 =	vld [tilespmem:s30+$0xFFFFE1C0]  }
0xd9: {  	v21 =	vld [tilespmem:s30+$0xFFFFE240]  }
0xda: {  	v33 =	vadd.f32 v25, v24;
	v24 =	vld [tilespmem:s30+$0xFFFFE2C0]  }
0xdb: {  	v10 =	vadd.f32 v27, v26;
	v27 =	vld [tilespmem:s30+$0xFFFFE340]  }
0xdc: {  	v19 =	vadd.f32 v7, v5;
	v7 =	vadd.f32 v29, v28;
	v28 =	vld [tilespmem:s30+$0xFFFFE3C0]  }
0xdd: {  	v29 =	vld [tilespmem:s30+$0x40]  }
0xde: {  	v34 =	vld [tilespmem:s30+$0xC0]  }
0xdf: {  	v39 =	vadd.f32 v39, v38;
	v41 =	vadd.f32 v41, v40;
	v37 =	vld [tilespmem:s30+$0x240]  }
0xe0: {  	v38 =	vld [tilespmem:s30+$0x2C0]  }
0xe1: {  	v43 =	vadd.f32 v43, v42;
	v25 =	vadd.f32 v41, v39;
	v39 =	vld [tilespmem:s30+$0x340]  }
0xe2: {  	v49 =	vadd.f32 v46, v45;
	v46 =	vld [tilespmem:s30+$0x3C0]  }
0xe3: {  	v0 =	vadd.f32 v2, v0;
	v23 =	vadd.f32 v44, v43;
	v2 =	vld [tilespmem:s30+$0xFFFFE050]  }
0xe4: {  	v7 =	vadd.f32 v7, v10;
	v47 =	vadd.f32 v63, v62;
	v26 =	vld [tilespmem:s30+$0xFFFFE0D0]  }
0xe5: {  	v45 =	vadd.f32 v61, v60;
	v23 =	vadd.f32 v49, v23;
	v40 =	vld [tilespmem:s30+$0xFFFFE150]  }
0xe6: {  	v1 =	vadd.f32 v1, v50;
	v0 =	vadd.f32 v0, v47;
	v54 =	vld [tilespmem:s30+$0xFFFFE250]  }
0xe7: {  	v41 =	vadd.f32 v56, v55;
	v32 =	vadd.f32 v32, v57;
	v44 =	vld [tilespmem:s30+$0x350]  }
0xe8: {  	v47 =	vld [tilespmem:s30+$0x3D0];
	v5 =	vadd.f32 v33, v8;
	v33 =	vadd.f32 v59, v58  }
0xe9: {  	v8 =	vadd.f32 v31, v30;
	v22 =	vadd.f32 v25, v22;
	v25 =	vld [tilespmem:s30+$0x140]  }
0xea: {  	v30 =	vld [tilespmem:s30+$0x1C0];
	v31 =	vadd.f32 v53, v51;
	v49 =	vadd.f32 v45, v33  }
0xeb: {  	v51 =	vld [tilespmem:s30+$0xFFFFE1D0];
	v32 =	vadd.f32 v32, v41;
	v22 =	vadd.f32 v23, v22  }
0xec: {  	v53 =	vld [tilespmem:$0x1FF80];
	v23 =	vadd.f32 v48, v31;
	v0 =	vadd.f32 v0, v49  }
0xed: {  	v59 =	vld [tilespmem:$0x1FFC0];
	v9 =	vadd.f32 v12, v9;
	v15 =	vadd.f32 v16, v15  }
0xee: {  	v58 =	vld [tilespmem:s30+$0xFFFFE2D0];
	v11 =	vadd.f32 v13, v11;
	v14 =	vadd.f32 v18, v14  }
0xef: {  	v60 =	vld [tilespmem:s30+$0xFFFFE350];
	v34 =	vadd.f32 v34, v29;
	v45 =	vadd.f32 v38, v37  }
0xf0: {  	v61 =	vld [tilespmem:s30+$0xD0];
	v46 =	vadd.f32 v46, v39;
	v2 =	vadd.f32 v26, v2  }
0xf1: {  	v62 =	vld [tilespmem:s30+$0x1D0];
	v56 =	vadd.f32 v47, v44;
	v33 =	vadd.f32 v53, v52  }
0xf2: {  	v63 =	vld [tilespmem:s30+$0x250];
	v6 =	vadd.f32 v6, v59;
	v41 =	vadd.f32 v30, v25  }
0xf3: {  	v57 =	vld [tilespmem:s30+$0xFFFFE360];
	v50 =	vadd.f32 v51, v40;
	v52 =	vadd.f32 v58, v54  }
0xf4: {  	v12 =	vld [tilespmem:s30+$0xFFFFE3D0];
	v0 =	vadd.f32 v0, v23;
	v48 =	vadd.f32 v46, v45  }
0xf5: {  	v13 =	vld [tilespmem:s30+$0x50];
	v1 =	vadd.f32 v33, v1;
	v6 =	vadd.f32 v9, v6  }
0xf6: {  	v49 =	vld [tilespmem:s30+$0xFFFFE0E0];
	v9 =	vadd.f32 v11, v15;
	v15 =	vadd.f32 v17, v20  }
0xf7: {  	v11 =	vld [tilespmem:s30+$0x150];
	v2 =	vadd.f32 v50, v2;
	v1 =	vadd.f32 v32, v1  }
0xf8: {  	v6 =	vadd.f32 v9, v6;
	v9 =	vadd.f32 v24, v21;
	v32 =	vld [tilespmem:s30+$0x2D0]  }
0xf9: {  	v51 =	vld [tilespmem:s30+$0xFFFFE1E0];
	v14 =	vadd.f32 v15, v14;
	v15 =	vadd.f32 v28, v27  }
0xfa: {  	v53 =	vld [tilespmem:s30+$0xFFFFE260];
	v12 =	vadd.f32 v12, v60;
	v13 =	vadd.f32 v61, v13  }
0xfb: {  	v54 =	vld [tilespmem:s30+$0xFFFFE2E0];
	v1 =	vadd.f32 v6, v1;
	v6 =	vadd.f32 v15, v9  }
0xfc: {  	s24 =	simm.s32 $0x1;
	v9 =	vld [tilespmem:s30+$0xFFFFE060];
	v15 =	vadd.f32 v41, v34;
	v11 =	vadd.f32 v62, v11  }
0xfd: {  	s25 =	sshll.u32 s22, $0x2;
	s24 =	simm.s32 @!p0 $0x0;
	v6 =	vadd.f32 v6, v14;
	v14 =	vld [tilespmem:s30+$0xFFFFE160];
	v55 =	vadd.f32 v32, v63  }
0xfe: {  	s25 =	sand.u32 $0xFFFF8000, s25;
	s24 =	sshll.u32 s24, $0xB;
	v58 =	vld [tilespmem:s30+$0xFFFFE3E0];
	v12 =	vadd.f32 v12, v52;
	v15 =	vadd.f32 v48, v15  }
0xff: {  	s24 =	sor.u32 s24, s25;
	v59 =	vld [tilespmem:s30+$0x60];
	v11 =	vadd.f32 v11, v13;
	v13 =	vadd.f32 v56, v55  }
0x100: {  	s25 =	sshrl.u32 s24, $0x2;
	v61 =	vld [tilespmem:s30+$0x160];
	v2 =	vadd.f32 v12, v2;
	v6 =	vadd.f32 v15, v6;
	v15 =	vmul.f32 $6.250000000e-02, v19  }
0x101: {  	s29 =	sadd.s32 $0x10840, s25;
	v0 =	vmul.f32 $6.250000000e-02, v0;
	v12 =	vld [tilespmem:s30+$0xE0];
	v60 =	vadd.f32 v49, v9;
	v11 =	vadd.f32 v13, v11  }
0x102: {  	v9 =	vmul.f32 $6.250000000e-02, v22;
	[tilespmem:s29+$0x30] =	vst v15;
	v15 =	vld [tilespmem:s30+$0x1E0];
	v13 =	vadd.f32 v51, v14;
	v14 =	vadd.f32 v54, v53  }
0x103: {  	v10 =	vld [tilespmem:s30+$0x2E0];
	[tilespmem:s29+$0xFFFFFFE0] =	vst v0;
	v1 =	vmul.f32 $6.250000000e-02, v1;
	v2 =	vadd.f32 v11, v2;
	v11 =	vadd.f32 v58, v57  }
0x104: {  	v62 =	vadd.f32 v35, v8;
	v0 =	vmul.f32 $6.250000000e-02, v6;
	[tilespmem:s29+$0xFFFFFFD0] =	vst v9;
	v9 =	vld [tilespmem:s30+$0x260]  }
0x105: {  	v8 =	vld [tilespmem:s30+$0x360];
	[tilespmem:s29+$0xFFFFFFF0] =	vst v1;
	v1 =	vadd.f32 v13, v60;
	v2 =	vmul.f32 $6.250000000e-02, v2;
	v63 =	vadd.f32 v11, v14  }
0x106: {  	s24 =	sadd.s32 $0x109F0, s25;
	s26 =	sadd.s32 $0x10970, s25;
	v6 =	vadd.f32 v62, v7;
	[tilespmem:s29+$0x0] =	vst v0;
	v11 =	vadd.f32 v12, v59;
	v12 =	vld [tilespmem:s30+$0x3E0]  }
0x107: {  	s28 =	sadd.s32 $0x108F0, s25;
	s25 =	simm.s32 $0x0;
	v13 =	vld [tilespmem:s30+$0xFFFFE000];
	v14 =	vadd.f32 v15, v61;
	s30 =	simm.s32 $0x2C00;
	[tilespmem:s29+$0x10] =	vst v2;
	v7 =	vadd.f32 v63, v1  }
.LBB2_4:
0x108: {  	v0 =	vld [tilespmem:s30+$0xFFFFE070]  }
0x109: {  	v1 =	vld [tilespmem:s30+$0xFFFFE0F0];
	v2 =	vadd.f32 v10, v9;
	v9 =	vadd.f32 v14, v11  }
0x10a: {  	v10 =	vld [tilespmem:s30+$0xFFFFE170]  }
0x10b: {  	v11 =	vld [tilespmem:s30+$0xFFFFE1F0];
	v8 =	vadd.f32 v12, v8  }
0x10c: {  	v12 =	vld [tilespmem:s30+$0xFFFFE270];
	v3 =	vadd.f32 v3, v13  }
0x10d: {  	v13 =	vld [tilespmem:s30+$0xFFFFE2F0];
	v2 =	vadd.f32 v8, v2  }
0x10e: {  	v8 =	vld [tilespmem:s30+$0xFFFFE370];
	v3 =	vadd.f32 v4, v3  }
0x10f: {  	v4 =	vld [tilespmem:s30+$0xFFFFE3F0];
	v2 =	vadd.f32 v2, v9  }
0x110: {  	v9 =	vld [tilespmem:s30+$0x70];
	v3 =	vadd.f32 v5, v3  }
0x111: {  	v5 =	vld [tilespmem:s30+$0xF0];
	v2 =	vadd.f32 v2, v7  }
0x112: {  	v7 =	vld [tilespmem:s30+$0x170];
	v3 =	vadd.f32 v6, v3  }
0x113: {  	v6 =	vld [tilespmem:s30+$0x1F0];
	v2 =	vmul.f32 $6.250000000e-02, v2  }
0x114: {  	v14 =	vld [tilespmem:s30+$0x270];
	v3 =	vmul.f32 $6.250000000e-02, v3  }
0x115: {  	v15 =	vld [tilespmem:s30+$0x2F0];
	[tilespmem:s29+$0x20] =	vst v2  }
0x116: {  	v2 =	vld [tilespmem:s30+$0x370];
	[tilespmem:s29+$0xFFFFFFC0] =	vst v3  }
0x117: {  	s25 =	sadd.s32 $0x8, s25;
	v16 =	vld [tilespmem:s30+$0x3F0]  }
0x118: {  	p1 =	slt.u32 s25, $0x38;
	v3 =	vld [tilespmem:s30+$0xFFFFE080]  }
0x119: {  	v0 =	vadd.f32 v1, v0;
	v1 =	vadd.f32 v11, v10;
	v17 =	vld [tilespmem:s30+$0xFFFFE100]  }
0x11a: {  	v11 =	vadd.f32 v13, v12;
	v4 =	vadd.f32 v4, v8;
	v10 =	vld [tilespmem:s30+$0xFFFFE180]  }
0x11b: {  	v5 =	vadd.f32 v5, v9;
	v6 =	vadd.f32 v6, v7;
	v8 =	vld [tilespmem:s30+$0xFFFFE200]  }
0x11c: {  	v9 =	vadd.f32 v15, v14;
	v7 =	vld [tilespmem:s30+$0xFFFFE280];
	v2 =	vadd.f32 v16, v2  }
0x11d: {  	v0 =	vadd.f32 v1, v0;
	v1 =	vadd.f32 v4, v11;
	v12 =	vld [tilespmem:s30+$0xFFFFE300]  }
0x11e: {  	v5 =	vadd.f32 v6, v5;
	v11 =	vld [tilespmem:s30+$0xFFFFE380];
	v2 =	vadd.f32 v2, v9  }
0x11f: {  	v6 =	vld [tilespmem:s30+$0x0];
	v4 =	vadd.f32 v10, v17  }
0x120: {  	v0 =	vadd.f32 v1, v0;
	v9 =	vld [tilespmem:s30+$0x80];
	v1 =	vadd.f32 v2, v5  }
0x121: {  	v2 =	vld [tilespmem:s30+$0x100];
	v5 =	vadd.f32 v7, v8  }
0x122: {  	v7 =	vld [tilespmem:s30+$0x180];
	v0 =	vadd.f32 v1, v0  }
0x123: {  	v1 =	vld [tilespmem:s30+$0x200];
	v8 =	vadd.f32 v11, v12  }
0x124: {  	v10 =	vld [tilespmem:s30+$0x280];
	v0 =	vmul.f32 $6.250000000e-02, v0  }
0x125: {  	s29 =	sadd.s32 $0x400, s29;
	v11 =	vld [tilespmem:s30+$0x300];
	v6 =	vadd.f32 v9, v6;
	v5 =	vadd.f32 v8, v5  }
0x126: {  	v8 =	vld [tilespmem:s30+$0x380];
	[tilespmem:s29+$0x30] =	vst v0  }
0x127: {  	v0 =	vadd.f32 v7, v2;
	v2 =	vld [tilespmem:s30+$0xFFFFE010]  }
0x128: {  	v7 =	vld [tilespmem:s30+$0xFFFFE090]  }
0x129: {  	v1 =	vadd.f32 v10, v1;
	v0 =	vadd.f32 v0, v6;
	v9 =	vld [tilespmem:s30+$0xFFFFE110]  }
0x12a: {  	v10 =	vld [tilespmem:s30+$0xFFFFE190]  }
0x12b: {  	v6 =	vadd.f32 v8, v11;
	v8 =	vld [tilespmem:s30+$0xFFFFE210]  }
0x12c: {  	v11 =	vld [tilespmem:s30+$0xFFFFE290]  }
0x12d: {  	v1 =	vadd.f32 v6, v1;
	v12 =	vld [tilespmem:s30+$0xFFFFE310];
	v2 =	vadd.f32 v7, v2  }
0x12e: {  	v7 =	vld [tilespmem:s30+$0xFFFFE390]  }
0x12f: {  	v6 =	vadd.f32 v1, v0;
	v0 =	vld [tilespmem:s30+$0x10];
	v1 =	vadd.f32 v10, v9  }
0x130: {  	v9 =	vld [tilespmem:s30+$0x90]  }
0x131: {  	v10 =	vld [tilespmem:s30+$0x110];
	v8 =	vadd.f32 v11, v8;
	v1 =	vadd.f32 v1, v2  }
0x132: {  	v2 =	vld [tilespmem:s30+$0x190]  }
0x133: {  	v11 =	vld [tilespmem:s30+$0x210];
	v7 =	vadd.f32 v7, v12  }
0x134: {  	v12 =	vld [tilespmem:s30+$0x290]  }
0x135: {  	v13 =	vld [tilespmem:s30+$0x310];
	v0 =	vadd.f32 v9, v0;
	v7 =	vadd.f32 v7, v8  }
0x136: {  	v8 =	vld [tilespmem:s30+$0x390]  }
0x137: {  	v2 =	vadd.f32 v2, v10;
	v1 =	vadd.f32 v7, v1;
	v7 =	vld [tilespmem:s30+$0xFFFFE020]  }
0x138: {  	v9 =	vld [tilespmem:s30+$0xFFFFE0A0]  }
0x139: {  	v10 =	vadd.f32 v12, v11;
	v0 =	vadd.f32 v2, v0;
	v2 =	vld [tilespmem:s30+$0xFFFFE120]  }
0x13a: {  	v11 =	vld [tilespmem:s30+$0xFFFFE1A0]  }
0x13b: {  	v8 =	vadd.f32 v8, v13;
	v12 =	vld [tilespmem:s30+$0xFFFFE220]  }
0x13c: {  	v13 =	vld [tilespmem:s30+$0xFFFFE2A0]  }
0x13d: {  	v8 =	vadd.f32 v8, v10;
	v10 =	vld [tilespmem:s30+$0xFFFFE320];
	v7 =	vadd.f32 v9, v7  }
0x13e: {  	v9 =	vld [tilespmem:s30+$0xFFFFE3A0]  }
0x13f: {  	v0 =	vadd.f32 v8, v0;
	v8 =	vld [tilespmem:s30+$0x20];
	v2 =	vadd.f32 v11, v2  }
0x140: {  	v11 =	vld [tilespmem:s30+$0xA0]  }
0x141: {  	v14 =	vld [tilespmem:s30+$0x120];
	v12 =	vadd.f32 v13, v12;
	v2 =	vadd.f32 v2, v7  }
0x142: {  	v0 =	vadd.f32 v0, v1;
	v1 =	vld [tilespmem:s30+$0x1A0]  }
0x143: {  	v7 =	vld [tilespmem:s30+$0x220];
	v9 =	vadd.f32 v9, v10  }
0x144: {  	v0 =	vmul.f32 $6.250000000e-02, v0;
	v10 =	vld [tilespmem:s30+$0x2A0]  }
0x145: {  	v13 =	vld [tilespmem:s30+$0x320];
	v8 =	vadd.f32 v11, v8;
	v9 =	vadd.f32 v9, v12  }
0x146: {  	[tilespmem:s29+$0xFFFFFFD0] =	vst v0;
	v0 =	vld [tilespmem:s30+$0x3A0]  }
0x147: {  	v1 =	vadd.f32 v1, v14;
	v2 =	vadd.f32 v9, v2;
	v9 =	vld [tilespmem:s30+$0xFFFFE030]  }
0x148: {  	v11 =	vld [tilespmem:s30+$0xFFFFE0B0]  }
0x149: {  	v7 =	vadd.f32 v10, v7;
	v1 =	vadd.f32 v1, v8;
	v8 =	vld [tilespmem:s30+$0xFFFFE130]  }
0x14a: {  	v10 =	vld [tilespmem:s30+$0xFFFFE1B0]  }
0x14b: {  	v0 =	vadd.f32 v0, v13;
	v12 =	vld [tilespmem:s30+$0xFFFFE230]  }
0x14c: {  	v13 =	vld [tilespmem:s30+$0xFFFFE2B0]  }
0x14d: {  	v0 =	vadd.f32 v0, v7;
	v7 =	vld [tilespmem:s30+$0xFFFFE330];
	v9 =	vadd.f32 v11, v9  }
0x14e: {  	v11 =	vld [tilespmem:s30+$0xFFFFE3B0]  }
0x14f: {  	v0 =	vadd.f32 v0, v1;
	v1 =	vld [tilespmem:s30+$0x30];
	v8 =	vadd.f32 v10, v8  }
0x150: {  	v10 =	vld [tilespmem:s30+$0xB0]  }
0x151: {  	v14 =	vld [tilespmem:s30+$0x130];
	v12 =	vadd.f32 v13, v12;
	v8 =	vadd.f32 v8, v9  }
0x152: {  	v0 =	vadd.f32 v0, v2;
	v2 =	vld [tilespmem:s30+$0x1B0]  }
0x153: {  	v9 =	vld [tilespmem:s30+$0x230];
	v7 =	vadd.f32 v11, v7  }
0x154: {  	v0 =	vmul.f32 $6.250000000e-02, v0;
	v11 =	vld [tilespmem:s30+$0x2B0]  }
0x155: {  	v13 =	vld [tilespmem:s30+$0x330];
	v1 =	vadd.f32 v10, v1;
	v7 =	vadd.f32 v7, v12  }
0x156: {  	[tilespmem:s29+$0xFFFFFFE0] =	vst v0;
	v0 =	vld [tilespmem:s30+$0x3B0]  }
0x157: {  	v2 =	vadd.f32 v2, v14;
	v7 =	vadd.f32 v7, v8;
	v8 =	vld [tilespmem:s30+$0xFFFFE040]  }
0x158: {  	v10 =	vld [tilespmem:s30+$0xFFFFE0C0]  }
0x159: {  	v9 =	vadd.f32 v11, v9;
	v1 =	vadd.f32 v2, v1;
	v2 =	vld [tilespmem:s30+$0xFFFFE140]  }
0x15a: {  	v11 =	vld [tilespmem:s30+$0xFFFFE1C0]  }
0x15b: {  	v0 =	vadd.f32 v0, v13;
	v12 =	vld [tilespmem:s30+$0xFFFFE240]  }
0x15c: {  	v13 =	vld [tilespmem:s30+$0xFFFFE2C0]  }
0x15d: {  	v0 =	vadd.f32 v0, v9;
	v9 =	vld [tilespmem:s30+$0xFFFFE340];
	v8 =	vadd.f32 v10, v8  }
0x15e: {  	v10 =	vld [tilespmem:s30+$0xFFFFE3C0]  }
0x15f: {  	v0 =	vadd.f32 v0, v1;
	v1 =	vld [tilespmem:s30+$0x40];
	v2 =	vadd.f32 v11, v2  }
0x160: {  	v11 =	vld [tilespmem:s30+$0xC0]  }
0x161: {  	v14 =	vld [tilespmem:s30+$0x140];
	v12 =	vadd.f32 v13, v12;
	v2 =	vadd.f32 v2, v8  }
0x162: {  	v0 =	vadd.f32 v0, v7;
	v7 =	vld [tilespmem:s30+$0x1C0]  }
0x163: {  	v8 =	vld [tilespmem:s30+$0x240];
	v9 =	vadd.f32 v10, v9  }
0x164: {  	v0 =	vmul.f32 $6.250000000e-02, v0;
	v10 =	vld [tilespmem:s30+$0x2C0]  }
0x165: {  	v13 =	vld [tilespmem:s30+$0x340];
	v1 =	vadd.f32 v11, v1;
	v9 =	vadd.f32 v9, v12  }
0x166: {  	[tilespmem:s29+$0xFFFFFFF0] =	vst v0;
	v0 =	vld [tilespmem:s30+$0x3C0]  }
0x167: {  	v7 =	vadd.f32 v7, v14;
	v2 =	vadd.f32 v9, v2;
	v9 =	vld [tilespmem:s30+$0xFFFFE050]  }
0x168: {  	v11 =	vld [tilespmem:s30+$0xFFFFE0D0]  }
0x169: {  	v8 =	vadd.f32 v10, v8;
	v1 =	vadd.f32 v7, v1;
	v7 =	vld [tilespmem:s30+$0xFFFFE150]  }
0x16a: {  	v10 =	vld [tilespmem:s30+$0xFFFFE1D0]  }
0x16b: {  	v0 =	vadd.f32 v0, v13;
	v12 =	vld [tilespmem:s30+$0xFFFFE250]  }
0x16c: {  	v13 =	vld [tilespmem:s30+$0xFFFFE2D0]  }
0x16d: {  	v0 =	vadd.f32 v0, v8;
	v8 =	vld [tilespmem:s30+$0xFFFFE350];
	v9 =	vadd.f32 v11, v9  }
0x16e: {  	v11 =	vld [tilespmem:s30+$0xFFFFE3D0]  }
0x16f: {  	v0 =	vadd.f32 v0, v1;
	v1 =	vld [tilespmem:s30+$0x50];
	v7 =	vadd.f32 v10, v7  }
0x170: {  	v10 =	vld [tilespmem:s30+$0xD0]  }
0x171: {  	v14 =	vld [tilespmem:s30+$0x150];
	v12 =	vadd.f32 v13, v12;
	v7 =	vadd.f32 v7, v9  }
0x172: {  	v0 =	vadd.f32 v0, v2;
	v2 =	vld [tilespmem:s30+$0x1D0]  }
0x173: {  	v9 =	vld [tilespmem:s30+$0x250];
	v8 =	vadd.f32 v11, v8  }
0x174: {  	v0 =	vmul.f32 $6.250000000e-02, v0;
	v11 =	vld [tilespmem:s30+$0x2D0]  }
0x175: {  	v13 =	vld [tilespmem:s30+$0x350];
	v1 =	vadd.f32 v10, v1;
	v8 =	vadd.f32 v8, v12  }
0x176: {  	[tilespmem:s29+$0x0] =	vst v0;
	v0 =	vld [tilespmem:s30+$0x3D0]  }
0x177: {  	v2 =	vadd.f32 v2, v14;
	v7 =	vadd.f32 v8, v7;
	v8 =	vld [tilespmem:s30+$0xFFFFE060]  }
0x178: {  	v10 =	vld [tilespmem:s30+$0xFFFFE0E0]  }
0x179: {  	v9 =	vadd.f32 v11, v9;
	v1 =	vadd.f32 v2, v1;
	v2 =	vld [tilespmem:s30+$0xFFFFE160]  }
0x17a: {  	v11 =	vld [tilespmem:s30+$0xFFFFE1E0]  }
0x17b: {  	v0 =	vadd.f32 v0, v13;
	v12 =	vld [tilespmem:s30+$0xFFFFE260]  }
0x17c: {  	v13 =	vld [tilespmem:s30+$0xFFFFE2E0]  }
0x17d: {  	v0 =	vadd.f32 v0, v9;
	v14 =	vld [tilespmem:s30+$0xFFFFE360];
	v8 =	vadd.f32 v10, v8  }
0x17e: {  	v10 =	vld [tilespmem:s30+$0xFFFFE3E0]  }
0x17f: {  	v0 =	vadd.f32 v0, v1;
	v1 =	vld [tilespmem:s30+$0x60];
	v2 =	vadd.f32 v11, v2  }
0x180: {  	v11 =	vld [tilespmem:s30+$0xE0]  }
0x181: {  	v15 =	vld [tilespmem:s30+$0x160];
	v12 =	vadd.f32 v13, v12;
	v2 =	vadd.f32 v2, v8  }
0x182: {  	v0 =	vadd.f32 v0, v7;
	v7 =	vld [tilespmem:s30+$0x1E0]  }
.Ltmp0:
0x183: {  	v9 =	vld [tilespmem:s30+$0x260];
	v13 =	vadd.f32 v10, v14;
	(pc) =	sbr.rel @p1 .LBB2_4-.Ltmp0, $4  }
0x184: {  	v0 =	vmul.f32 $6.250000000e-02, v0;
	v10 =	vld [tilespmem:s30+$0x2E0]  }
0x185: {  	v8 =	vld [tilespmem:s30+$0x360];
	v11 =	vadd.f32 v11, v1;
	v1 =	vadd.f32 v13, v12  }
0x186: {  	[tilespmem:s29+$0x10] =	vst v0;
	v12 =	vld [tilespmem:s30+$0x3E0]  }
0x187: {  	v13 =	vld [tilespmem:s30+$0xFFFFE000];
	v14 =	vadd.f32 v7, v15;
	v7 =	vadd.f32 v1, v2;
	s30 =	sadd.s32 $0x400, s30  }
0x188: {  	_ =	sdelay $0x2  }
0x189: {  	v0 =	vadd.f32 v10, v9;
	v1 =	vadd.f32 v12, v8  }
0x18a: {  	v2 =	vadd.f32 v3, v13  }
0x18b: {  	v3 =	vadd.f32 v14, v11;
	v0 =	vadd.f32 v1, v0  }
0x18c: {  	v1 =	vadd.f32 v4, v2  }
0x18d: {  	v0 =	vadd.f32 v0, v3  }
0x18e: {  	v1 =	vadd.f32 v5, v1  }
0x18f: {  	v0 =	vadd.f32 v0, v7  }
0x190: {  	v1 =	vadd.f32 v6, v1  }
0x191: {  	s25 =	sshll.u32 s23, $0x2;
	v0 =	vmul.f32 $6.250000000e-02, v0  }
0x192: {  	s25 =	sadd.s32 s21, s25;
	v1 =	vmul.f32 $6.250000000e-02, v1  }
0x193: {  	s30 =	smin.u32 s25, $0x7B;
	[tilespmem:s29+$0x20] =	vst v0  }
0x194: {  	[tilespmem:s29+$0xFFFFFFC0] =	vst v1;
	s29 =	sshll.u32 s30, $0x4  }
0x195: {  	v0 =	vld [tilespmem:s29+$0x40];
	_ =	sdelay $0x4  }
0x196: {  	v1 =	vshll.u32 v0, $0x3  }
0x197: {  	v0 =	vand.u32 $0x7, v0;
	v1 =	vand.u32 $0xFFFFFFC0, v1  }
0x198: {  	v0 =	vor.u32 v0, v1;
	v1 =	vld [tilespmem:$0x1FFD0];
	_ =	sdelay $0x1  }
0x199: {  	v2 =	vld [tilespmem:$0x1FFE0];
	_ =	sdelay $0x2  }
0x19a: {  	v1 =	vperm.xlane v0, v1;
	_ =	sdelay $0x1  }
0x19b: {  	v1 =	vadd.s32 v2, v1  }
0x19c: {  	v3 =	vld [tilespmem:$0x1FFF0];
	_ =	sdelay $0x2  }
0x19d: {  	s29 =	simm.s32 $0x800  }
0x19e: {  	[tilespmem:s29], [sflag:$0x1] =	stream.indirect_vreg.gather [hbm4b:s1+s3], $0x80, v1, vm0, $0xb8;
	[tilespmem:$0x14800] =	vst v63  }
0x19f: {  	v0 =	vperm.xlane v0, v3;
	s29 =	simm.s32 $0x1000  }
0x1a0: {  	[tilespmem:s29], [sflag:$0x1] =	stream.indirect_vreg.gather [hbm4b:s5+s3], $0x80, v1, vm0, $0xb8;
	[tilespmem:$0x14800] =	vst v63  }
0x1a1: {  	v0 =	vadd.s32 v2, v0;
	s29 =	simm.s32 $0x1800  }
0x1a2: {  	[tilespmem:s29], [sflag:$0x1] =	stream.indirect_vreg.gather [hbm4b:s6+s3], $0x80, v1, vm0, $0xb8;
	[tilespmem:$0x14800] =	vst v63  }
0x1a3: {  	s29 =	simm.s32 $0x2000  }
0x1a4: {  	[tilespmem:s29], [sflag:$0x1] =	stream.indirect_vreg.gather [hbm4b:s7+s3], $0x80, v1, vm0, $0xb8;
	[tilespmem:$0x14800] =	vst v63  }
0x1a5: {  	s29 =	simm.s32 $0x2800  }
0x1a6: {  	[tilespmem:s29], [sflag:$0x1] =	stream.indirect_vreg.gather [hbm4b:s1+s3], $0x80, v0, vm0, $0xb8;
	[tilespmem:$0x14800] =	vst v63  }
0x1a7: {  	s29 =	simm.s32 $0x3000  }
0x1a8: {  	[tilespmem:s29], [sflag:$0x1] =	stream.indirect_vreg.gather [hbm4b:s5+s3], $0x80, v0, vm0, $0xb8;
	[tilespmem:$0x14800] =	vst v63  }
0x1a9: {  	s29 =	simm.s32 $0x3800  }
0x1aa: {  	[tilespmem:s29], [sflag:$0x1] =	stream.indirect_vreg.gather [hbm4b:s6+s3], $0x80, v0, vm0, $0xb8;
	[tilespmem:$0x14800] =	vst v63  }
0x1ab: {  	s29 =	simm.s32 $0x4000  }
0x1ac: {  	[tilespmem:s29], [sflag:$0x1] =	stream.indirect_vreg.gather [hbm4b:s7+s3], $0x80, v0, vm0, $0xb8;
	[tilespmem:$0x14800] =	vst v63  }
0x1ad: {  	_ =	swait.ge [sflag:s18], $0x4000  }
0x1ae: {  	[sflag:s18] =	ssyncset.done $0x0  }
0x1af: {  	s30 =	simm.s32 $0x6800;
	[sflag:s18] =	ssyncadd.s32 $0xFFFFC000  }
0x1b0: {  	v0 =	vld [tilespmem:s30+$0xFFFFE070]  }
0x1b1: {  	v1 =	vld [tilespmem:s30+$0xFFFFE0F0]  }
0x1b2: {  	v2 =	vld [tilespmem:s30+$0xFFFFE170]  }
0x1b3: {  	v4 =	vld [tilespmem:s30+$0xFFFFE1F0]  }
0x1b4: {  	v5 =	vld [tilespmem:s30+$0xFFFFE270]  }
0x1b5: {  	v6 =	vld [tilespmem:s30+$0xFFFFE2F0]  }
0x1b6: {  	v7 =	vld [tilespmem:s30+$0xFFFFE370]  }
0x1b7: {  	v8 =	vld [tilespmem:s30+$0xFFFFE3F0]  }
0x1b8: {  	v9 =	vld [tilespmem:s30+$0x70]  }
0x1b9: {  	v10 =	vld [tilespmem:s30+$0xF0]  }
0x1ba: {  	v11 =	vld [tilespmem:s30+$0x170]  }
0x1bb: {  	v12 =	vld [tilespmem:s30+$0x1F0]  }
0x1bc: {  	v13 =	vld [tilespmem:s30+$0x270]  }
0x1bd: {  	v14 =	vld [tilespmem:s30+$0x2F0]  }
0x1be: {  	v15 =	vld [tilespmem:s30+$0x370]  }
0x1bf: {  	v16 =	vld [tilespmem:s30+$0x3F0]  }
0x1c0: {  	v3 =	vld [tilespmem:s30+$0xFFFFE080]  }
0x1c1: {  	v17 =	vld [tilespmem:s30+$0xFFFFE100]  }
0x1c2: {  	v18 =	vld [tilespmem:s30+$0xFFFFE180]  }
0x1c3: {  	v19 =	vld [tilespmem:s30+$0xFFFFE200]  }
0x1c4: {  	v20 =	vld [tilespmem:s30+$0xFFFFE280]  }
0x1c5: {  	v21 =	vld [tilespmem:s30+$0xFFFFE300]  }
0x1c6: {  	v22 =	vld [tilespmem:s30+$0xFFFFE380]  }
0x1c7: {  	v23 =	vld [tilespmem:s30+$0x0]  }
0x1c8: {  	v29 =	vld [tilespmem:s30+$0x300]  }
0x1c9: {  	v24 =	vld [tilespmem:s30+$0x80]  }
0x1ca: {  	v25 =	vld [tilespmem:s30+$0x100]  }
0x1cb: {  	v26 =	vld [tilespmem:s30+$0x180]  }
0x1cc: {  	v27 =	vld [tilespmem:s30+$0x200]  }
0x1cd: {  	v28 =	vld [tilespmem:s30+$0x280];
	[tilespmem:$0x1FEB0] =	vst v29  }
0x1ce: {  	v29 =	vld [tilespmem:s30+$0x380];
	_ =	sdelay $0x4  }
0x1cf: {  	[tilespmem:$0x1FEC0] =	vst v29  }
0x1d0: {  	v31 =	vld [tilespmem:s30+$0xFFFFE010]  }
0x1d1: {  	v32 =	vld [tilespmem:s30+$0xFFFFE090]  }
0x1d2: {  	v33 =	vld [tilespmem:s30+$0xFFFFE110]  }
0x1d3: {  	v34 =	vld [tilespmem:s30+$0xFFFFE190]  }
0x1d4: {  	v35 =	vld [tilespmem:s30+$0xFFFFE210]  }
0x1d5: {  	v36 =	vld [tilespmem:s30+$0xFFFFE290]  }
0x1d6: {  	v37 =	vld [tilespmem:s30+$0xFFFFE310]  }
0x1d7: {  	v38 =	vld [tilespmem:s30+$0xFFFFE390]  }
0x1d8: {  	v39 =	vld [tilespmem:s30+$0x10]  }
0x1d9: {  	v40 =	vld [tilespmem:s30+$0x90]  }
0x1da: {  	v41 =	vld [tilespmem:s30+$0x110]  }
0x1db: {  	v42 =	vld [tilespmem:s30+$0x190]  }
0x1dc: {  	v43 =	vld [tilespmem:s30+$0x210]  }
0x1dd: {  	v44 =	vld [tilespmem:s30+$0x290]  }
0x1de: {  	v45 =	vld [tilespmem:s30+$0x310]  }
0x1df: {  	v46 =	vld [tilespmem:s30+$0x390]  }
0x1e0: {  	v47 =	vld [tilespmem:s30+$0xFFFFE020]  }
0x1e1: {  	v48 =	vld [tilespmem:s30+$0xFFFFE0A0]  }
0x1e2: {  	v49 =	vld [tilespmem:s30+$0xFFFFE120]  }
0x1e3: {  	v50 =	vld [tilespmem:s30+$0xFFFFE1A0]  }
0x1e4: {  	v51 =	vld [tilespmem:s30+$0xFFFFE220]  }
0x1e5: {  	v52 =	vld [tilespmem:s30+$0xFFFFE2A0]  }
0x1e6: {  	v53 =	vld [tilespmem:s30+$0xFFFFE320]  }
0x1e7: {  	v54 =	vld [tilespmem:s30+$0xFFFFE3A0]  }
0x1e8: {  	v55 =	vld [tilespmem:s30+$0x20]  }
0x1e9: {  	v56 =	vld [tilespmem:s30+$0xA0]  }
0x1ea: {  	v57 =	vld [tilespmem:s30+$0x120]  }
0x1eb: {  	v29 =	vld [tilespmem:s30+$0xFFFFE030]  }
0x1ec: {  	v58 =	vld [tilespmem:s30+$0x1A0]  }
0x1ed: {  	v59 =	vld [tilespmem:s30+$0x220]  }
0x1ee: {  	v60 =	vld [tilespmem:s30+$0x2A0]  }
0x1ef: {  	v61 =	vld [tilespmem:s30+$0x320]  }
0x1f0: {  	v62 =	vld [tilespmem:s30+$0x3A0];
	[tilespmem:$0x1FED0] =	vst v29  }
0x1f1: {  	v30 =	vld [tilespmem:s30+$0xFFFFE130];
	_ =	sdelay $0x4  }
0x1f2: {  	v29 =	vld [tilespmem:s30+$0xFFFFE0B0];
	[tilespmem:$0x1FEE0] =	vst v30  }
0x1f3: {  	v30 =	vld [tilespmem:s30+$0xFFFFE1B0];
	_ =	sdelay $0x4  }
0x1f4: {  	[tilespmem:$0x1FEF0] =	vst v30  }
0x1f5: {  	v30 =	vld [tilespmem:s30+$0xFFFFE230];
	_ =	sdelay $0x4  }
0x1f6: {  	[tilespmem:$0x1FF00] =	vst v30  }
0x1f7: {  	v30 =	vld [tilespmem:s30+$0xFFFFE2B0];
	_ =	sdelay $0x2  }
0x1f8: {  	v0 =	vadd.f32 v1, v0;
	v1 =	vadd.f32 v4, v2  }
0x1f9: {  	v4 =	vadd.f32 v6, v5;
	v5 =	vadd.f32 v8, v7  }
0x1fa: {  	v7 =	vadd.f32 v10, v9;
	v8 =	vadd.f32 v12, v11;
	[tilespmem:$0x1FF10] =	vst v30  }
0x1fb: {  	v0 =	vadd.f32 v1, v0;
	v1 =	vadd.f32 v5, v4;
	v30 =	vld [tilespmem:s30+$0xFFFFE330]  }
0x1fc: {  	v4 =	vadd.f32 v8, v7;
	v8 =	vadd.f32 v28, v27  }
0x1fd: {  	v41 =	vadd.f32 v42, v41;
	v42 =	vadd.f32 v44, v43  }
0x1fe: {  	v44 =	vld [tilespmem:$0x1FEB0];
	v48 =	vadd.f32 v48, v47;
	v50 =	vadd.f32 v50, v49  }
0x1ff: {  	v43 =	vadd.f32 v46, v45;
	v45 =	vld [tilespmem:$0x1FEC0];
	v52 =	vadd.f32 v52, v51  }
0x200: {  	v54 =	vadd.f32 v54, v53;
	v28 =	vadd.f32 v50, v48;
	v50 =	vld [tilespmem:$0x1FED0];
	[tilespmem:$0x1FF20] =	vst v30  }
0x201: {  	v63 =	vld [tilespmem:s30+$0x30]  }
0x202: {  	v47 =	vadd.f32 v54, v52;
	v52 =	vld [tilespmem:$0x1FEE0]  }
0x203: {  	v53 =	vld [tilespmem:$0x1FEF0]  }
0x204: {  	v56 =	vadd.f32 v56, v55;
	v55 =	vld [tilespmem:$0x1FF00]  }
0x205: {  	v30 =	vld [tilespmem:s30+$0xFFFFE3B0]  }
0x206: {  	[tilespmem:$0x1FF30] =	vst v63;
	v63 =	vadd.f32 v58, v57;
	v57 =	vld [tilespmem:$0x1FF20]  }
0x207: {  	v2 =	vld [tilespmem:s30+$0xB0]  }
0x208: {  	v6 =	vld [tilespmem:s30+$0x130]  }
0x209: {  	v9 =	vld [tilespmem:s30+$0x1B0]  }
0x20a: {  	v10 =	vadd.f32 v14, v13;
	v11 =	vadd.f32 v16, v15;
	v12 =	vld [tilespmem:s30+$0x230]  }
0x20b: {  	v13 =	vld [tilespmem:s30+$0x2B0]  }
0x20c: {  	v5 =	vadd.f32 v11, v10;
	v10 =	vld [tilespmem:s30+$0x330]  }
0x20d: {  	v11 =	vld [tilespmem:s30+$0x3B0]  }
0x20e: {  	v14 =	vld [tilespmem:s30+$0xFFFFE040]  }
0x20f: {  	v7 =	vadd.f32 v22, v21;
	v15 =	vld [tilespmem:s30+$0xFFFFE0C0]  }
0x210: {  	v0 =	vadd.f32 v1, v0;
	v1 =	vadd.f32 v5, v4;
	v16 =	vld [tilespmem:s30+$0xFFFFE140]  }
0x211: {  	v5 =	vadd.f32 v20, v19;
	v4 =	vadd.f32 v18, v17;
	v17 =	vld [tilespmem:s30+$0xFFFFE1C0]  }
0x212: {  	v1 =	vadd.f32 v1, v0;
	v0 =	vadd.f32 v24, v23;
	v18 =	vld [tilespmem:s30+$0xFFFFE240]  }
0x213: {  	v32 =	vadd.f32 v32, v31;
	v34 =	vadd.f32 v34, v33;
	v21 =	vld [tilespmem:s30+$0xFFFFE2C0]  }
0x214: {  	v36 =	vadd.f32 v36, v35;
	v38 =	vadd.f32 v38, v37;
	v24 =	vld [tilespmem:s30+$0xFFFFE340]  }
0x215: {  	v5 =	vadd.f32 v7, v5;
	v7 =	vadd.f32 v26, v25;
	v25 =	vld [tilespmem:s30+$0xFFFFE3C0]  }
0x216: {  	v19 =	vadd.f32 v34, v32;
	v22 =	vadd.f32 v38, v36;
	v26 =	vld [tilespmem:s30+$0x40]  }
0x217: {  	v31 =	vld [tilespmem:s30+$0xC0]  }
0x218: {  	v19 =	vadd.f32 v22, v19;
	v22 =	vld [tilespmem:s30+$0x140]  }
0x219: {  	v27 =	vld [tilespmem:s30+$0x1C0]  }
0x21a: {  	v34 =	vld [tilespmem:s30+$0x240]  }
0x21b: {  	v35 =	vld [tilespmem:s30+$0x2C0]  }
0x21c: {  	v36 =	vld [tilespmem:s30+$0x340]  }
0x21d: {  	v40 =	vadd.f32 v40, v39;
	v39 =	vld [tilespmem:s30+$0x3C0]  }
0x21e: {  	v46 =	vadd.f32 v43, v42;
	v42 =	vld [tilespmem:s30+$0xFFFFE050]  }
0x21f: {  	v20 =	vadd.f32 v41, v40;
	v23 =	vld [tilespmem:s30+$0xFFFFE0D0]  }
0x220: {  	v38 =	vld [tilespmem:s30+$0xFFFFE150]  }
0x221: {  	v20 =	vadd.f32 v46, v20;
	v46 =	vadd.f32 v62, v61;
	v51 =	vld [tilespmem:s30+$0xFFFFE1D0]  }
0x222: {  	v32 =	vadd.f32 v45, v44;
	v45 =	vadd.f32 v60, v59;
	v54 =	vld [tilespmem:s30+$0xFFFFE250]  }
0x223: {  	v19 =	vadd.f32 v20, v19;
	v20 =	vadd.f32 v47, v28;
	v59 =	vld [tilespmem:$0x1FF30]  }
0x224: {  	v28 =	vadd.f32 v29, v50;
	v37 =	vadd.f32 v53, v52;
	v58 =	vld [tilespmem:s30+$0xFFFFE2D0]  }
0x225: {  	v49 =	vadd.f32 v46, v45;
	v44 =	vld [tilespmem:s30+$0x350];
	v48 =	vadd.f32 v63, v56  }
0x226: {  	v28 =	vadd.f32 v37, v28;
	v50 =	vld [tilespmem:s30+$0xFFFFE160]  }
0x227: {  	v52 =	vld [tilespmem:s30+$0xFFFFE1E0];
	v33 =	vadd.f32 v49, v48;
	v30 =	vadd.f32 v30, v57  }
0x228: {  	v56 =	vld [tilespmem:$0x1FF10];
	v2 =	vadd.f32 v2, v59;
	v6 =	vadd.f32 v9, v6  }
0x229: {  	v47 =	vld [tilespmem:s30+$0x3D0];
	v12 =	vadd.f32 v13, v12;
	v10 =	vadd.f32 v11, v10  }
0x22a: {  	v60 =	vld [tilespmem:s30+$0xFFFFE350];
	v13 =	vadd.f32 v33, v20;
	v33 =	vadd.f32 v31, v26  }
0x22b: {  	v1 =	vmul.f32 $6.250000000e-02, v1;
	v62 =	vld [tilespmem:s30+$0xD0];
	v45 =	vadd.f32 v35, v34;
	v46 =	vadd.f32 v39, v36  }
0x22c: {  	v63 =	vld [tilespmem:s30+$0x250];
	v51 =	vadd.f32 v51, v38;
	v53 =	vadd.f32 v58, v54  }
0x22d: {  	[tilespmem:s28+$0x0] =	vst v1;
	v57 =	vld [tilespmem:s30+$0xFFFFE3E0];
	v1 =	vadd.f32 v52, v50;
	v41 =	vadd.f32 v56, v55  }
0x22e: {  	v9 =	vld [tilespmem:s30+$0xFFFFE3D0];
	v55 =	vadd.f32 v47, v44;
	v2 =	vadd.f32 v6, v2  }
0x22f: {  	v11 =	vld [tilespmem:s30+$0x50];
	v6 =	vadd.f32 v10, v12;
	v12 =	vadd.f32 v15, v14  }
0x230: {  	v56 =	vld [tilespmem:s30+$0xFFFFE360];
	v14 =	vadd.f32 v17, v16;
	v30 =	vadd.f32 v30, v41  }
0x231: {  	v10 =	vld [tilespmem:s30+$0x150];
	v41 =	vadd.f32 v27, v22;
	v2 =	vadd.f32 v6, v2  }
0x232: {  	v15 =	vld [tilespmem:s30+$0x1D0];
	v6 =	vadd.f32 v21, v18;
	v12 =	vadd.f32 v14, v12  }
0x233: {  	v14 =	vadd.f32 v25, v24;
	v61 =	vadd.f32 v30, v28;
	v30 =	vld [tilespmem:s30+$0x2D0]  }
0x234: {  	v48 =	vadd.f32 v46, v45;
	v18 =	vadd.f32 v41, v33  }
0x235: {  	v9 =	vadd.f32 v9, v60;
	v6 =	vadd.f32 v14, v6  }
0x236: {  	v49 =	vld [tilespmem:s30+$0xFFFFE0E0];
	v11 =	vadd.f32 v62, v11;
	v62 =	vadd.f32 v57, v56  }
0x237: {  	v54 =	vld [tilespmem:s30+$0xFFFFE260];
	v10 =	vadd.f32 v15, v10;
	v6 =	vadd.f32 v6, v12  }
0x238: {  	v15 =	vld [tilespmem:s30+$0xFFFFE2E0];
	v12 =	vadd.f32 v23, v42;
	v16 =	vadd.f32 v30, v63  }
0x239: {  	v14 =	vld [tilespmem:s30+$0xFFFFE060];
	v9 =	vadd.f32 v9, v53;
	v10 =	vadd.f32 v10, v11  }
0x23a: {  	v58 =	vld [tilespmem:s30+$0x60];
	v12 =	vadd.f32 v51, v12;
	v11 =	vadd.f32 v55, v16  }
0x23b: {  	v60 =	vld [tilespmem:s30+$0x160];
	v2 =	vadd.f32 v2, v61;
	v18 =	vadd.f32 v48, v18  }
0x23c: {  	v59 =	vmul.f32 $6.250000000e-02, v19;
	v9 =	vadd.f32 v9, v12;
	v12 =	vld [tilespmem:s30+$0xE0];
	v10 =	vadd.f32 v11, v10  }
0x23d: {  	v6 =	vadd.f32 v18, v6;
	v11 =	vmul.f32 $6.250000000e-02, v13;
	v13 =	vadd.f32 v15, v54;
	v15 =	vld [tilespmem:s30+$0x1E0]  }
0x23e: {  	[tilespmem:s28+$0xFFFFFFA0] =	vst v59;
	v2 =	vmul.f32 $6.250000000e-02, v2;
	v14 =	vadd.f32 v49, v14;
	v61 =	vadd.f32 v10, v9;
	v9 =	vld [tilespmem:s30+$0x260]  }
0x23f: {  	v0 =	vadd.f32 v7, v0;
	v7 =	vadd.f32 v32, v8;
	[tilespmem:s28+$0xFFFFFFB0] =	vst v11;
	v11 =	vmul.f32 $6.250000000e-02, v6;
	v10 =	vld [tilespmem:s30+$0x2E0]  }
0x240: {  	v8 =	vld [tilespmem:s30+$0x360];
	[tilespmem:s28+$0xFFFFFFC0] =	vst v2;
	v1 =	vadd.f32 v1, v14;
	v63 =	vadd.f32 v62, v13;
	v2 =	vmul.f32 $6.250000000e-02, v61  }
0x241: {  	v6 =	vadd.f32 v7, v0;
	[tilespmem:s28+$0xFFFFFFD0] =	vst v11;
	v11 =	vadd.f32 v12, v58;
	v12 =	vld [tilespmem:s30+$0x3E0]  }
0x242: {  	s29 =	simm.s32 $0x0;
	v13 =	vld [tilespmem:s30+$0xFFFFE000];
	v7 =	vadd.f32 v63, v1;
	s30 =	simm.s32 $0x6C00;
	v14 =	vadd.f32 v15, v60;
	[tilespmem:s28+$0xFFFFFFE0] =	vst v2  }
.LBB2_6:
0x243: {  	v0 =	vld [tilespmem:s30+$0xFFFFE070]  }
0x244: {  	v1 =	vld [tilespmem:s30+$0xFFFFE0F0];
	v2 =	vadd.f32 v10, v9;
	v9 =	vadd.f32 v14, v11  }
0x245: {  	v10 =	vld [tilespmem:s30+$0xFFFFE170]  }
0x246: {  	v11 =	vld [tilespmem:s30+$0xFFFFE1F0];
	v8 =	vadd.f32 v12, v8  }
0x247: {  	v12 =	vld [tilespmem:s30+$0xFFFFE270];
	v3 =	vadd.f32 v3, v13  }
0x248: {  	v13 =	vld [tilespmem:s30+$0xFFFFE2F0];
	v2 =	vadd.f32 v8, v2  }
0x249: {  	v8 =	vld [tilespmem:s30+$0xFFFFE370];
	v3 =	vadd.f32 v4, v3  }
0x24a: {  	v4 =	vld [tilespmem:s30+$0xFFFFE3F0];
	v2 =	vadd.f32 v2, v9  }
0x24b: {  	v9 =	vld [tilespmem:s30+$0x70];
	v3 =	vadd.f32 v5, v3  }
0x24c: {  	v5 =	vld [tilespmem:s30+$0xF0];
	v2 =	vadd.f32 v2, v7  }
0x24d: {  	v7 =	vld [tilespmem:s30+$0x170];
	v3 =	vadd.f32 v6, v3  }
0x24e: {  	v6 =	vld [tilespmem:s30+$0x1F0];
	v2 =	vmul.f32 $6.250000000e-02, v2  }
0x24f: {  	v14 =	vld [tilespmem:s30+$0x270];
	v3 =	vmul.f32 $6.250000000e-02, v3  }
0x250: {  	v15 =	vld [tilespmem:s30+$0x2F0];
	[tilespmem:s28+$0xFFFFFFF0] =	vst v2  }
0x251: {  	v2 =	vld [tilespmem:s30+$0x370];
	[tilespmem:s28+$0xFFFFFF90] =	vst v3  }
0x252: {  	s29 =	sadd.s32 $0x8, s29;
	v16 =	vld [tilespmem:s30+$0x3F0]  }
0x253: {  	p1 =	slt.u32 s29, $0x38;
	v3 =	vld [tilespmem:s30+$0xFFFFE080]  }
0x254: {  	v0 =	vadd.f32 v1, v0;
	v1 =	vadd.f32 v11, v10;
	v17 =	vld [tilespmem:s30+$0xFFFFE100]  }
0x255: {  	v11 =	vadd.f32 v13, v12;
	v4 =	vadd.f32 v4, v8;
	v10 =	vld [tilespmem:s30+$0xFFFFE180]  }
0x256: {  	v5 =	vadd.f32 v5, v9;
	v6 =	vadd.f32 v6, v7;
	v8 =	vld [tilespmem:s30+$0xFFFFE200]  }
0x257: {  	v9 =	vadd.f32 v15, v14;
	v7 =	vld [tilespmem:s30+$0xFFFFE280];
	v2 =	vadd.f32 v16, v2  }
0x258: {  	v0 =	vadd.f32 v1, v0;
	v1 =	vadd.f32 v4, v11;
	v12 =	vld [tilespmem:s30+$0xFFFFE300]  }
0x259: {  	v5 =	vadd.f32 v6, v5;
	v11 =	vld [tilespmem:s30+$0xFFFFE380];
	v2 =	vadd.f32 v2, v9  }
0x25a: {  	v6 =	vld [tilespmem:s30+$0x0];
	v4 =	vadd.f32 v10, v17  }
0x25b: {  	v0 =	vadd.f32 v1, v0;
	v9 =	vld [tilespmem:s30+$0x80];
	v1 =	vadd.f32 v2, v5  }
0x25c: {  	v2 =	vld [tilespmem:s30+$0x100];
	v5 =	vadd.f32 v7, v8  }
0x25d: {  	v7 =	vld [tilespmem:s30+$0x180];
	v0 =	vadd.f32 v1, v0  }
0x25e: {  	v1 =	vld [tilespmem:s30+$0x200];
	v8 =	vadd.f32 v11, v12  }
0x25f: {  	v10 =	vld [tilespmem:s30+$0x280];
	v0 =	vmul.f32 $6.250000000e-02, v0  }
0x260: {  	s28 =	sadd.s32 $0x400, s28;
	v11 =	vld [tilespmem:s30+$0x300];
	v6 =	vadd.f32 v9, v6;
	v5 =	vadd.f32 v8, v5  }
0x261: {  	v8 =	vld [tilespmem:s30+$0x380];
	[tilespmem:s28+$0x0] =	vst v0  }
0x262: {  	v0 =	vadd.f32 v7, v2;
	v2 =	vld [tilespmem:s30+$0xFFFFE010]  }
0x263: {  	v7 =	vld [tilespmem:s30+$0xFFFFE090]  }
0x264: {  	v1 =	vadd.f32 v10, v1;
	v0 =	vadd.f32 v0, v6;
	v9 =	vld [tilespmem:s30+$0xFFFFE110]  }
0x265: {  	v10 =	vld [tilespmem:s30+$0xFFFFE190]  }
0x266: {  	v6 =	vadd.f32 v8, v11;
	v8 =	vld [tilespmem:s30+$0xFFFFE210]  }
0x267: {  	v11 =	vld [tilespmem:s30+$0xFFFFE290]  }
0x268: {  	v1 =	vadd.f32 v6, v1;
	v12 =	vld [tilespmem:s30+$0xFFFFE310];
	v2 =	vadd.f32 v7, v2  }
0x269: {  	v7 =	vld [tilespmem:s30+$0xFFFFE390]  }
0x26a: {  	v6 =	vadd.f32 v1, v0;
	v0 =	vld [tilespmem:s30+$0x10];
	v1 =	vadd.f32 v10, v9  }
0x26b: {  	v9 =	vld [tilespmem:s30+$0x90]  }
0x26c: {  	v10 =	vld [tilespmem:s30+$0x110];
	v8 =	vadd.f32 v11, v8;
	v1 =	vadd.f32 v1, v2  }
0x26d: {  	v2 =	vld [tilespmem:s30+$0x190]  }
0x26e: {  	v11 =	vld [tilespmem:s30+$0x210];
	v7 =	vadd.f32 v7, v12  }
0x26f: {  	v12 =	vld [tilespmem:s30+$0x290]  }
0x270: {  	v13 =	vld [tilespmem:s30+$0x310];
	v0 =	vadd.f32 v9, v0;
	v7 =	vadd.f32 v7, v8  }
0x271: {  	v8 =	vld [tilespmem:s30+$0x390]  }
0x272: {  	v2 =	vadd.f32 v2, v10;
	v1 =	vadd.f32 v7, v1;
	v7 =	vld [tilespmem:s30+$0xFFFFE020]  }
0x273: {  	v9 =	vld [tilespmem:s30+$0xFFFFE0A0]  }
0x274: {  	v10 =	vadd.f32 v12, v11;
	v0 =	vadd.f32 v2, v0;
	v2 =	vld [tilespmem:s30+$0xFFFFE120]  }
0x275: {  	v11 =	vld [tilespmem:s30+$0xFFFFE1A0]  }
0x276: {  	v8 =	vadd.f32 v8, v13;
	v12 =	vld [tilespmem:s30+$0xFFFFE220]  }
0x277: {  	v13 =	vld [tilespmem:s30+$0xFFFFE2A0]  }
0x278: {  	v8 =	vadd.f32 v8, v10;
	v10 =	vld [tilespmem:s30+$0xFFFFE320];
	v7 =	vadd.f32 v9, v7  }
0x279: {  	v9 =	vld [tilespmem:s30+$0xFFFFE3A0]  }
0x27a: {  	v0 =	vadd.f32 v8, v0;
	v8 =	vld [tilespmem:s30+$0x20];
	v2 =	vadd.f32 v11, v2  }
0x27b: {  	v11 =	vld [tilespmem:s30+$0xA0]  }
0x27c: {  	v14 =	vld [tilespmem:s30+$0x120];
	v12 =	vadd.f32 v13, v12;
	v2 =	vadd.f32 v2, v7  }
0x27d: {  	v0 =	vadd.f32 v0, v1;
	v1 =	vld [tilespmem:s30+$0x1A0]  }
0x27e: {  	v7 =	vld [tilespmem:s30+$0x220];
	v9 =	vadd.f32 v9, v10  }
0x27f: {  	v0 =	vmul.f32 $6.250000000e-02, v0;
	v10 =	vld [tilespmem:s30+$0x2A0]  }
0x280: {  	v13 =	vld [tilespmem:s30+$0x320];
	v8 =	vadd.f32 v11, v8;
	v9 =	vadd.f32 v9, v12  }
0x281: {  	[tilespmem:s28+$0xFFFFFFA0] =	vst v0;
	v0 =	vld [tilespmem:s30+$0x3A0]  }
0x282: {  	v1 =	vadd.f32 v1, v14;
	v2 =	vadd.f32 v9, v2;
	v9 =	vld [tilespmem:s30+$0xFFFFE030]  }
0x283: {  	v11 =	vld [tilespmem:s30+$0xFFFFE0B0]  }
0x284: {  	v7 =	vadd.f32 v10, v7;
	v1 =	vadd.f32 v1, v8;
	v8 =	vld [tilespmem:s30+$0xFFFFE130]  }
0x285: {  	v10 =	vld [tilespmem:s30+$0xFFFFE1B0]  }
0x286: {  	v0 =	vadd.f32 v0, v13;
	v12 =	vld [tilespmem:s30+$0xFFFFE230]  }
0x287: {  	v13 =	vld [tilespmem:s30+$0xFFFFE2B0]  }
0x288: {  	v0 =	vadd.f32 v0, v7;
	v7 =	vld [tilespmem:s30+$0xFFFFE330];
	v9 =	vadd.f32 v11, v9  }
0x289: {  	v11 =	vld [tilespmem:s30+$0xFFFFE3B0]  }
0x28a: {  	v0 =	vadd.f32 v0, v1;
	v1 =	vld [tilespmem:s30+$0x30];
	v8 =	vadd.f32 v10, v8  }
0x28b: {  	v10 =	vld [tilespmem:s30+$0xB0]  }
0x28c: {  	v14 =	vld [tilespmem:s30+$0x130];
	v12 =	vadd.f32 v13, v12;
	v8 =	vadd.f32 v8, v9  }
0x28d: {  	v0 =	vadd.f32 v0, v2;
	v2 =	vld [tilespmem:s30+$0x1B0]  }
0x28e: {  	v9 =	vld [tilespmem:s30+$0x230];
	v7 =	vadd.f32 v11, v7  }
0x28f: {  	v0 =	vmul.f32 $6.250000000e-02, v0;
	v11 =	vld [tilespmem:s30+$0x2B0]  }
0x290: {  	v13 =	vld [tilespmem:s30+$0x330];
	v1 =	vadd.f32 v10, v1;
	v7 =	vadd.f32 v7, v12  }
0x291: {  	[tilespmem:s28+$0xFFFFFFB0] =	vst v0;
	v0 =	vld [tilespmem:s30+$0x3B0]  }
0x292: {  	v2 =	vadd.f32 v2, v14;
	v7 =	vadd.f32 v7, v8;
	v8 =	vld [tilespmem:s30+$0xFFFFE040]  }
0x293: {  	v10 =	vld [tilespmem:s30+$0xFFFFE0C0]  }
0x294: {  	v9 =	vadd.f32 v11, v9;
	v1 =	vadd.f32 v2, v1;
	v2 =	vld [tilespmem:s30+$0xFFFFE140]  }
0x295: {  	v11 =	vld [tilespmem:s30+$0xFFFFE1C0]  }
0x296: {  	v0 =	vadd.f32 v0, v13;
	v12 =	vld [tilespmem:s30+$0xFFFFE240]  }
0x297: {  	v13 =	vld [tilespmem:s30+$0xFFFFE2C0]  }
0x298: {  	v0 =	vadd.f32 v0, v9;
	v9 =	vld [tilespmem:s30+$0xFFFFE340];
	v8 =	vadd.f32 v10, v8  }
0x299: {  	v10 =	vld [tilespmem:s30+$0xFFFFE3C0]  }
0x29a: {  	v0 =	vadd.f32 v0, v1;
	v1 =	vld [tilespmem:s30+$0x40];
	v2 =	vadd.f32 v11, v2  }
0x29b: {  	v11 =	vld [tilespmem:s30+$0xC0]  }
0x29c: {  	v14 =	vld [tilespmem:s30+$0x140];
	v12 =	vadd.f32 v13, v12;
	v2 =	vadd.f32 v2, v8  }
0x29d: {  	v0 =	vadd.f32 v0, v7;
	v7 =	vld [tilespmem:s30+$0x1C0]  }
0x29e: {  	v8 =	vld [tilespmem:s30+$0x240];
	v9 =	vadd.f32 v10, v9  }
0x29f: {  	v0 =	vmul.f32 $6.250000000e-02, v0;
	v10 =	vld [tilespmem:s30+$0x2C0]  }
0x2a0: {  	v13 =	vld [tilespmem:s30+$0x340];
	v1 =	vadd.f32 v11, v1;
	v9 =	vadd.f32 v9, v12  }
0x2a1: {  	[tilespmem:s28+$0xFFFFFFC0] =	vst v0;
	v0 =	vld [tilespmem:s30+$0x3C0]  }
0x2a2: {  	v7 =	vadd.f32 v7, v14;
	v2 =	vadd.f32 v9, v2;
	v9 =	vld [tilespmem:s30+$0xFFFFE050]  }
0x2a3: {  	v11 =	vld [tilespmem:s30+$0xFFFFE0D0]  }
0x2a4: {  	v8 =	vadd.f32 v10, v8;
	v1 =	vadd.f32 v7, v1;
	v7 =	vld [tilespmem:s30+$0xFFFFE150]  }
0x2a5: {  	v10 =	vld [tilespmem:s30+$0xFFFFE1D0]  }
0x2a6: {  	v0 =	vadd.f32 v0, v13;
	v12 =	vld [tilespmem:s30+$0xFFFFE250]  }
0x2a7: {  	v13 =	vld [tilespmem:s30+$0xFFFFE2D0]  }
0x2a8: {  	v0 =	vadd.f32 v0, v8;
	v8 =	vld [tilespmem:s30+$0xFFFFE350];
	v9 =	vadd.f32 v11, v9  }
0x2a9: {  	v11 =	vld [tilespmem:s30+$0xFFFFE3D0]  }
0x2aa: {  	v0 =	vadd.f32 v0, v1;
	v1 =	vld [tilespmem:s30+$0x50];
	v7 =	vadd.f32 v10, v7  }
0x2ab: {  	v10 =	vld [tilespmem:s30+$0xD0]  }
0x2ac: {  	v14 =	vld [tilespmem:s30+$0x150];
	v12 =	vadd.f32 v13, v12;
	v7 =	vadd.f32 v7, v9  }
0x2ad: {  	v0 =	vadd.f32 v0, v2;
	v2 =	vld [tilespmem:s30+$0x1D0]  }
0x2ae: {  	v9 =	vld [tilespmem:s30+$0x250];
	v8 =	vadd.f32 v11, v8  }
0x2af: {  	v0 =	vmul.f32 $6.250000000e-02, v0;
	v11 =	vld [tilespmem:s30+$0x2D0]  }
0x2b0: {  	v13 =	vld [tilespmem:s30+$0x350];
	v1 =	vadd.f32 v10, v1;
	v8 =	vadd.f32 v8, v12  }
0x2b1: {  	[tilespmem:s28+$0xFFFFFFD0] =	vst v0;
	v0 =	vld [tilespmem:s30+$0x3D0]  }
0x2b2: {  	v2 =	vadd.f32 v2, v14;
	v7 =	vadd.f32 v8, v7;
	v8 =	vld [tilespmem:s30+$0xFFFFE060]  }
0x2b3: {  	v10 =	vld [tilespmem:s30+$0xFFFFE0E0]  }
0x2b4: {  	v9 =	vadd.f32 v11, v9;
	v1 =	vadd.f32 v2, v1;
	v2 =	vld [tilespmem:s30+$0xFFFFE160]  }
0x2b5: {  	v11 =	vld [tilespmem:s30+$0xFFFFE1E0]  }
0x2b6: {  	v0 =	vadd.f32 v0, v13;
	v12 =	vld [tilespmem:s30+$0xFFFFE260]  }
0x2b7: {  	v13 =	vld [tilespmem:s30+$0xFFFFE2E0]  }
0x2b8: {  	v0 =	vadd.f32 v0, v9;
	v14 =	vld [tilespmem:s30+$0xFFFFE360];
	v8 =	vadd.f32 v10, v8  }
0x2b9: {  	v10 =	vld [tilespmem:s30+$0xFFFFE3E0]  }
0x2ba: {  	v0 =	vadd.f32 v0, v1;
	v1 =	vld [tilespmem:s30+$0x60];
	v2 =	vadd.f32 v11, v2  }
0x2bb: {  	v11 =	vld [tilespmem:s30+$0xE0]  }
0x2bc: {  	v15 =	vld [tilespmem:s30+$0x160];
	v12 =	vadd.f32 v13, v12;
	v2 =	vadd.f32 v2, v8  }
0x2bd: {  	v0 =	vadd.f32 v0, v7;
	v7 =	vld [tilespmem:s30+$0x1E0]  }
.Ltmp1:
0x2be: {  	v9 =	vld [tilespmem:s30+$0x260];
	v13 =	vadd.f32 v10, v14;
	(pc) =	sbr.rel @p1 .LBB2_6-.Ltmp1, $4  }
0x2bf: {  	v0 =	vmul.f32 $6.250000000e-02, v0;
	v10 =	vld [tilespmem:s30+$0x2E0]  }
0x2c0: {  	v8 =	vld [tilespmem:s30+$0x360];
	v11 =	vadd.f32 v11, v1;
	v1 =	vadd.f32 v13, v12  }
0x2c1: {  	[tilespmem:s28+$0xFFFFFFE0] =	vst v0;
	v12 =	vld [tilespmem:s30+$0x3E0]  }
0x2c2: {  	v13 =	vld [tilespmem:s30+$0xFFFFE000];
	v14 =	vadd.f32 v7, v15;
	v7 =	vadd.f32 v1, v2;
	s30 =	sadd.s32 $0x400, s30  }
0x2c3: {  	_ =	sdelay $0x2  }
0x2c4: {  	v0 =	vadd.f32 v10, v9;
	v1 =	vadd.f32 v12, v8  }
0x2c5: {  	v2 =	vadd.f32 v3, v13  }
0x2c6: {  	v3 =	vadd.f32 v14, v11;
	v0 =	vadd.f32 v1, v0  }
0x2c7: {  	v1 =	vadd.f32 v4, v2  }
0x2c8: {  	v0 =	vadd.f32 v0, v3  }
0x2c9: {  	v1 =	vadd.f32 v5, v1  }
0x2ca: {  	v0 =	vadd.f32 v0, v7  }
0x2cb: {  	v1 =	vadd.f32 v6, v1  }
0x2cc: {  	v0 =	vmul.f32 $6.250000000e-02, v0  }
0x2cd: {  	v1 =	vmul.f32 $6.250000000e-02, v1  }
0x2ce: {  	s29 =	smin.u32 s25, $0x7A;
	[tilespmem:s28+$0xFFFFFFF0] =	vst v0  }
0x2cf: {  	[tilespmem:s28+$0xFFFFFF90] =	vst v1;
	s28 =	sshll.u32 s29, $0x4  }
0x2d0: {  	v0 =	vld [tilespmem:s28+$0x50];
	_ =	sdelay $0x4  }
0x2d1: {  	v1 =	vshll.u32 v0, $0x3  }
0x2d2: {  	v0 =	vand.u32 $0x7, v0;
	v1 =	vand.u32 $0xFFFFFFC0, v1  }
0x2d3: {  	v0 =	vor.u32 v0, v1;
	v1 =	vld [tilespmem:$0x1FFD0];
	_ =	sdelay $0x1  }
0x2d4: {  	v2 =	vld [tilespmem:$0x1FFE0];
	_ =	sdelay $0x2  }
0x2d5: {  	v1 =	vperm.xlane v0, v1;
	_ =	sdelay $0x1  }
0x2d6: {  	v1 =	vadd.s32 v2, v1  }
0x2d7: {  	v3 =	vld [tilespmem:$0x1FFF0];
	_ =	sdelay $0x2  }
0x2d8: {  	s28 =	simm.s32 $0x4800  }
0x2d9: {  	[tilespmem:s28], [sflag:$0x2] =	stream.indirect_vreg.gather [hbm4b:s1+s3], $0x80, v1, vm0, $0xb8;
	[tilespmem:$0x14800] =	vst v63  }
0x2da: {  	v0 =	vperm.xlane v0, v3;
	s28 =	simm.s32 $0x5000  }
0x2db: {  	[tilespmem:s28], [sflag:$0x2] =	stream.indirect_vreg.gather [hbm4b:s5+s3], $0x80, v1, vm0, $0xb8;
	[tilespmem:$0x14800] =	vst v63  }
0x2dc: {  	v0 =	vadd.s32 v2, v0;
	s28 =	simm.s32 $0x5800  }
0x2dd: {  	[tilespmem:s28], [sflag:$0x2] =	stream.indirect_vreg.gather [hbm4b:s6+s3], $0x80, v1, vm0, $0xb8;
	[tilespmem:$0x14800] =	vst v63  }
0x2de: {  	s28 =	simm.s32 $0x6000  }
0x2df: {  	[tilespmem:s28], [sflag:$0x2] =	stream.indirect_vreg.gather [hbm4b:s7+s3], $0x80, v1, vm0, $0xb8;
	[tilespmem:$0x14800] =	vst v63  }
0x2e0: {  	s28 =	simm.s32 $0x6800  }
0x2e1: {  	[tilespmem:s28], [sflag:$0x2] =	stream.indirect_vreg.gather [hbm4b:s1+s3], $0x80, v0, vm0, $0xb8;
	[tilespmem:$0x14800] =	vst v63  }
0x2e2: {  	s28 =	simm.s32 $0x7000  }
0x2e3: {  	[tilespmem:s28], [sflag:$0x2] =	stream.indirect_vreg.gather [hbm4b:s5+s3], $0x80, v0, vm0, $0xb8;
	[tilespmem:$0x14800] =	vst v63  }
0x2e4: {  	s28 =	simm.s32 $0x7800  }
0x2e5: {  	[tilespmem:s28], [sflag:$0x2] =	stream.indirect_vreg.gather [hbm4b:s6+s3], $0x80, v0, vm0, $0xb8;
	[tilespmem:$0x14800] =	vst v63  }
0x2e6: {  	s28 =	simm.s32 $0x8000  }
0x2e7: {  	[tilespmem:s28], [sflag:$0x2] =	stream.indirect_vreg.gather [hbm4b:s7+s3], $0x80, v0, vm0, $0xb8;
	[tilespmem:$0x14800] =	vst v63  }
0x2e8: {  	_ =	swait.ge [sflag:s19], $0x4000  }
0x2e9: {  	[sflag:s19] =	ssyncset.done $0x0  }
0x2ea: {  	s29 =	simm.s32 $0xA800;
	[sflag:s19] =	ssyncadd.s32 $0xFFFFC000  }
0x2eb: {  	v0 =	vld [tilespmem:s29+$0xFFFFE070]  }
0x2ec: {  	v1 =	vld [tilespmem:s29+$0xFFFFE0F0]  }
0x2ed: {  	v2 =	vld [tilespmem:s29+$0xFFFFE170]  }
0x2ee: {  	v4 =	vld [tilespmem:s29+$0xFFFFE1F0]  }
0x2ef: {  	v5 =	vld [tilespmem:s29+$0xFFFFE270]  }
0x2f0: {  	v6 =	vld [tilespmem:s29+$0xFFFFE2F0]  }
0x2f1: {  	v7 =	vld [tilespmem:s29+$0xFFFFE370]  }
0x2f2: {  	v8 =	vld [tilespmem:s29+$0xFFFFE3F0]  }
0x2f3: {  	v9 =	vld [tilespmem:s29+$0x70]  }
0x2f4: {  	v10 =	vld [tilespmem:s29+$0xF0]  }
0x2f5: {  	v11 =	vld [tilespmem:s29+$0x170]  }
0x2f6: {  	v12 =	vld [tilespmem:s29+$0x1F0]  }
0x2f7: {  	v13 =	vld [tilespmem:s29+$0x270]  }
0x2f8: {  	v14 =	vld [tilespmem:s29+$0x2F0]  }
0x2f9: {  	v15 =	vld [tilespmem:s29+$0x370]  }
0x2fa: {  	v16 =	vld [tilespmem:s29+$0x3F0]  }
0x2fb: {  	v3 =	vld [tilespmem:s29+$0xFFFFE080]  }
0x2fc: {  	v17 =	vld [tilespmem:s29+$0xFFFFE100]  }
0x2fd: {  	v18 =	vld [tilespmem:s29+$0xFFFFE180]  }
0x2fe: {  	v19 =	vld [tilespmem:s29+$0xFFFFE200]  }
0x2ff: {  	v20 =	vld [tilespmem:s29+$0xFFFFE280]  }
0x300: {  	v21 =	vld [tilespmem:s29+$0xFFFFE300]  }
0x301: {  	v22 =	vld [tilespmem:s29+$0xFFFFE380]  }
0x302: {  	v23 =	vld [tilespmem:s29+$0x0]  }
0x303: {  	v29 =	vld [tilespmem:s29+$0x300]  }
0x304: {  	v24 =	vld [tilespmem:s29+$0x80]  }
0x305: {  	v25 =	vld [tilespmem:s29+$0x100]  }
0x306: {  	v26 =	vld [tilespmem:s29+$0x180]  }
0x307: {  	v27 =	vld [tilespmem:s29+$0x200]  }
0x308: {  	v28 =	vld [tilespmem:s29+$0x280];
	[tilespmem:$0x1FE20] =	vst v29  }
0x309: {  	v29 =	vld [tilespmem:s29+$0x380];
	_ =	sdelay $0x4  }
0x30a: {  	[tilespmem:$0x1FE30] =	vst v29  }
0x30b: {  	v31 =	vld [tilespmem:s29+$0xFFFFE010]  }
0x30c: {  	v32 =	vld [tilespmem:s29+$0xFFFFE090]  }
0x30d: {  	v33 =	vld [tilespmem:s29+$0xFFFFE110]  }
0x30e: {  	v34 =	vld [tilespmem:s29+$0xFFFFE190]  }
0x30f: {  	v35 =	vld [tilespmem:s29+$0xFFFFE210]  }
0x310: {  	v36 =	vld [tilespmem:s29+$0xFFFFE290]  }
0x311: {  	v37 =	vld [tilespmem:s29+$0xFFFFE310]  }
0x312: {  	v38 =	vld [tilespmem:s29+$0xFFFFE390]  }
0x313: {  	v39 =	vld [tilespmem:s29+$0x10]  }
0x314: {  	v40 =	vld [tilespmem:s29+$0x90]  }
0x315: {  	v41 =	vld [tilespmem:s29+$0x110]  }
0x316: {  	v42 =	vld [tilespmem:s29+$0x190]  }
0x317: {  	v43 =	vld [tilespmem:s29+$0x210]  }
0x318: {  	v44 =	vld [tilespmem:s29+$0x290]  }
0x319: {  	v45 =	vld [tilespmem:s29+$0x310]  }
0x31a: {  	v46 =	vld [tilespmem:s29+$0x390]  }
0x31b: {  	v47 =	vld [tilespmem:s29+$0xFFFFE020]  }
0x31c: {  	v48 =	vld [tilespmem:s29+$0xFFFFE0A0]  }
0x31d: {  	v49 =	vld [tilespmem:s29+$0xFFFFE120]  }
0x31e: {  	v50 =	vld [tilespmem:s29+$0xFFFFE1A0]  }
0x31f: {  	v51 =	vld [tilespmem:s29+$0xFFFFE220]  }
0x320: {  	v52 =	vld [tilespmem:s29+$0xFFFFE2A0]  }
0x321: {  	v53 =	vld [tilespmem:s29+$0xFFFFE320]  }
0x322: {  	v54 =	vld [tilespmem:s29+$0xFFFFE3A0]  }
0x323: {  	v55 =	vld [tilespmem:s29+$0x20]  }
0x324: {  	v56 =	vld [tilespmem:s29+$0xA0]  }
0x325: {  	v57 =	vld [tilespmem:s29+$0x120]  }
0x326: {  	v29 =	vld [tilespmem:s29+$0xFFFFE030]  }
0x327: {  	v58 =	vld [tilespmem:s29+$0x1A0]  }
0x328: {  	v59 =	vld [tilespmem:s29+$0x220]  }
0x329: {  	v60 =	vld [tilespmem:s29+$0x2A0]  }
0x32a: {  	v61 =	vld [tilespmem:s29+$0x320]  }
0x32b: {  	v62 =	vld [tilespmem:s29+$0x3A0];
	[tilespmem:$0x1FE40] =	vst v29  }
0x32c: {  	v30 =	vld [tilespmem:s29+$0xFFFFE130];
	_ =	sdelay $0x4  }
0x32d: {  	v29 =	vld [tilespmem:s29+$0xFFFFE0B0];
	[tilespmem:$0x1FE50] =	vst v30  }
0x32e: {  	v30 =	vld [tilespmem:s29+$0xFFFFE1B0];
	_ =	sdelay $0x4  }
0x32f: {  	[tilespmem:$0x1FE60] =	vst v30  }
0x330: {  	v30 =	vld [tilespmem:s29+$0xFFFFE230];
	_ =	sdelay $0x4  }
0x331: {  	[tilespmem:$0x1FE70] =	vst v30  }
0x332: {  	v30 =	vld [tilespmem:s29+$0xFFFFE2B0];
	_ =	sdelay $0x2  }
0x333: {  	v0 =	vadd.f32 v1, v0;
	v1 =	vadd.f32 v4, v2  }
0x334: {  	v4 =	vadd.f32 v6, v5;
	v5 =	vadd.f32 v8, v7  }
0x335: {  	v7 =	vadd.f32 v10, v9;
	v8 =	vadd.f32 v12, v11;
	[tilespmem:$0x1FE80] =	vst v30  }
0x336: {  	v0 =	vadd.f32 v1, v0;
	v1 =	vadd.f32 v5, v4;
	v30 =	vld [tilespmem:s29+$0xFFFFE330]  }
0x337: {  	v4 =	vadd.f32 v8, v7;
	v8 =	vadd.f32 v28, v27  }
0x338: {  	v41 =	vadd.f32 v42, v41;
	v42 =	vadd.f32 v44, v43  }
0x339: {  	v44 =	vld [tilespmem:$0x1FE20];
	v48 =	vadd.f32 v48, v47;
	v50 =	vadd.f32 v50, v49  }
0x33a: {  	v43 =	vadd.f32 v46, v45;
	v45 =	vld [tilespmem:$0x1FE30];
	v52 =	vadd.f32 v52, v51  }
0x33b: {  	v54 =	vadd.f32 v54, v53;
	v28 =	vadd.f32 v50, v48;
	v50 =	vld [tilespmem:$0x1FE40];
	[tilespmem:$0x1FE90] =	vst v30  }
0x33c: {  	v63 =	vld [tilespmem:s29+$0x30]  }
0x33d: {  	v47 =	vadd.f32 v54, v52;
	v52 =	vld [tilespmem:$0x1FE50]  }
0x33e: {  	v53 =	vld [tilespmem:$0x1FE60]  }
0x33f: {  	v56 =	vadd.f32 v56, v55;
	v55 =	vld [tilespmem:$0x1FE70]  }
0x340: {  	v30 =	vld [tilespmem:s29+$0xFFFFE3B0]  }
0x341: {  	[tilespmem:$0x1FEA0] =	vst v63;
	v63 =	vadd.f32 v58, v57;
	v57 =	vld [tilespmem:$0x1FE90]  }
0x342: {  	v2 =	vld [tilespmem:s29+$0xB0]  }
0x343: {  	v6 =	vld [tilespmem:s29+$0x130]  }
0x344: {  	v9 =	vld [tilespmem:s29+$0x1B0]  }
0x345: {  	v10 =	vadd.f32 v14, v13;
	v11 =	vadd.f32 v16, v15;
	v12 =	vld [tilespmem:s29+$0x230]  }
0x346: {  	v13 =	vld [tilespmem:s29+$0x2B0]  }
0x347: {  	v5 =	vadd.f32 v11, v10;
	v10 =	vld [tilespmem:s29+$0x330]  }
0x348: {  	v11 =	vld [tilespmem:s29+$0x3B0]  }
0x349: {  	v14 =	vld [tilespmem:s29+$0xFFFFE040]  }
0x34a: {  	v7 =	vadd.f32 v22, v21;
	v15 =	vld [tilespmem:s29+$0xFFFFE0C0]  }
0x34b: {  	v0 =	vadd.f32 v1, v0;
	v1 =	vadd.f32 v5, v4;
	v16 =	vld [tilespmem:s29+$0xFFFFE140]  }
0x34c: {  	v5 =	vadd.f32 v20, v19;
	v4 =	vadd.f32 v18, v17;
	v17 =	vld [tilespmem:s29+$0xFFFFE1C0]  }
0x34d: {  	v1 =	vadd.f32 v1, v0;
	v0 =	vadd.f32 v24, v23;
	v18 =	vld [tilespmem:s29+$0xFFFFE240]  }
0x34e: {  	v32 =	vadd.f32 v32, v31;
	v34 =	vadd.f32 v34, v33;
	v21 =	vld [tilespmem:s29+$0xFFFFE2C0]  }
0x34f: {  	v36 =	vadd.f32 v36, v35;
	v38 =	vadd.f32 v38, v37;
	v24 =	vld [tilespmem:s29+$0xFFFFE340]  }
0x350: {  	v5 =	vadd.f32 v7, v5;
	v7 =	vadd.f32 v26, v25;
	v25 =	vld [tilespmem:s29+$0xFFFFE3C0]  }
0x351: {  	v19 =	vadd.f32 v34, v32;
	v22 =	vadd.f32 v38, v36;
	v26 =	vld [tilespmem:s29+$0x40]  }
0x352: {  	v31 =	vld [tilespmem:s29+$0xC0]  }
0x353: {  	v19 =	vadd.f32 v22, v19;
	v22 =	vld [tilespmem:s29+$0x140]  }
0x354: {  	v27 =	vld [tilespmem:s29+$0x1C0]  }
0x355: {  	v34 =	vld [tilespmem:s29+$0x240]  }
0x356: {  	v35 =	vld [tilespmem:s29+$0x2C0]  }
0x357: {  	v36 =	vld [tilespmem:s29+$0x340]  }
0x358: {  	v40 =	vadd.f32 v40, v39;
	v39 =	vld [tilespmem:s29+$0x3C0]  }
0x359: {  	v46 =	vadd.f32 v43, v42;
	v42 =	vld [tilespmem:s29+$0xFFFFE050]  }
0x35a: {  	v20 =	vadd.f32 v41, v40;
	v23 =	vld [tilespmem:s29+$0xFFFFE0D0]  }
0x35b: {  	v38 =	vld [tilespmem:s29+$0xFFFFE150]  }
0x35c: {  	v20 =	vadd.f32 v46, v20;
	v46 =	vadd.f32 v62, v61;
	v51 =	vld [tilespmem:s29+$0xFFFFE1D0]  }
0x35d: {  	v32 =	vadd.f32 v45, v44;
	v45 =	vadd.f32 v60, v59;
	v54 =	vld [tilespmem:s29+$0xFFFFE250]  }
0x35e: {  	v19 =	vadd.f32 v20, v19;
	v20 =	vadd.f32 v47, v28;
	v59 =	vld [tilespmem:$0x1FEA0]  }
0x35f: {  	v28 =	vadd.f32 v29, v50;
	v37 =	vadd.f32 v53, v52;
	v58 =	vld [tilespmem:s29+$0xFFFFE2D0]  }
0x360: {  	v49 =	vadd.f32 v46, v45;
	v44 =	vld [tilespmem:s29+$0x350];
	v48 =	vadd.f32 v63, v56  }
0x361: {  	v28 =	vadd.f32 v37, v28;
	v50 =	vld [tilespmem:s29+$0xFFFFE160]  }
0x362: {  	v52 =	vld [tilespmem:s29+$0xFFFFE1E0];
	v33 =	vadd.f32 v49, v48;
	v30 =	vadd.f32 v30, v57  }
0x363: {  	v56 =	vld [tilespmem:$0x1FE80];
	v2 =	vadd.f32 v2, v59;
	v6 =	vadd.f32 v9, v6  }
0x364: {  	v47 =	vld [tilespmem:s29+$0x3D0];
	v12 =	vadd.f32 v13, v12;
	v10 =	vadd.f32 v11, v10  }
0x365: {  	v60 =	vld [tilespmem:s29+$0xFFFFE350];
	v13 =	vadd.f32 v33, v20;
	v33 =	vadd.f32 v31, v26  }
0x366: {  	v1 =	vmul.f32 $6.250000000e-02, v1;
	v62 =	vld [tilespmem:s29+$0xD0];
	v45 =	vadd.f32 v35, v34;
	v46 =	vadd.f32 v39, v36  }
0x367: {  	v63 =	vld [tilespmem:s29+$0x250];
	v51 =	vadd.f32 v51, v38;
	v53 =	vadd.f32 v58, v54  }
0x368: {  	[tilespmem:s26+$0x0] =	vst v1;
	v57 =	vld [tilespmem:s29+$0xFFFFE3E0];
	v1 =	vadd.f32 v52, v50;
	v41 =	vadd.f32 v56, v55  }
0x369: {  	v9 =	vld [tilespmem:s29+$0xFFFFE3D0];
	v55 =	vadd.f32 v47, v44;
	v2 =	vadd.f32 v6, v2  }
0x36a: {  	v11 =	vld [tilespmem:s29+$0x50];
	v6 =	vadd.f32 v10, v12;
	v12 =	vadd.f32 v15, v14  }
0x36b: {  	v56 =	vld [tilespmem:s29+$0xFFFFE360];
	v14 =	vadd.f32 v17, v16;
	v30 =	vadd.f32 v30, v41  }
0x36c: {  	v10 =	vld [tilespmem:s29+$0x150];
	v41 =	vadd.f32 v27, v22;
	v2 =	vadd.f32 v6, v2  }
0x36d: {  	v15 =	vld [tilespmem:s29+$0x1D0];
	v6 =	vadd.f32 v21, v18;
	v12 =	vadd.f32 v14, v12  }
0x36e: {  	v14 =	vadd.f32 v25, v24;
	v61 =	vadd.f32 v30, v28;
	v30 =	vld [tilespmem:s29+$0x2D0]  }
0x36f: {  	v48 =	vadd.f32 v46, v45;
	v18 =	vadd.f32 v41, v33  }
0x370: {  	v9 =	vadd.f32 v9, v60;
	v6 =	vadd.f32 v14, v6  }
0x371: {  	v49 =	vld [tilespmem:s29+$0xFFFFE0E0];
	v11 =	vadd.f32 v62, v11;
	v62 =	vadd.f32 v57, v56  }
0x372: {  	v54 =	vld [tilespmem:s29+$0xFFFFE260];
	v10 =	vadd.f32 v15, v10;
	v6 =	vadd.f32 v6, v12  }
0x373: {  	v15 =	vld [tilespmem:s29+$0xFFFFE2E0];
	v12 =	vadd.f32 v23, v42;
	v16 =	vadd.f32 v30, v63  }
0x374: {  	v14 =	vld [tilespmem:s29+$0xFFFFE060];
	v9 =	vadd.f32 v9, v53;
	v10 =	vadd.f32 v10, v11  }
0x375: {  	v58 =	vld [tilespmem:s29+$0x60];
	v12 =	vadd.f32 v51, v12;
	v11 =	vadd.f32 v55, v16  }
0x376: {  	v60 =	vld [tilespmem:s29+$0x160];
	v2 =	vadd.f32 v2, v61;
	v18 =	vadd.f32 v48, v18  }
0x377: {  	v59 =	vmul.f32 $6.250000000e-02, v19;
	v9 =	vadd.f32 v9, v12;
	v12 =	vld [tilespmem:s29+$0xE0];
	v10 =	vadd.f32 v11, v10  }
0x378: {  	v6 =	vadd.f32 v18, v6;
	v11 =	vmul.f32 $6.250000000e-02, v13;
	v13 =	vadd.f32 v15, v54;
	v15 =	vld [tilespmem:s29+$0x1E0]  }
0x379: {  	[tilespmem:s26+$0xFFFFFFA0] =	vst v59;
	v2 =	vmul.f32 $6.250000000e-02, v2;
	v14 =	vadd.f32 v49, v14;
	v61 =	vadd.f32 v10, v9;
	v9 =	vld [tilespmem:s29+$0x260]  }
0x37a: {  	v0 =	vadd.f32 v7, v0;
	v7 =	vadd.f32 v32, v8;
	[tilespmem:s26+$0xFFFFFFB0] =	vst v11;
	v11 =	vmul.f32 $6.250000000e-02, v6;
	v10 =	vld [tilespmem:s29+$0x2E0]  }
0x37b: {  	v8 =	vld [tilespmem:s29+$0x360];
	[tilespmem:s26+$0xFFFFFFC0] =	vst v2;
	v1 =	vadd.f32 v1, v14;
	v63 =	vadd.f32 v62, v13;
	v2 =	vmul.f32 $6.250000000e-02, v61  }
0x37c: {  	v6 =	vadd.f32 v7, v0;
	[tilespmem:s26+$0xFFFFFFD0] =	vst v11;
	v11 =	vadd.f32 v12, v58;
	v12 =	vld [tilespmem:s29+$0x3E0]  }
0x37d: {  	s28 =	simm.s32 $0x0;
	v13 =	vld [tilespmem:s29+$0xFFFFE000];
	v7 =	vadd.f32 v63, v1;
	s29 =	simm.s32 $0xAC00;
	v14 =	vadd.f32 v15, v60;
	[tilespmem:s26+$0xFFFFFFE0] =	vst v2  }
.LBB2_8:
0x37e: {  	v0 =	vld [tilespmem:s29+$0xFFFFE070]  }
0x37f: {  	v1 =	vld [tilespmem:s29+$0xFFFFE0F0];
	v2 =	vadd.f32 v10, v9;
	v9 =	vadd.f32 v14, v11  }
0x380: {  	v10 =	vld [tilespmem:s29+$0xFFFFE170]  }
0x381: {  	v11 =	vld [tilespmem:s29+$0xFFFFE1F0];
	v8 =	vadd.f32 v12, v8  }
0x382: {  	v12 =	vld [tilespmem:s29+$0xFFFFE270];
	v3 =	vadd.f32 v3, v13  }
0x383: {  	v13 =	vld [tilespmem:s29+$0xFFFFE2F0];
	v2 =	vadd.f32 v8, v2  }
0x384: {  	v8 =	vld [tilespmem:s29+$0xFFFFE370];
	v3 =	vadd.f32 v4, v3  }
0x385: {  	v4 =	vld [tilespmem:s29+$0xFFFFE3F0];
	v2 =	vadd.f32 v2, v9  }
0x386: {  	v9 =	vld [tilespmem:s29+$0x70];
	v3 =	vadd.f32 v5, v3  }
0x387: {  	v5 =	vld [tilespmem:s29+$0xF0];
	v2 =	vadd.f32 v2, v7  }
0x388: {  	v7 =	vld [tilespmem:s29+$0x170];
	v3 =	vadd.f32 v6, v3  }
0x389: {  	v6 =	vld [tilespmem:s29+$0x1F0];
	v2 =	vmul.f32 $6.250000000e-02, v2  }
0x38a: {  	v14 =	vld [tilespmem:s29+$0x270];
	v3 =	vmul.f32 $6.250000000e-02, v3  }
0x38b: {  	v15 =	vld [tilespmem:s29+$0x2F0];
	[tilespmem:s26+$0xFFFFFFF0] =	vst v2  }
0x38c: {  	v2 =	vld [tilespmem:s29+$0x370];
	[tilespmem:s26+$0xFFFFFF90] =	vst v3  }
0x38d: {  	s28 =	sadd.s32 $0x8, s28;
	v16 =	vld [tilespmem:s29+$0x3F0]  }
0x38e: {  	p1 =	slt.u32 s28, $0x38;
	v3 =	vld [tilespmem:s29+$0xFFFFE080]  }
0x38f: {  	v0 =	vadd.f32 v1, v0;
	v1 =	vadd.f32 v11, v10;
	v17 =	vld [tilespmem:s29+$0xFFFFE100]  }
0x390: {  	v11 =	vadd.f32 v13, v12;
	v4 =	vadd.f32 v4, v8;
	v10 =	vld [tilespmem:s29+$0xFFFFE180]  }
0x391: {  	v5 =	vadd.f32 v5, v9;
	v6 =	vadd.f32 v6, v7;
	v8 =	vld [tilespmem:s29+$0xFFFFE200]  }
0x392: {  	v9 =	vadd.f32 v15, v14;
	v7 =	vld [tilespmem:s29+$0xFFFFE280];
	v2 =	vadd.f32 v16, v2  }
0x393: {  	v0 =	vadd.f32 v1, v0;
	v1 =	vadd.f32 v4, v11;
	v12 =	vld [tilespmem:s29+$0xFFFFE300]  }
0x394: {  	v5 =	vadd.f32 v6, v5;
	v11 =	vld [tilespmem:s29+$0xFFFFE380];
	v2 =	vadd.f32 v2, v9  }
0x395: {  	v6 =	vld [tilespmem:s29+$0x0];
	v4 =	vadd.f32 v10, v17  }
0x396: {  	v0 =	vadd.f32 v1, v0;
	v9 =	vld [tilespmem:s29+$0x80];
	v1 =	vadd.f32 v2, v5  }
0x397: {  	v2 =	vld [tilespmem:s29+$0x100];
	v5 =	vadd.f32 v7, v8  }
0x398: {  	v7 =	vld [tilespmem:s29+$0x180];
	v0 =	vadd.f32 v1, v0  }
0x399: {  	v1 =	vld [tilespmem:s29+$0x200];
	v8 =	vadd.f32 v11, v12  }
0x39a: {  	v10 =	vld [tilespmem:s29+$0x280];
	v0 =	vmul.f32 $6.250000000e-02, v0  }
0x39b: {  	s26 =	sadd.s32 $0x400, s26;
	v11 =	vld [tilespmem:s29+$0x300];
	v6 =	vadd.f32 v9, v6;
	v5 =	vadd.f32 v8, v5  }
0x39c: {  	v8 =	vld [tilespmem:s29+$0x380];
	[tilespmem:s26+$0x0] =	vst v0  }
0x39d: {  	v0 =	vadd.f32 v7, v2;
	v2 =	vld [tilespmem:s29+$0xFFFFE010]  }
0x39e: {  	v7 =	vld [tilespmem:s29+$0xFFFFE090]  }
0x39f: {  	v1 =	vadd.f32 v10, v1;
	v0 =	vadd.f32 v0, v6;
	v9 =	vld [tilespmem:s29+$0xFFFFE110]  }
0x3a0: {  	v10 =	vld [tilespmem:s29+$0xFFFFE190]  }
0x3a1: {  	v6 =	vadd.f32 v8, v11;
	v8 =	vld [tilespmem:s29+$0xFFFFE210]  }
0x3a2: {  	v11 =	vld [tilespmem:s29+$0xFFFFE290]  }
0x3a3: {  	v1 =	vadd.f32 v6, v1;
	v12 =	vld [tilespmem:s29+$0xFFFFE310];
	v2 =	vadd.f32 v7, v2  }
0x3a4: {  	v7 =	vld [tilespmem:s29+$0xFFFFE390]  }
0x3a5: {  	v6 =	vadd.f32 v1, v0;
	v0 =	vld [tilespmem:s29+$0x10];
	v1 =	vadd.f32 v10, v9  }
0x3a6: {  	v9 =	vld [tilespmem:s29+$0x90]  }
0x3a7: {  	v10 =	vld [tilespmem:s29+$0x110];
	v8 =	vadd.f32 v11, v8;
	v1 =	vadd.f32 v1, v2  }
0x3a8: {  	v2 =	vld [tilespmem:s29+$0x190]  }
0x3a9: {  	v11 =	vld [tilespmem:s29+$0x210];
	v7 =	vadd.f32 v7, v12  }
0x3aa: {  	v12 =	vld [tilespmem:s29+$0x290]  }
0x3ab: {  	v13 =	vld [tilespmem:s29+$0x310];
	v0 =	vadd.f32 v9, v0;
	v7 =	vadd.f32 v7, v8  }
0x3ac: {  	v8 =	vld [tilespmem:s29+$0x390]  }
0x3ad: {  	v2 =	vadd.f32 v2, v10;
	v1 =	vadd.f32 v7, v1;
	v7 =	vld [tilespmem:s29+$0xFFFFE020]  }
0x3ae: {  	v9 =	vld [tilespmem:s29+$0xFFFFE0A0]  }
0x3af: {  	v10 =	vadd.f32 v12, v11;
	v0 =	vadd.f32 v2, v0;
	v2 =	vld [tilespmem:s29+$0xFFFFE120]  }
0x3b0: {  	v11 =	vld [tilespmem:s29+$0xFFFFE1A0]  }
0x3b1: {  	v8 =	vadd.f32 v8, v13;
	v12 =	vld [tilespmem:s29+$0xFFFFE220]  }
0x3b2: {  	v13 =	vld [tilespmem:s29+$0xFFFFE2A0]  }
0x3b3: {  	v8 =	vadd.f32 v8, v10;
	v10 =	vld [tilespmem:s29+$0xFFFFE320];
	v7 =	vadd.f32 v9, v7  }
0x3b4: {  	v9 =	vld [tilespmem:s29+$0xFFFFE3A0]  }
0x3b5: {  	v0 =	vadd.f32 v8, v0;
	v8 =	vld [tilespmem:s29+$0x20];
	v2 =	vadd.f32 v11, v2  }
0x3b6: {  	v11 =	vld [tilespmem:s29+$0xA0]  }
0x3b7: {  	v14 =	vld [tilespmem:s29+$0x120];
	v12 =	vadd.f32 v13, v12;
	v2 =	vadd.f32 v2, v7  }
0x3b8: {  	v0 =	vadd.f32 v0, v1;
	v1 =	vld [tilespmem:s29+$0x1A0]  }
0x3b9: {  	v7 =	vld [tilespmem:s29+$0x220];
	v9 =	vadd.f32 v9, v10  }
0x3ba: {  	v0 =	vmul.f32 $6.250000000e-02, v0;
	v10 =	vld [tilespmem:s29+$0x2A0]  }
0x3bb: {  	v13 =	vld [tilespmem:s29+$0x320];
	v8 =	vadd.f32 v11, v8;
	v9 =	vadd.f32 v9, v12  }
0x3bc: {  	[tilespmem:s26+$0xFFFFFFA0] =	vst v0;
	v0 =	vld [tilespmem:s29+$0x3A0]  }
0x3bd: {  	v1 =	vadd.f32 v1, v14;
	v2 =	vadd.f32 v9, v2;
	v9 =	vld [tilespmem:s29+$0xFFFFE030]  }
0x3be: {  	v11 =	vld [tilespmem:s29+$0xFFFFE0B0]  }
0x3bf: {  	v7 =	vadd.f32 v10, v7;
	v1 =	vadd.f32 v1, v8;
	v8 =	vld [tilespmem:s29+$0xFFFFE130]  }
0x3c0: {  	v10 =	vld [tilespmem:s29+$0xFFFFE1B0]  }
0x3c1: {  	v0 =	vadd.f32 v0, v13;
	v12 =	vld [tilespmem:s29+$0xFFFFE230]  }
0x3c2: {  	v13 =	vld [tilespmem:s29+$0xFFFFE2B0]  }
0x3c3: {  	v0 =	vadd.f32 v0, v7;
	v7 =	vld [tilespmem:s29+$0xFFFFE330];
	v9 =	vadd.f32 v11, v9  }
0x3c4: {  	v11 =	vld [tilespmem:s29+$0xFFFFE3B0]  }
0x3c5: {  	v0 =	vadd.f32 v0, v1;
	v1 =	vld [tilespmem:s29+$0x30];
	v8 =	vadd.f32 v10, v8  }
0x3c6: {  	v10 =	vld [tilespmem:s29+$0xB0]  }
0x3c7: {  	v14 =	vld [tilespmem:s29+$0x130];
	v12 =	vadd.f32 v13, v12;
	v8 =	vadd.f32 v8, v9  }
0x3c8: {  	v0 =	vadd.f32 v0, v2;
	v2 =	vld [tilespmem:s29+$0x1B0]  }
0x3c9: {  	v9 =	vld [tilespmem:s29+$0x230];
	v7 =	vadd.f32 v11, v7  }
0x3ca: {  	v0 =	vmul.f32 $6.250000000e-02, v0;
	v11 =	vld [tilespmem:s29+$0x2B0]  }
0x3cb: {  	v13 =	vld [tilespmem:s29+$0x330];
	v1 =	vadd.f32 v10, v1;
	v7 =	vadd.f32 v7, v12  }
0x3cc: {  	[tilespmem:s26+$0xFFFFFFB0] =	vst v0;
	v0 =	vld [tilespmem:s29+$0x3B0]  }
0x3cd: {  	v2 =	vadd.f32 v2, v14;
	v7 =	vadd.f32 v7, v8;
	v8 =	vld [tilespmem:s29+$0xFFFFE040]  }
0x3ce: {  	v10 =	vld [tilespmem:s29+$0xFFFFE0C0]  }
0x3cf: {  	v9 =	vadd.f32 v11, v9;
	v1 =	vadd.f32 v2, v1;
	v2 =	vld [tilespmem:s29+$0xFFFFE140]  }
0x3d0: {  	v11 =	vld [tilespmem:s29+$0xFFFFE1C0]  }
0x3d1: {  	v0 =	vadd.f32 v0, v13;
	v12 =	vld [tilespmem:s29+$0xFFFFE240]  }
0x3d2: {  	v13 =	vld [tilespmem:s29+$0xFFFFE2C0]  }
0x3d3: {  	v0 =	vadd.f32 v0, v9;
	v9 =	vld [tilespmem:s29+$0xFFFFE340];
	v8 =	vadd.f32 v10, v8  }
0x3d4: {  	v10 =	vld [tilespmem:s29+$0xFFFFE3C0]  }
0x3d5: {  	v0 =	vadd.f32 v0, v1;
	v1 =	vld [tilespmem:s29+$0x40];
	v2 =	vadd.f32 v11, v2  }
0x3d6: {  	v11 =	vld [tilespmem:s29+$0xC0]  }
0x3d7: {  	v14 =	vld [tilespmem:s29+$0x140];
	v12 =	vadd.f32 v13, v12;
	v2 =	vadd.f32 v2, v8  }
0x3d8: {  	v0 =	vadd.f32 v0, v7;
	v7 =	vld [tilespmem:s29+$0x1C0]  }
0x3d9: {  	v8 =	vld [tilespmem:s29+$0x240];
	v9 =	vadd.f32 v10, v9  }
0x3da: {  	v0 =	vmul.f32 $6.250000000e-02, v0;
	v10 =	vld [tilespmem:s29+$0x2C0]  }
0x3db: {  	v13 =	vld [tilespmem:s29+$0x340];
	v1 =	vadd.f32 v11, v1;
	v9 =	vadd.f32 v9, v12  }
0x3dc: {  	[tilespmem:s26+$0xFFFFFFC0] =	vst v0;
	v0 =	vld [tilespmem:s29+$0x3C0]  }
0x3dd: {  	v7 =	vadd.f32 v7, v14;
	v2 =	vadd.f32 v9, v2;
	v9 =	vld [tilespmem:s29+$0xFFFFE050]  }
0x3de: {  	v11 =	vld [tilespmem:s29+$0xFFFFE0D0]  }
0x3df: {  	v8 =	vadd.f32 v10, v8;
	v1 =	vadd.f32 v7, v1;
	v7 =	vld [tilespmem:s29+$0xFFFFE150]  }
0x3e0: {  	v10 =	vld [tilespmem:s29+$0xFFFFE1D0]  }
0x3e1: {  	v0 =	vadd.f32 v0, v13;
	v12 =	vld [tilespmem:s29+$0xFFFFE250]  }
0x3e2: {  	v13 =	vld [tilespmem:s29+$0xFFFFE2D0]  }
0x3e3: {  	v0 =	vadd.f32 v0, v8;
	v8 =	vld [tilespmem:s29+$0xFFFFE350];
	v9 =	vadd.f32 v11, v9  }
0x3e4: {  	v11 =	vld [tilespmem:s29+$0xFFFFE3D0]  }
0x3e5: {  	v0 =	vadd.f32 v0, v1;
	v1 =	vld [tilespmem:s29+$0x50];
	v7 =	vadd.f32 v10, v7  }
0x3e6: {  	v10 =	vld [tilespmem:s29+$0xD0]  }
0x3e7: {  	v14 =	vld [tilespmem:s29+$0x150];
	v12 =	vadd.f32 v13, v12;
	v7 =	vadd.f32 v7, v9  }
0x3e8: {  	v0 =	vadd.f32 v0, v2;
	v2 =	vld [tilespmem:s29+$0x1D0]  }
0x3e9: {  	v9 =	vld [tilespmem:s29+$0x250];
	v8 =	vadd.f32 v11, v8  }
0x3ea: {  	v0 =	vmul.f32 $6.250000000e-02, v0;
	v11 =	vld [tilespmem:s29+$0x2D0]  }
0x3eb: {  	v13 =	vld [tilespmem:s29+$0x350];
	v1 =	vadd.f32 v10, v1;
	v8 =	vadd.f32 v8, v12  }
0x3ec: {  	[tilespmem:s26+$0xFFFFFFD0] =	vst v0;
	v0 =	vld [tilespmem:s29+$0x3D0]  }
0x3ed: {  	v2 =	vadd.f32 v2, v14;
	v7 =	vadd.f32 v8, v7;
	v8 =	vld [tilespmem:s29+$0xFFFFE060]  }
0x3ee: {  	v10 =	vld [tilespmem:s29+$0xFFFFE0E0]  }
0x3ef: {  	v9 =	vadd.f32 v11, v9;
	v1 =	vadd.f32 v2, v1;
	v2 =	vld [tilespmem:s29+$0xFFFFE160]  }
0x3f0: {  	v11 =	vld [tilespmem:s29+$0xFFFFE1E0]  }
0x3f1: {  	v0 =	vadd.f32 v0, v13;
	v12 =	vld [tilespmem:s29+$0xFFFFE260]  }
0x3f2: {  	v13 =	vld [tilespmem:s29+$0xFFFFE2E0]  }
0x3f3: {  	v0 =	vadd.f32 v0, v9;
	v14 =	vld [tilespmem:s29+$0xFFFFE360];
	v8 =	vadd.f32 v10, v8  }
0x3f4: {  	v10 =	vld [tilespmem:s29+$0xFFFFE3E0]  }
0x3f5: {  	v0 =	vadd.f32 v0, v1;
	v1 =	vld [tilespmem:s29+$0x60];
	v2 =	vadd.f32 v11, v2  }
0x3f6: {  	v11 =	vld [tilespmem:s29+$0xE0]  }
0x3f7: {  	v15 =	vld [tilespmem:s29+$0x160];
	v12 =	vadd.f32 v13, v12;
	v2 =	vadd.f32 v2, v8  }
0x3f8: {  	v0 =	vadd.f32 v0, v7;
	v7 =	vld [tilespmem:s29+$0x1E0]  }
.Ltmp2:
0x3f9: {  	v9 =	vld [tilespmem:s29+$0x260];
	v13 =	vadd.f32 v10, v14;
	(pc) =	sbr.rel @p1 .LBB2_8-.Ltmp2, $4  }
0x3fa: {  	v0 =	vmul.f32 $6.250000000e-02, v0;
	v10 =	vld [tilespmem:s29+$0x2E0]  }
0x3fb: {  	v8 =	vld [tilespmem:s29+$0x360];
	v11 =	vadd.f32 v11, v1;
	v1 =	vadd.f32 v13, v12  }
0x3fc: {  	[tilespmem:s26+$0xFFFFFFE0] =	vst v0;
	v12 =	vld [tilespmem:s29+$0x3E0]  }
0x3fd: {  	v13 =	vld [tilespmem:s29+$0xFFFFE000];
	v14 =	vadd.f32 v7, v15;
	v7 =	vadd.f32 v1, v2;
	s29 =	sadd.s32 $0x400, s29  }
0x3fe: {  	_ =	sdelay $0x2  }
0x3ff: {  	v0 =	vadd.f32 v10, v9;
	v1 =	vadd.f32 v12, v8  }
0x400: {  	v2 =	vadd.f32 v3, v13  }
0x401: {  	v3 =	vadd.f32 v14, v11;
	v0 =	vadd.f32 v1, v0  }
0x402: {  	v1 =	vadd.f32 v4, v2  }
0x403: {  	v0 =	vadd.f32 v0, v3  }
0x404: {  	v1 =	vadd.f32 v5, v1  }
0x405: {  	v0 =	vadd.f32 v0, v7  }
0x406: {  	v1 =	vadd.f32 v6, v1  }
0x407: {  	v0 =	vmul.f32 $6.250000000e-02, v0  }
0x408: {  	v1 =	vmul.f32 $6.250000000e-02, v1  }
0x409: {  	s28 =	smin.u32 s25, $0x79;
	[tilespmem:s26+$0xFFFFFFF0] =	vst v0  }
0x40a: {  	s29 =	sshll.u32 s28, $0x4;
	[tilespmem:s26+$0xFFFFFF90] =	vst v1  }
0x40b: {  	v0 =	vld [tilespmem:s29+$0x60];
	_ =	sdelay $0x4  }
0x40c: {  	v1 =	vshll.u32 v0, $0x3  }
0x40d: {  	v0 =	vand.u32 $0x7, v0;
	v1 =	vand.u32 $0xFFFFFFC0, v1  }
0x40e: {  	v0 =	vor.u32 v0, v1;
	v1 =	vld [tilespmem:$0x1FFD0];
	_ =	sdelay $0x1  }
0x40f: {  	v2 =	vld [tilespmem:$0x1FFE0];
	_ =	sdelay $0x2  }
0x410: {  	v1 =	vperm.xlane v0, v1;
	_ =	sdelay $0x1  }
0x411: {  	v1 =	vadd.s32 v2, v1  }
0x412: {  	v3 =	vld [tilespmem:$0x1FFF0];
	_ =	sdelay $0x2  }
0x413: {  	s30 =	simm.s32 $0x8800  }
0x414: {  	[tilespmem:s30], [sflag:$0x3] =	stream.indirect_vreg.gather [hbm4b:s1+s3], $0x80, v1, vm0, $0xb8;
	[tilespmem:$0x14800] =	vst v63  }
0x415: {  	s29 =	simm.s32 $0x9000;
	v0 =	vperm.xlane v0, v3  }
0x416: {  	[tilespmem:s29], [sflag:$0x3] =	stream.indirect_vreg.gather [hbm4b:s5+s3], $0x80, v1, vm0, $0xb8;
	[tilespmem:$0x14800] =	vst v63  }
0x417: {  	v0 =	vadd.s32 v2, v0;
	s30 =	simm.s32 $0x9800  }
0x418: {  	[tilespmem:s30], [sflag:$0x3] =	stream.indirect_vreg.gather [hbm4b:s6+s3], $0x80, v1, vm0, $0xb8;
	[tilespmem:$0x14800] =	vst v63  }
0x419: {  	_ = 	snop  }
0x41a: {  	[tilespmem:s31], [sflag:$0x3] =	stream.indirect_vreg.gather [hbm4b:s7+s3], $0x80, v1, vm0, $0xb8;
	[tilespmem:$0x14800] =	vst v63  }
0x41b: {  	_ = 	snop  }
0x41c: {  	[tilespmem:s0], [sflag:$0x3] =	stream.indirect_vreg.gather [hbm4b:s1+s3], $0x80, v0, vm0, $0xb8;
	[tilespmem:$0x14800] =	vst v63  }
0x41d: {  	_ = 	snop  }
0x41e: {  	[tilespmem:s2], [sflag:$0x3] =	stream.indirect_vreg.gather [hbm4b:s5+s3], $0x80, v0, vm0, $0xb8;
	[tilespmem:$0x14800] =	vst v63  }
0x41f: {  	_ = 	snop  }
0x420: {  	[tilespmem:s4], [sflag:$0x3] =	stream.indirect_vreg.gather [hbm4b:s6+s3], $0x80, v0, vm0, $0xb8;
	[tilespmem:$0x14800] =	vst v63  }
0x421: {  	_ = 	snop  }
0x422: {  	[tilespmem:s9], [sflag:$0x3] =	stream.indirect_vreg.gather [hbm4b:s7+s3], $0x80, v0, vm0, $0xb8;
	[tilespmem:$0x14800] =	vst v63  }
0x423: {  	_ =	swait.ge [sflag:s20], $0x4000  }
0x424: {  	[sflag:s20] =	ssyncset.done $0x0  }
0x425: {  	s28 =	simm.s32 $0xE800;
	[sflag:s20] =	ssyncadd.s32 $0xFFFFC000  }
0x426: {  	v0 =	vld [tilespmem:s28+$0xFFFFE070]  }
0x427: {  	v1 =	vld [tilespmem:s28+$0xFFFFE0F0]  }
0x428: {  	v2 =	vld [tilespmem:s28+$0xFFFFE170]  }
0x429: {  	v4 =	vld [tilespmem:s28+$0xFFFFE1F0]  }
0x42a: {  	v5 =	vld [tilespmem:s28+$0xFFFFE270]  }
0x42b: {  	v6 =	vld [tilespmem:s28+$0xFFFFE2F0]  }
0x42c: {  	v7 =	vld [tilespmem:s28+$0xFFFFE370]  }
0x42d: {  	v8 =	vld [tilespmem:s28+$0xFFFFE3F0]  }
0x42e: {  	v9 =	vld [tilespmem:s28+$0x70]  }
0x42f: {  	v10 =	vld [tilespmem:s28+$0xF0]  }
0x430: {  	v11 =	vld [tilespmem:s28+$0x170]  }
0x431: {  	v12 =	vld [tilespmem:s28+$0x1F0]  }
0x432: {  	v13 =	vld [tilespmem:s28+$0x270]  }
0x433: {  	v14 =	vld [tilespmem:s28+$0x2F0]  }
0x434: {  	v15 =	vld [tilespmem:s28+$0x370]  }
0x435: {  	v16 =	vld [tilespmem:s28+$0x3F0]  }
0x436: {  	v3 =	vld [tilespmem:s28+$0xFFFFE080]  }
0x437: {  	v17 =	vld [tilespmem:s28+$0xFFFFE100]  }
0x438: {  	v18 =	vld [tilespmem:s28+$0xFFFFE180]  }
0x439: {  	v19 =	vld [tilespmem:s28+$0xFFFFE200]  }
0x43a: {  	v20 =	vld [tilespmem:s28+$0xFFFFE280]  }
0x43b: {  	v21 =	vld [tilespmem:s28+$0xFFFFE300]  }
0x43c: {  	v22 =	vld [tilespmem:s28+$0xFFFFE380]  }
0x43d: {  	v23 =	vld [tilespmem:s28+$0x0]  }
0x43e: {  	v29 =	vld [tilespmem:s28+$0x300]  }
0x43f: {  	v24 =	vld [tilespmem:s28+$0x80]  }
0x440: {  	v25 =	vld [tilespmem:s28+$0x100]  }
0x441: {  	v26 =	vld [tilespmem:s28+$0x180]  }
0x442: {  	v27 =	vld [tilespmem:s28+$0x200]  }
0x443: {  	v28 =	vld [tilespmem:s28+$0x280];
	[tilespmem:$0x1FD90] =	vst v29  }
0x444: {  	v29 =	vld [tilespmem:s28+$0x380];
	_ =	sdelay $0x4  }
0x445: {  	[tilespmem:$0x1FDA0] =	vst v29  }
0x446: {  	v31 =	vld [tilespmem:s28+$0xFFFFE010]  }
0x447: {  	v32 =	vld [tilespmem:s28+$0xFFFFE090]  }
0x448: {  	v33 =	vld [tilespmem:s28+$0xFFFFE110]  }
0x449: {  	v34 =	vld [tilespmem:s28+$0xFFFFE190]  }
0x44a: {  	v35 =	vld [tilespmem:s28+$0xFFFFE210]  }
0x44b: {  	v36 =	vld [tilespmem:s28+$0xFFFFE290]  }
0x44c: {  	v37 =	vld [tilespmem:s28+$0xFFFFE310]  }
0x44d: {  	v38 =	vld [tilespmem:s28+$0xFFFFE390]  }
0x44e: {  	v39 =	vld [tilespmem:s28+$0x10]  }
0x44f: {  	v40 =	vld [tilespmem:s28+$0x90]  }
0x450: {  	v41 =	vld [tilespmem:s28+$0x110]  }
0x451: {  	v42 =	vld [tilespmem:s28+$0x190]  }
0x452: {  	v43 =	vld [tilespmem:s28+$0x210]  }
0x453: {  	v44 =	vld [tilespmem:s28+$0x290]  }
0x454: {  	v45 =	vld [tilespmem:s28+$0x310]  }
0x455: {  	v46 =	vld [tilespmem:s28+$0x390]  }
0x456: {  	v47 =	vld [tilespmem:s28+$0xFFFFE020]  }
0x457: {  	v48 =	vld [tilespmem:s28+$0xFFFFE0A0]  }
0x458: {  	v49 =	vld [tilespmem:s28+$0xFFFFE120]  }
0x459: {  	v50 =	vld [tilespmem:s28+$0xFFFFE1A0]  }
0x45a: {  	v51 =	vld [tilespmem:s28+$0xFFFFE220]  }
0x45b: {  	v52 =	vld [tilespmem:s28+$0xFFFFE2A0]  }
0x45c: {  	v53 =	vld [tilespmem:s28+$0xFFFFE320]  }
0x45d: {  	v54 =	vld [tilespmem:s28+$0xFFFFE3A0]  }
0x45e: {  	v55 =	vld [tilespmem:s28+$0x20]  }
0x45f: {  	v56 =	vld [tilespmem:s28+$0xA0]  }
0x460: {  	v57 =	vld [tilespmem:s28+$0x120]  }
0x461: {  	v29 =	vld [tilespmem:s28+$0xFFFFE030]  }
0x462: {  	v58 =	vld [tilespmem:s28+$0x1A0]  }
0x463: {  	v59 =	vld [tilespmem:s28+$0x220]  }
0x464: {  	v60 =	vld [tilespmem:s28+$0x2A0]  }
0x465: {  	v61 =	vld [tilespmem:s28+$0x320]  }
0x466: {  	v62 =	vld [tilespmem:s28+$0x3A0];
	[tilespmem:$0x1FDB0] =	vst v29  }
0x467: {  	v30 =	vld [tilespmem:s28+$0xFFFFE130];
	_ =	sdelay $0x4  }
0x468: {  	v29 =	vld [tilespmem:s28+$0xFFFFE0B0];
	[tilespmem:$0x1FDC0] =	vst v30  }
0x469: {  	v30 =	vld [tilespmem:s28+$0xFFFFE1B0];
	_ =	sdelay $0x4  }
0x46a: {  	[tilespmem:$0x1FDD0] =	vst v30  }
0x46b: {  	v30 =	vld [tilespmem:s28+$0xFFFFE230];
	_ =	sdelay $0x4  }
0x46c: {  	[tilespmem:$0x1FDE0] =	vst v30  }
0x46d: {  	v30 =	vld [tilespmem:s28+$0xFFFFE2B0];
	_ =	sdelay $0x2  }
0x46e: {  	v0 =	vadd.f32 v1, v0;
	v1 =	vadd.f32 v4, v2  }
0x46f: {  	v4 =	vadd.f32 v6, v5;
	v5 =	vadd.f32 v8, v7  }
0x470: {  	v7 =	vadd.f32 v10, v9;
	v8 =	vadd.f32 v12, v11;
	[tilespmem:$0x1FDF0] =	vst v30  }
0x471: {  	v0 =	vadd.f32 v1, v0;
	v1 =	vadd.f32 v5, v4;
	v30 =	vld [tilespmem:s28+$0xFFFFE330]  }
0x472: {  	v4 =	vadd.f32 v8, v7;
	v8 =	vadd.f32 v28, v27  }
0x473: {  	v41 =	vadd.f32 v42, v41;
	v42 =	vadd.f32 v44, v43  }
0x474: {  	v44 =	vld [tilespmem:$0x1FD90];
	v48 =	vadd.f32 v48, v47;
	v50 =	vadd.f32 v50, v49  }
0x475: {  	v43 =	vadd.f32 v46, v45;
	v45 =	vld [tilespmem:$0x1FDA0];
	v52 =	vadd.f32 v52, v51  }
0x476: {  	v54 =	vadd.f32 v54, v53;
	v28 =	vadd.f32 v50, v48;
	v50 =	vld [tilespmem:$0x1FDB0];
	[tilespmem:$0x1FE00] =	vst v30  }
0x477: {  	v63 =	vld [tilespmem:s28+$0x30]  }
0x478: {  	v47 =	vadd.f32 v54, v52;
	v52 =	vld [tilespmem:$0x1FDC0]  }
0x479: {  	v53 =	vld [tilespmem:$0x1FDD0]  }
0x47a: {  	v56 =	vadd.f32 v56, v55;
	v55 =	vld [tilespmem:$0x1FDE0]  }
0x47b: {  	v30 =	vld [tilespmem:s28+$0xFFFFE3B0]  }
0x47c: {  	[tilespmem:$0x1FE10] =	vst v63;
	v63 =	vadd.f32 v58, v57;
	v57 =	vld [tilespmem:$0x1FE00]  }
0x47d: {  	v2 =	vld [tilespmem:s28+$0xB0]  }
0x47e: {  	v6 =	vld [tilespmem:s28+$0x130]  }
0x47f: {  	v9 =	vld [tilespmem:s28+$0x1B0]  }
0x480: {  	v10 =	vadd.f32 v14, v13;
	v11 =	vadd.f32 v16, v15;
	v12 =	vld [tilespmem:s28+$0x230]  }
0x481: {  	v13 =	vld [tilespmem:s28+$0x2B0]  }
0x482: {  	v5 =	vadd.f32 v11, v10;
	v10 =	vld [tilespmem:s28+$0x330]  }
0x483: {  	v11 =	vld [tilespmem:s28+$0x3B0]  }
0x484: {  	v14 =	vld [tilespmem:s28+$0xFFFFE040]  }
0x485: {  	v7 =	vadd.f32 v22, v21;
	v15 =	vld [tilespmem:s28+$0xFFFFE0C0]  }
0x486: {  	v0 =	vadd.f32 v1, v0;
	v1 =	vadd.f32 v5, v4;
	v16 =	vld [tilespmem:s28+$0xFFFFE140]  }
0x487: {  	v5 =	vadd.f32 v20, v19;
	v4 =	vadd.f32 v18, v17;
	v17 =	vld [tilespmem:s28+$0xFFFFE1C0]  }
0x488: {  	v1 =	vadd.f32 v1, v0;
	v0 =	vadd.f32 v24, v23;
	v18 =	vld [tilespmem:s28+$0xFFFFE240]  }
0x489: {  	v32 =	vadd.f32 v32, v31;
	v34 =	vadd.f32 v34, v33;
	v21 =	vld [tilespmem:s28+$0xFFFFE2C0]  }
0x48a: {  	v36 =	vadd.f32 v36, v35;
	v38 =	vadd.f32 v38, v37;
	v24 =	vld [tilespmem:s28+$0xFFFFE340]  }
0x48b: {  	v5 =	vadd.f32 v7, v5;
	v7 =	vadd.f32 v26, v25;
	v25 =	vld [tilespmem:s28+$0xFFFFE3C0]  }
0x48c: {  	v19 =	vadd.f32 v34, v32;
	v22 =	vadd.f32 v38, v36;
	v26 =	vld [tilespmem:s28+$0x40]  }
0x48d: {  	v31 =	vld [tilespmem:s28+$0xC0]  }
0x48e: {  	v19 =	vadd.f32 v22, v19;
	v22 =	vld [tilespmem:s28+$0x140]  }
0x48f: {  	v27 =	vld [tilespmem:s28+$0x1C0]  }
0x490: {  	v34 =	vld [tilespmem:s28+$0x240]  }
0x491: {  	v35 =	vld [tilespmem:s28+$0x2C0]  }
0x492: {  	v36 =	vld [tilespmem:s28+$0x340]  }
0x493: {  	v40 =	vadd.f32 v40, v39;
	v39 =	vld [tilespmem:s28+$0x3C0]  }
0x494: {  	v46 =	vadd.f32 v43, v42;
	v42 =	vld [tilespmem:s28+$0xFFFFE050]  }
0x495: {  	v20 =	vadd.f32 v41, v40;
	v23 =	vld [tilespmem:s28+$0xFFFFE0D0]  }
0x496: {  	v38 =	vld [tilespmem:s28+$0xFFFFE150]  }
0x497: {  	v20 =	vadd.f32 v46, v20;
	v46 =	vadd.f32 v62, v61;
	v51 =	vld [tilespmem:s28+$0xFFFFE1D0]  }
0x498: {  	v32 =	vadd.f32 v45, v44;
	v45 =	vadd.f32 v60, v59;
	v54 =	vld [tilespmem:s28+$0xFFFFE250]  }
0x499: {  	v19 =	vadd.f32 v20, v19;
	v20 =	vadd.f32 v47, v28;
	v59 =	vld [tilespmem:$0x1FE10]  }
0x49a: {  	v28 =	vadd.f32 v29, v50;
	v37 =	vadd.f32 v53, v52;
	v58 =	vld [tilespmem:s28+$0xFFFFE2D0]  }
0x49b: {  	v49 =	vadd.f32 v46, v45;
	v44 =	vld [tilespmem:s28+$0x350];
	v48 =	vadd.f32 v63, v56  }
0x49c: {  	v28 =	vadd.f32 v37, v28;
	v50 =	vld [tilespmem:s28+$0xFFFFE160]  }
0x49d: {  	v52 =	vld [tilespmem:s28+$0xFFFFE1E0];
	v33 =	vadd.f32 v49, v48;
	v30 =	vadd.f32 v30, v57  }
0x49e: {  	v56 =	vld [tilespmem:$0x1FDF0];
	v2 =	vadd.f32 v2, v59;
	v6 =	vadd.f32 v9, v6  }
0x49f: {  	v47 =	vld [tilespmem:s28+$0x3D0];
	v12 =	vadd.f32 v13, v12;
	v10 =	vadd.f32 v11, v10  }
0x4a0: {  	v60 =	vld [tilespmem:s28+$0xFFFFE350];
	v13 =	vadd.f32 v33, v20;
	v33 =	vadd.f32 v31, v26  }
0x4a1: {  	v1 =	vmul.f32 $6.250000000e-02, v1;
	v62 =	vld [tilespmem:s28+$0xD0];
	v45 =	vadd.f32 v35, v34;
	v46 =	vadd.f32 v39, v36  }
0x4a2: {  	v63 =	vld [tilespmem:s28+$0x250];
	v51 =	vadd.f32 v51, v38;
	v53 =	vadd.f32 v58, v54  }
0x4a3: {  	[tilespmem:s24+$0x0] =	vst v1;
	v57 =	vld [tilespmem:s28+$0xFFFFE3E0];
	v1 =	vadd.f32 v52, v50;
	v41 =	vadd.f32 v56, v55  }
0x4a4: {  	v9 =	vld [tilespmem:s28+$0xFFFFE3D0];
	v55 =	vadd.f32 v47, v44;
	v2 =	vadd.f32 v6, v2  }
0x4a5: {  	v11 =	vld [tilespmem:s28+$0x50];
	v6 =	vadd.f32 v10, v12;
	v12 =	vadd.f32 v15, v14  }
0x4a6: {  	v56 =	vld [tilespmem:s28+$0xFFFFE360];
	v14 =	vadd.f32 v17, v16;
	v30 =	vadd.f32 v30, v41  }
0x4a7: {  	v10 =	vld [tilespmem:s28+$0x150];
	v41 =	vadd.f32 v27, v22;
	v2 =	vadd.f32 v6, v2  }
0x4a8: {  	v15 =	vld [tilespmem:s28+$0x1D0];
	v6 =	vadd.f32 v21, v18;
	v12 =	vadd.f32 v14, v12  }
0x4a9: {  	v14 =	vadd.f32 v25, v24;
	v61 =	vadd.f32 v30, v28;
	v30 =	vld [tilespmem:s28+$0x2D0]  }
0x4aa: {  	v48 =	vadd.f32 v46, v45;
	v18 =	vadd.f32 v41, v33  }
0x4ab: {  	v9 =	vadd.f32 v9, v60;
	v6 =	vadd.f32 v14, v6  }
0x4ac: {  	v49 =	vld [tilespmem:s28+$0xFFFFE0E0];
	v11 =	vadd.f32 v62, v11;
	v62 =	vadd.f32 v57, v56  }
0x4ad: {  	v54 =	vld [tilespmem:s28+$0xFFFFE260];
	v10 =	vadd.f32 v15, v10;
	v6 =	vadd.f32 v6, v12  }
0x4ae: {  	v15 =	vld [tilespmem:s28+$0xFFFFE2E0];
	v12 =	vadd.f32 v23, v42;
	v16 =	vadd.f32 v30, v63  }
0x4af: {  	v14 =	vld [tilespmem:s28+$0xFFFFE060];
	v9 =	vadd.f32 v9, v53;
	v10 =	vadd.f32 v10, v11  }
0x4b0: {  	v58 =	vld [tilespmem:s28+$0x60];
	v12 =	vadd.f32 v51, v12;
	v11 =	vadd.f32 v55, v16  }
0x4b1: {  	v60 =	vld [tilespmem:s28+$0x160];
	v2 =	vadd.f32 v2, v61;
	v18 =	vadd.f32 v48, v18  }
0x4b2: {  	v59 =	vmul.f32 $6.250000000e-02, v19;
	v9 =	vadd.f32 v9, v12;
	v12 =	vld [tilespmem:s28+$0xE0];
	v10 =	vadd.f32 v11, v10  }
0x4b3: {  	v6 =	vadd.f32 v18, v6;
	v11 =	vmul.f32 $6.250000000e-02, v13;
	v13 =	vadd.f32 v15, v54;
	v15 =	vld [tilespmem:s28+$0x1E0]  }
0x4b4: {  	[tilespmem:s24+$0xFFFFFFA0] =	vst v59;
	v2 =	vmul.f32 $6.250000000e-02, v2;
	v14 =	vadd.f32 v49, v14;
	v61 =	vadd.f32 v10, v9;
	v9 =	vld [tilespmem:s28+$0x260]  }
0x4b5: {  	v0 =	vadd.f32 v7, v0;
	v7 =	vadd.f32 v32, v8;
	[tilespmem:s24+$0xFFFFFFB0] =	vst v11;
	v11 =	vmul.f32 $6.250000000e-02, v6;
	v10 =	vld [tilespmem:s28+$0x2E0]  }
0x4b6: {  	v8 =	vld [tilespmem:s28+$0x360];
	[tilespmem:s24+$0xFFFFFFC0] =	vst v2;
	v1 =	vadd.f32 v1, v14;
	v63 =	vadd.f32 v62, v13;
	v2 =	vmul.f32 $6.250000000e-02, v61  }
0x4b7: {  	v6 =	vadd.f32 v7, v0;
	[tilespmem:s24+$0xFFFFFFD0] =	vst v11;
	v11 =	vadd.f32 v12, v58;
	v12 =	vld [tilespmem:s28+$0x3E0]  }
0x4b8: {  	s26 =	simm.s32 $0x0;
	v13 =	vld [tilespmem:s28+$0xFFFFE000];
	v7 =	vadd.f32 v63, v1;
	s28 =	simm.s32 $0xEC00;
	v14 =	vadd.f32 v15, v60;
	[tilespmem:s24+$0xFFFFFFE0] =	vst v2  }
.LBB2_10:
0x4b9: {  	v0 =	vld [tilespmem:s28+$0xFFFFE070]  }
0x4ba: {  	v1 =	vld [tilespmem:s28+$0xFFFFE0F0];
	v2 =	vadd.f32 v10, v9;
	v9 =	vadd.f32 v14, v11  }
0x4bb: {  	v10 =	vld [tilespmem:s28+$0xFFFFE170]  }
0x4bc: {  	v11 =	vld [tilespmem:s28+$0xFFFFE1F0];
	v8 =	vadd.f32 v12, v8  }
0x4bd: {  	v12 =	vld [tilespmem:s28+$0xFFFFE270];
	v3 =	vadd.f32 v3, v13  }
0x4be: {  	v13 =	vld [tilespmem:s28+$0xFFFFE2F0];
	v2 =	vadd.f32 v8, v2  }
0x4bf: {  	v8 =	vld [tilespmem:s28+$0xFFFFE370];
	v3 =	vadd.f32 v4, v3  }
0x4c0: {  	v4 =	vld [tilespmem:s28+$0xFFFFE3F0];
	v2 =	vadd.f32 v2, v9  }
0x4c1: {  	v9 =	vld [tilespmem:s28+$0x70];
	v3 =	vadd.f32 v5, v3  }
0x4c2: {  	v5 =	vld [tilespmem:s28+$0xF0];
	v2 =	vadd.f32 v2, v7  }
0x4c3: {  	v7 =	vld [tilespmem:s28+$0x170];
	v3 =	vadd.f32 v6, v3  }
0x4c4: {  	v6 =	vld [tilespmem:s28+$0x1F0];
	v2 =	vmul.f32 $6.250000000e-02, v2  }
0x4c5: {  	v14 =	vld [tilespmem:s28+$0x270];
	v3 =	vmul.f32 $6.250000000e-02, v3  }
0x4c6: {  	v15 =	vld [tilespmem:s28+$0x2F0];
	[tilespmem:s24+$0xFFFFFFF0] =	vst v2  }
0x4c7: {  	v2 =	vld [tilespmem:s28+$0x370];
	[tilespmem:s24+$0xFFFFFF90] =	vst v3  }
0x4c8: {  	s26 =	sadd.s32 $0x8, s26;
	v16 =	vld [tilespmem:s28+$0x3F0]  }
0x4c9: {  	p1 =	slt.u32 s26, $0x38;
	v3 =	vld [tilespmem:s28+$0xFFFFE080]  }
0x4ca: {  	v0 =	vadd.f32 v1, v0;
	v1 =	vadd.f32 v11, v10;
	v17 =	vld [tilespmem:s28+$0xFFFFE100]  }
0x4cb: {  	v11 =	vadd.f32 v13, v12;
	v4 =	vadd.f32 v4, v8;
	v10 =	vld [tilespmem:s28+$0xFFFFE180]  }
0x4cc: {  	v5 =	vadd.f32 v5, v9;
	v6 =	vadd.f32 v6, v7;
	v8 =	vld [tilespmem:s28+$0xFFFFE200]  }
0x4cd: {  	v9 =	vadd.f32 v15, v14;
	v7 =	vld [tilespmem:s28+$0xFFFFE280];
	v2 =	vadd.f32 v16, v2  }
0x4ce: {  	v0 =	vadd.f32 v1, v0;
	v1 =	vadd.f32 v4, v11;
	v12 =	vld [tilespmem:s28+$0xFFFFE300]  }
0x4cf: {  	v5 =	vadd.f32 v6, v5;
	v11 =	vld [tilespmem:s28+$0xFFFFE380];
	v2 =	vadd.f32 v2, v9  }
0x4d0: {  	v6 =	vld [tilespmem:s28+$0x0];
	v4 =	vadd.f32 v10, v17  }
0x4d1: {  	v0 =	vadd.f32 v1, v0;
	v9 =	vld [tilespmem:s28+$0x80];
	v1 =	vadd.f32 v2, v5  }
0x4d2: {  	v2 =	vld [tilespmem:s28+$0x100];
	v5 =	vadd.f32 v7, v8  }
0x4d3: {  	v7 =	vld [tilespmem:s28+$0x180];
	v0 =	vadd.f32 v1, v0  }
0x4d4: {  	v1 =	vld [tilespmem:s28+$0x200];
	v8 =	vadd.f32 v11, v12  }
0x4d5: {  	v10 =	vld [tilespmem:s28+$0x280];
	v0 =	vmul.f32 $6.250000000e-02, v0  }
0x4d6: {  	s24 =	sadd.s32 $0x400, s24;
	v11 =	vld [tilespmem:s28+$0x300];
	v6 =	vadd.f32 v9, v6;
	v5 =	vadd.f32 v8, v5  }
0x4d7: {  	v8 =	vld [tilespmem:s28+$0x380];
	[tilespmem:s24+$0x0] =	vst v0  }
0x4d8: {  	v0 =	vadd.f32 v7, v2;
	v2 =	vld [tilespmem:s28+$0xFFFFE010]  }
0x4d9: {  	v7 =	vld [tilespmem:s28+$0xFFFFE090]  }
0x4da: {  	v1 =	vadd.f32 v10, v1;
	v0 =	vadd.f32 v0, v6;
	v9 =	vld [tilespmem:s28+$0xFFFFE110]  }
0x4db: {  	v10 =	vld [tilespmem:s28+$0xFFFFE190]  }
0x4dc: {  	v6 =	vadd.f32 v8, v11;
	v8 =	vld [tilespmem:s28+$0xFFFFE210]  }
0x4dd: {  	v11 =	vld [tilespmem:s28+$0xFFFFE290]  }
0x4de: {  	v1 =	vadd.f32 v6, v1;
	v12 =	vld [tilespmem:s28+$0xFFFFE310];
	v2 =	vadd.f32 v7, v2  }
0x4df: {  	v7 =	vld [tilespmem:s28+$0xFFFFE390]  }
0x4e0: {  	v6 =	vadd.f32 v1, v0;
	v0 =	vld [tilespmem:s28+$0x10];
	v1 =	vadd.f32 v10, v9  }
0x4e1: {  	v9 =	vld [tilespmem:s28+$0x90]  }
0x4e2: {  	v10 =	vld [tilespmem:s28+$0x110];
	v8 =	vadd.f32 v11, v8;
	v1 =	vadd.f32 v1, v2  }
0x4e3: {  	v2 =	vld [tilespmem:s28+$0x190]  }
0x4e4: {  	v11 =	vld [tilespmem:s28+$0x210];
	v7 =	vadd.f32 v7, v12  }
0x4e5: {  	v12 =	vld [tilespmem:s28+$0x290]  }
0x4e6: {  	v13 =	vld [tilespmem:s28+$0x310];
	v0 =	vadd.f32 v9, v0;
	v7 =	vadd.f32 v7, v8  }
0x4e7: {  	v8 =	vld [tilespmem:s28+$0x390]  }
0x4e8: {  	v2 =	vadd.f32 v2, v10;
	v1 =	vadd.f32 v7, v1;
	v7 =	vld [tilespmem:s28+$0xFFFFE020]  }
0x4e9: {  	v9 =	vld [tilespmem:s28+$0xFFFFE0A0]  }
0x4ea: {  	v10 =	vadd.f32 v12, v11;
	v0 =	vadd.f32 v2, v0;
	v2 =	vld [tilespmem:s28+$0xFFFFE120]  }
0x4eb: {  	v11 =	vld [tilespmem:s28+$0xFFFFE1A0]  }
0x4ec: {  	v8 =	vadd.f32 v8, v13;
	v12 =	vld [tilespmem:s28+$0xFFFFE220]  }
0x4ed: {  	v13 =	vld [tilespmem:s28+$0xFFFFE2A0]  }
0x4ee: {  	v8 =	vadd.f32 v8, v10;
	v10 =	vld [tilespmem:s28+$0xFFFFE320];
	v7 =	vadd.f32 v9, v7  }
0x4ef: {  	v9 =	vld [tilespmem:s28+$0xFFFFE3A0]  }
0x4f0: {  	v0 =	vadd.f32 v8, v0;
	v8 =	vld [tilespmem:s28+$0x20];
	v2 =	vadd.f32 v11, v2  }
0x4f1: {  	v11 =	vld [tilespmem:s28+$0xA0]  }
0x4f2: {  	v14 =	vld [tilespmem:s28+$0x120];
	v12 =	vadd.f32 v13, v12;
	v2 =	vadd.f32 v2, v7  }
0x4f3: {  	v0 =	vadd.f32 v0, v1;
	v1 =	vld [tilespmem:s28+$0x1A0]  }
0x4f4: {  	v7 =	vld [tilespmem:s28+$0x220];
	v9 =	vadd.f32 v9, v10  }
0x4f5: {  	v0 =	vmul.f32 $6.250000000e-02, v0;
	v10 =	vld [tilespmem:s28+$0x2A0]  }
0x4f6: {  	v13 =	vld [tilespmem:s28+$0x320];
	v8 =	vadd.f32 v11, v8;
	v9 =	vadd.f32 v9, v12  }
0x4f7: {  	[tilespmem:s24+$0xFFFFFFA0] =	vst v0;
	v0 =	vld [tilespmem:s28+$0x3A0]  }
0x4f8: {  	v1 =	vadd.f32 v1, v14;
	v2 =	vadd.f32 v9, v2;
	v9 =	vld [tilespmem:s28+$0xFFFFE030]  }
0x4f9: {  	v11 =	vld [tilespmem:s28+$0xFFFFE0B0]  }
0x4fa: {  	v7 =	vadd.f32 v10, v7;
	v1 =	vadd.f32 v1, v8;
	v8 =	vld [tilespmem:s28+$0xFFFFE130]  }
0x4fb: {  	v10 =	vld [tilespmem:s28+$0xFFFFE1B0]  }
0x4fc: {  	v0 =	vadd.f32 v0, v13;
	v12 =	vld [tilespmem:s28+$0xFFFFE230]  }
0x4fd: {  	v13 =	vld [tilespmem:s28+$0xFFFFE2B0]  }
0x4fe: {  	v0 =	vadd.f32 v0, v7;
	v7 =	vld [tilespmem:s28+$0xFFFFE330];
	v9 =	vadd.f32 v11, v9  }
0x4ff: {  	v11 =	vld [tilespmem:s28+$0xFFFFE3B0]  }
0x500: {  	v0 =	vadd.f32 v0, v1;
	v1 =	vld [tilespmem:s28+$0x30];
	v8 =	vadd.f32 v10, v8  }
0x501: {  	v10 =	vld [tilespmem:s28+$0xB0]  }
0x502: {  	v14 =	vld [tilespmem:s28+$0x130];
	v12 =	vadd.f32 v13, v12;
	v8 =	vadd.f32 v8, v9  }
0x503: {  	v0 =	vadd.f32 v0, v2;
	v2 =	vld [tilespmem:s28+$0x1B0]  }
0x504: {  	v9 =	vld [tilespmem:s28+$0x230];
	v7 =	vadd.f32 v11, v7  }
0x505: {  	v0 =	vmul.f32 $6.250000000e-02, v0;
	v11 =	vld [tilespmem:s28+$0x2B0]  }
0x506: {  	v13 =	vld [tilespmem:s28+$0x330];
	v1 =	vadd.f32 v10, v1;
	v7 =	vadd.f32 v7, v12  }
0x507: {  	[tilespmem:s24+$0xFFFFFFB0] =	vst v0;
	v0 =	vld [tilespmem:s28+$0x3B0]  }
0x508: {  	v2 =	vadd.f32 v2, v14;
	v7 =	vadd.f32 v7, v8;
	v8 =	vld [tilespmem:s28+$0xFFFFE040]  }
0x509: {  	v10 =	vld [tilespmem:s28+$0xFFFFE0C0]  }
0x50a: {  	v9 =	vadd.f32 v11, v9;
	v1 =	vadd.f32 v2, v1;
	v2 =	vld [tilespmem:s28+$0xFFFFE140]  }
0x50b: {  	v11 =	vld [tilespmem:s28+$0xFFFFE1C0]  }
0x50c: {  	v0 =	vadd.f32 v0, v13;
	v12 =	vld [tilespmem:s28+$0xFFFFE240]  }
0x50d: {  	v13 =	vld [tilespmem:s28+$0xFFFFE2C0]  }
0x50e: {  	v0 =	vadd.f32 v0, v9;
	v9 =	vld [tilespmem:s28+$0xFFFFE340];
	v8 =	vadd.f32 v10, v8  }
0x50f: {  	v10 =	vld [tilespmem:s28+$0xFFFFE3C0]  }
0x510: {  	v0 =	vadd.f32 v0, v1;
	v1 =	vld [tilespmem:s28+$0x40];
	v2 =	vadd.f32 v11, v2  }
0x511: {  	v11 =	vld [tilespmem:s28+$0xC0]  }
0x512: {  	v14 =	vld [tilespmem:s28+$0x140];
	v12 =	vadd.f32 v13, v12;
	v2 =	vadd.f32 v2, v8  }
0x513: {  	v0 =	vadd.f32 v0, v7;
	v7 =	vld [tilespmem:s28+$0x1C0]  }
0x514: {  	v8 =	vld [tilespmem:s28+$0x240];
	v9 =	vadd.f32 v10, v9  }
0x515: {  	v0 =	vmul.f32 $6.250000000e-02, v0;
	v10 =	vld [tilespmem:s28+$0x2C0]  }
0x516: {  	v13 =	vld [tilespmem:s28+$0x340];
	v1 =	vadd.f32 v11, v1;
	v9 =	vadd.f32 v9, v12  }
0x517: {  	[tilespmem:s24+$0xFFFFFFC0] =	vst v0;
	v0 =	vld [tilespmem:s28+$0x3C0]  }
0x518: {  	v7 =	vadd.f32 v7, v14;
	v2 =	vadd.f32 v9, v2;
	v9 =	vld [tilespmem:s28+$0xFFFFE050]  }
0x519: {  	v11 =	vld [tilespmem:s28+$0xFFFFE0D0]  }
0x51a: {  	v8 =	vadd.f32 v10, v8;
	v1 =	vadd.f32 v7, v1;
	v7 =	vld [tilespmem:s28+$0xFFFFE150]  }
0x51b: {  	v10 =	vld [tilespmem:s28+$0xFFFFE1D0]  }
0x51c: {  	v0 =	vadd.f32 v0, v13;
	v12 =	vld [tilespmem:s28+$0xFFFFE250]  }
0x51d: {  	v13 =	vld [tilespmem:s28+$0xFFFFE2D0]  }
0x51e: {  	v0 =	vadd.f32 v0, v8;
	v8 =	vld [tilespmem:s28+$0xFFFFE350];
	v9 =	vadd.f32 v11, v9  }
0x51f: {  	v11 =	vld [tilespmem:s28+$0xFFFFE3D0]  }
0x520: {  	v0 =	vadd.f32 v0, v1;
	v1 =	vld [tilespmem:s28+$0x50];
	v7 =	vadd.f32 v10, v7  }
0x521: {  	v10 =	vld [tilespmem:s28+$0xD0]  }
0x522: {  	v14 =	vld [tilespmem:s28+$0x150];
	v12 =	vadd.f32 v13, v12;
	v7 =	vadd.f32 v7, v9  }
0x523: {  	v0 =	vadd.f32 v0, v2;
	v2 =	vld [tilespmem:s28+$0x1D0]  }
0x524: {  	v9 =	vld [tilespmem:s28+$0x250];
	v8 =	vadd.f32 v11, v8  }
0x525: {  	v0 =	vmul.f32 $6.250000000e-02, v0;
	v11 =	vld [tilespmem:s28+$0x2D0]  }
0x526: {  	v13 =	vld [tilespmem:s28+$0x350];
	v1 =	vadd.f32 v10, v1;
	v8 =	vadd.f32 v8, v12  }
0x527: {  	[tilespmem:s24+$0xFFFFFFD0] =	vst v0;
	v0 =	vld [tilespmem:s28+$0x3D0]  }
0x528: {  	v2 =	vadd.f32 v2, v14;
	v7 =	vadd.f32 v8, v7;
	v8 =	vld [tilespmem:s28+$0xFFFFE060]  }
0x529: {  	v10 =	vld [tilespmem:s28+$0xFFFFE0E0]  }
0x52a: {  	v9 =	vadd.f32 v11, v9;
	v1 =	vadd.f32 v2, v1;
	v2 =	vld [tilespmem:s28+$0xFFFFE160]  }
0x52b: {  	v11 =	vld [tilespmem:s28+$0xFFFFE1E0]  }
0x52c: {  	v0 =	vadd.f32 v0, v13;
	v12 =	vld [tilespmem:s28+$0xFFFFE260]  }
0x52d: {  	v13 =	vld [tilespmem:s28+$0xFFFFE2E0]  }
0x52e: {  	v0 =	vadd.f32 v0, v9;
	v14 =	vld [tilespmem:s28+$0xFFFFE360];
	v8 =	vadd.f32 v10, v8  }
0x52f: {  	v10 =	vld [tilespmem:s28+$0xFFFFE3E0]  }
0x530: {  	v0 =	vadd.f32 v0, v1;
	v1 =	vld [tilespmem:s28+$0x60];
	v2 =	vadd.f32 v11, v2  }
0x531: {  	v11 =	vld [tilespmem:s28+$0xE0]  }
0x532: {  	v15 =	vld [tilespmem:s28+$0x160];
	v12 =	vadd.f32 v13, v12;
	v2 =	vadd.f32 v2, v8  }
0x533: {  	v0 =	vadd.f32 v0, v7;
	v7 =	vld [tilespmem:s28+$0x1E0]  }
.Ltmp3:
0x534: {  	v9 =	vld [tilespmem:s28+$0x260];
	v13 =	vadd.f32 v10, v14;
	(pc) =	sbr.rel @p1 .LBB2_10-.Ltmp3, $4  }
0x535: {  	v0 =	vmul.f32 $6.250000000e-02, v0;
	v10 =	vld [tilespmem:s28+$0x2E0]  }
0x536: {  	v8 =	vld [tilespmem:s28+$0x360];
	v11 =	vadd.f32 v11, v1;
	v1 =	vadd.f32 v13, v12  }
0x537: {  	[tilespmem:s24+$0xFFFFFFE0] =	vst v0;
	v12 =	vld [tilespmem:s28+$0x3E0]  }
0x538: {  	v13 =	vld [tilespmem:s28+$0xFFFFE000];
	v14 =	vadd.f32 v7, v15;
	v7 =	vadd.f32 v1, v2;
	s28 =	sadd.s32 $0x400, s28  }
0x539: {  	_ =	sdelay $0x2  }
0x53a: {  	v0 =	vadd.f32 v10, v9;
	v1 =	vadd.f32 v12, v8  }
0x53b: {  	v2 =	vadd.f32 v3, v13  }
0x53c: {  	v58 =	vadd.f32 v14, v11;
	v0 =	vadd.f32 v1, v0  }
0x53d: {  	v59 =	vadd.f32 v4, v2  }
0x53e: {  	v0 =	vadd.f32 v0, v58  }
0x53f: {  	v1 =	vadd.f32 v5, v59  }
0x540: {  	v0 =	vadd.f32 v0, v7  }
0x541: {  	v1 =	vadd.f32 v6, v1  }
0x542: {  	v0 =	vmul.f32 $6.250000000e-02, v0  }
0x543: {  	v1 =	vmul.f32 $6.250000000e-02, v1  }
0x544: {  	s25 =	smin.u32 s25, $0x78;
	[tilespmem:s24+$0xFFFFFFF0] =	vst v0  }
0x545: {  	s30 =	sshll.u32 s25, $0x4;
	[tilespmem:s24+$0xFFFFFF90] =	vst v1  }
0x546: {  	v0 =	vld [tilespmem:s30+$0x70];
	_ =	sdelay $0x2  }
0x547: {  	v61 =	vld [tilespmem:$0x1FFD0];
	_ =	sdelay $0x1  }
0x548: {  	v62 =	vld [tilespmem:$0x1FFE0];
	v60 =	vshll.u32 v0, $0x3  }
0x549: {  	v0 =	vand.u32 $0x7, v0;
	v1 =	vand.u32 $0xFFFFFFC0, v60  }
0x54a: {  	v0 =	vor.u32 v0, v1  }
0x54b: {  	v1 =	vperm.xlane v0, v61;
	_ =	sdelay $0x1  }
0x54c: {  	v1 =	vadd.s32 v62, v1  }
0x54d: {  	v63 =	vld [tilespmem:$0x1FFF0];
	_ =	sdelay $0x3  }
0x54e: {  	[tilespmem:s8], [sflag:$0x4] =	stream.indirect_vreg.gather [hbm4b:s1+s3], $0x80, v1, vm0, $0xb8;
	[tilespmem:$0x14800] =	vst v63  }
0x54f: {  	v0 =	vperm.xlane v0, v63  }
0x550: {  	[tilespmem:s10], [sflag:$0x4] =	stream.indirect_vreg.gather [hbm4b:s5+s3], $0x80, v1, vm0, $0xb8;
	[tilespmem:$0x14800] =	vst v63  }
0x551: {  	v0 =	vadd.s32 v62, v0  }
0x552: {  	[tilespmem:s11], [sflag:$0x4] =	stream.indirect_vreg.gather [hbm4b:s6+s3], $0x80, v1, vm0, $0xb8;
	[tilespmem:$0x14800] =	vst v63  }
0x553: {  	_ = 	snop  }
0x554: {  	[tilespmem:s12], [sflag:$0x4] =	stream.indirect_vreg.gather [hbm4b:s7+s3], $0x80, v1, vm0, $0xb8;
	[tilespmem:$0x14800] =	vst v63  }
0x555: {  	s23 =	sadd.s32 $0x1, s23  }
0x556: {  	[tilespmem:s13], [sflag:$0x4] =	stream.indirect_vreg.gather [hbm4b:s1+s3], $0x80, v0, vm0, $0xb8;
	[tilespmem:$0x14800] =	vst v63  }
0x557: {  	p1 =	sne.s32 s23, $0x4  }
0x558: {  	[tilespmem:s14], [sflag:$0x4] =	stream.indirect_vreg.gather [hbm4b:s5+s3], $0x80, v0, vm0, $0xb8;
	[tilespmem:$0x14800] =	vst v63  }
.Ltmp4:
0x559: {  	_ = 	snop;
	(pc) =	sbr.rel @p1 .LBB2_3-.Ltmp4, $4  }
0x55a: {  	_ = 	snop  }
0x55b: {  	[tilespmem:s15], [sflag:$0x4] =	stream.indirect_vreg.gather [hbm4b:s6+s3], $0x80, v0, vm0, $0xb8;
	[tilespmem:$0x14800] =	vst v63  }
0x55c: {  	s22 =	sadd.s32 $0x1000, s22;
	p0 =	por !p0, !p0  }
0x55d: {  	[tilespmem:s16], [sflag:$0x4] =	stream.indirect_vreg.gather [hbm4b:s7+s3], $0x80, v0, vm0, $0xb8;
	[tilespmem:$0x14800] =	vst v63  }
0x55e: {  	s23 =	rddreg [dreg:$0x8]  }
0x55f: {  	s21 =	sshll.u32 s23, $0xB;
	s23 =	sadd.s32 $0x1, s23  }
0x560: {  	s22 =	rddreg [dreg:$0x5];
	s29 =	simm.s32 $0x10800;
	p0 =	sne.s32 s23, $0x8  }
.Ltmp5:
0x561: {  	s30 =	simm.s32 $0x5;
	s21 =	sadd.s32 s21, s22;
	(pc) =	sbr.rel @p0 .LBB2_2-.Ltmp5, $4  }
0x562: {  	[hbm4b:s21+s3] =	stream.linear.scatter [tilespmem:s29], [sflag:$0x5], $0x4000, $0x38;
	[tilespmem:$0x14800] =	vst v63  }
0x563: {  	_ =	swait.ge [sflag:s30], $0x4000  }
0x564: {  	[sflag:s30] =	ssyncset.done $0x0  }
0x565: {  	[sflag:s30] =	ssyncadd.s32 $0xFFFFC000  }
0x566: {  	_ =	swait.ge [sflag:s17], $0x4000  }
0x567: {  	[sflag:s17] =	ssyncset.done $0x0  }
0x568: {  	[sflag:s17] =	ssyncadd.s32 $0xFFFFC000  }
0x569: {  	_ =	swait.ge [sflag:s18], $0x4000  }
0x56a: {  	[sflag:s18] =	ssyncset.done $0x0  }
0x56b: {  	[sflag:s18] =	ssyncadd.s32 $0xFFFFC000  }
0x56c: {  	_ =	swait.ge [sflag:s19], $0x4000  }
0x56d: {  	[sflag:s19] =	ssyncset.done $0x0  }
0x56e: {  	[sflag:s19] =	ssyncadd.s32 $0xFFFFC000  }
0x56f: {  	_ =	swait.ge [sflag:s20], $0x4000  }
0x570: {  	s22 =	rddreg [dreg:$0x7]  }
0x571: {  	s21 =	rddreg [dreg:$0x6];
	s22 =	sadd.s32 $0x1, s22  }
0x572: {  	p0 =	sne.s32 s22, s21  }
.Ltmp6:
0x573: {  	_ = 	snop;
	(pc) =	sbr.rel @p0 .LBB2_1-.Ltmp6, $3  }
0x574: {  	_ =	sdelay $0x1  }
0x575: {  	[sflag:s20] =	ssyncset.done $0x0  }
0x576: {  	[sflag:s20] =	ssyncadd.s32 $0xFFFFC000  }
0x577: {  	_ =	sfence.sel $0x180000  }
0x578: {  	[bflag:$0x0] =	sbarrier.arrive $0xFFFF  }
0x579: {  	_ =	strace $0x90000047  }
0x57a: {  	s0 =	stileid.u32;
	[bflag:$0x2] =	sbarrier.arrive $0xFFFF  }
0x57b: {  	p0 =	sne.s32 s0, $0x0;
	s0 =	rddreg [dreg:$0x3]  }
0x57c: {  	s0 =	sadd.s32 @!p0 $0x100000, s0  }
0x57d: {  	[sflag:s0] =	ssyncadd.tile.s32 @!p0 $0x1;
	_ =	shalt  }
.Lfunc_end2:
_tile_overlayer_lowered:
.L_overlay_start_2:
0x57e: {  	(tag) =	ssettag $0x2  }
0x57f: {  	s0 =	rddreg [dreg:$0x0];
	s2 =	stileid.u32  }
0x580: {  	s1 =	rddreg [dreg:$0x1];
	p0 =	sne.s32 s2, $0x0  }
0x581: {  	s3 =	rddreg [dreg:$0x2];
	[bflag:$0x3] =	sbarrier.arrive $0xFFFF;
	s2 =	simm.s32 @!p0 $0x1C05  }
0x582: {  	[timem:s3], [sflag:s2] =	dma.local @!p0 [hbm:s0], s1  }
0x583: {  	s0 =	simm.s32 @!p0 $0x5  }
0x584: {  	_ =	swait.ge @!p0 [sflag:s0], s1  }
0x585: {  	s1 =	ssub.s32 @!p0 $0x0, s1;
	[sflag:s0] =	ssyncset.done @!p0 $0x0  }
0x586: {  	[sflag:s0] =	ssyncadd.s32 @!p0 s1  }
0x587: {  	[bflag:$0x3] =	sbarrier.arrive $0xFFFF  }
0x588: {  	_ =	shalt  }

</sc_bundles>
